<compile_context>
chip_gen: v7x
topology: tpu7x:2x2x1
jax: 0.10.2.dev20260603
libtpu: 0.0.44.dev20260713+nightly
codegen_flags: <defaults>
</compile_context>

<pallas_src>
import functools

import jax
import jax.numpy as jnp
from jax import lax
from jax.experimental import pallas as pl
from jax.experimental.pallas import tpu as pltpu
from jax.experimental.pallas import tpu_sc as plsc

EPS = 1e-5
TILE = 128


def _prep_body(x_ref, w_ref, o_ref, ob_ref):
    p = jnp.dot(x_ref[...], w_ref[...], preferred_element_type=jnp.float32)
    o_ref[...] = p
    ob_ref[...] = p.astype(jnp.bfloat16)


def _prep(x, w1xt):
    n, d = x.shape
    blk = 1000
    return pl.pallas_call(
        _prep_body,
        grid=(n // blk,),
        in_specs=[pl.BlockSpec((blk, d), lambda i: (i, 0)),
                  pl.BlockSpec(w1xt.shape, lambda i: (0, 0))],
        out_specs=[pl.BlockSpec((blk, 128), lambda i: (i, 0)),
                   pl.BlockSpec((blk, 128), lambda i: (i, 0))],
        out_shape=[jax.ShapeDtypeStruct((n, 128), jnp.float32),
                   jax.ShapeDtypeStruct((n, 128), jnp.bfloat16)],
    )(x, w1xt)


def _sc_gather(p0, col, ea, n_edges, n_pad):
    info = plsc.get_sparse_core_info()
    nc, ns = info.num_cores, info.num_subcores
    nw = nc * ns
    nt = n_edges // TILE
    iters = (nt + nw - 1) // nw
    rows_per_tile = n_pad // ns
    sub = 128
    nsub = rows_per_tile // sub
    mesh = plsc.VectorSubcoreMesh(core_axis_name="c", subcore_axis_name="s")

    @functools.partial(
        pl.kernel, mesh=mesh,
        compiler_params=pltpu.CompilerParams(use_tc_tiling_on_sc=False),
        out_type=(jax.ShapeDtypeStruct((n_edges, 128), jnp.bfloat16),
                  jax.ShapeDtypeStruct((nc * n_pad, 16), jnp.float32),
                  jax.ShapeDtypeStruct((nc * n_pad, 16), jnp.float32)),
        scratch_types=[
            pltpu.VMEM((TILE,), jnp.int32),
            pltpu.VMEM((TILE,), jnp.int32),
            pltpu.VMEM((TILE,), jnp.int32),
            pltpu.VMEM((TILE, 128), jnp.bfloat16),
            pltpu.VMEM((TILE, 128), jnp.bfloat16),
            pltpu.VMEM((TILE, 16), jnp.float32),
            pltpu.VMEM((TILE, 16), jnp.float32),
            pltpu.VMEM((TILE, 16), jnp.float32),
            pltpu.VMEM((sub, 16), jnp.float32),
            pltpu.VMEM_SHARED((n_pad, 16), jnp.float32),
            pltpu.VMEM_SHARED((n_pad, 16), jnp.float32),
            pltpu.SemaphoreType.DMA,
            pltpu.SemaphoreType.DMA,
            pltpu.SemaphoreType.DMA,
            pltpu.SemaphoreType.DMA,
        ],
    )
    def k(p0_hbm, col_hbm, ea_hbm, out_hbm, cnt_out, aseg_out,
          idx0_v, idx1_v, ramp_v, rows0_v, rows1_v, eab0_v, eab1_v,
          ones_v, zb_v, cnt_sh, aseg_sh, semL0, semL1, semG0, semG1):
        cid = lax.axis_index("c")
        sid = lax.axis_index("s")
        wid = sid * nc + cid

        zeros16 = jnp.zeros((16,), jnp.float32)
        ones16 = jnp.ones((16,), jnp.float32)
        iota16 = lax.iota(jnp.int32, 16)

        def zr(i, carry):
            zb_v[i, :] = zeros16
            return carry

        lax.fori_loop(0, sub, zr, 0)

        def orow(i, carry):
            ones_v[i, :] = ones16
            return carry

        lax.fori_loop(0, TILE, orow, 0)

        def set_ramp(r0):
            def rg(g, carry):
                ramp_v[pl.ds(g * 16, 16)] = iota16 + (r0 + g * 16)
                return carry

            lax.fori_loop(0, TILE // 16, rg, 0)

        def zs(kk, carry):
            r0 = sid * rows_per_tile + kk * sub
            set_ramp(r0)
            pltpu.sync_copy(zb_v, cnt_sh.at[ramp_v])
            pltpu.sync_copy(zb_v, aseg_sh.at[ramp_v])
            return carry

        lax.fori_loop(0, nsub, zs, 0)
        plsc.subcore_barrier()

        bufs = ((idx0_v, rows0_v, eab0_v, semL0, semG0),
                (idx1_v, rows1_v, eab1_v, semL1, semG1))

        def issue_loads(i, b):
            idx_b, _, ea_b, semL_b, _ = bufs[b]
            t = wid + i * nw

            @pl.when(t < nt)
            def _():
                base = t * TILE
                pltpu.async_copy(col_hbm.at[pl.ds(base, TILE)], idx_b, semL_b)
                pltpu.async_copy(ea_hbm.at[pl.ds(base, TILE)], ea_b, semL_b)

        def drain_loads(i, b):
            idx_b, _, ea_b, semL_b, _ = bufs[b]
            t = wid + i * nw

            @pl.when(t < nt)
            def _():
                base = t * TILE
                pltpu.make_async_copy(
                    col_hbm.at[pl.ds(base, TILE)], idx_b, semL_b).wait()
                pltpu.make_async_copy(
                    ea_hbm.at[pl.ds(base, TILE)], ea_b, semL_b).wait()

        def issue_gather(i, b):
            idx_b, rows_b, _, _, semG_b = bufs[b]
            t = wid + i * nw

            @pl.when(t < nt)
            def _():
                pltpu.async_copy(p0_hbm.at[idx_b], rows_b, semG_b)

        def process(i, b):
            idx_b, rows_b, ea_b, _, semG_b = bufs[b]
            t = wid + i * nw

            @pl.when((t >= 0) & (t < nt))
            def _():
                base = t * TILE
                pltpu.make_async_copy(
                    p0_hbm.at[idx_b], rows_b, semG_b).wait()
                pltpu.sync_copy(rows_b, out_hbm.at[pl.ds(base, TILE)])
                pltpu.sync_copy(ea_b, aseg_sh.at[idx_b], add=True)
                pltpu.sync_copy(ones_v, cnt_sh.at[idx_b], add=True)

        issue_loads(0, 0)

        def body(step, carry):
            for b in (0, 1):
                i = 2 * step + b
                drain_loads(i, b)
                issue_gather(i, b)
                process(i - 1, 1 - b)
                issue_loads(i + 1, 1 - b)
            return carry

        pairs = (iters + 1) // 2
        lax.fori_loop(0, pairs, body, 0)
        process(2 * pairs - 1, 1)
        plsc.subcore_barrier()

        def wout(kk, carry):
            r0 = sid * rows_per_tile + kk * sub
            set_ramp(r0)
            pltpu.sync_copy(cnt_sh.at[ramp_v], zb_v)
            pltpu.sync_copy(zb_v, cnt_out.at[pl.ds(cid * n_pad + r0, sub)])
            pltpu.sync_copy(aseg_sh.at[ramp_v], zb_v)
            pltpu.sync_copy(zb_v, aseg_out.at[pl.ds(cid * n_pad + r0, sub)])
            return carry

        lax.fori_loop(0, nsub, wout, 0)

    return k(p0, col, ea)


def _eastats_body(a_ref, o_ref, s_acc, g_acc):
    i = pl.program_id(0)

    @pl.when(i == 0)
    def _():
        s_acc[...] = jnp.zeros_like(s_acc)
        g_acc[...] = jnp.zeros_like(g_acc)

    a = a_ref[...]
    s_acc[...] += jnp.sum(a, axis=0, keepdims=True)
    g_acc[...] += jnp.dot(a.T, a, preferred_element_type=jnp.float32)

    @pl.when(i == pl.num_programs(0) - 1)
    def _():
        o_ref[0:1, :] = s_acc[...]
        o_ref[1:17, :] = g_acc[...]


def _eastats(ea, be):
    e = ea.shape[0]
    return pl.pallas_call(
        _eastats_body,
        grid=(e // be,),
        in_specs=[pl.BlockSpec((be, 16), lambda i: (i, 0))],
        out_specs=pl.BlockSpec((17, 16), lambda i: (0, 0)),
        out_shape=jax.ShapeDtypeStruct((17, 16), jnp.float32),
        scratch_shapes=[pltpu.VMEM((1, 16), jnp.float32),
                        pltpu.VMEM((16, 16), jnp.float32)],
    )(ea)


def _comb_body(p_ref, cnt_ref, aseg_ref, eas_ref, w1a_ref, o_ref,
               *, n, n_pad):
    cnt = cnt_ref[0:n, 0:1] + cnt_ref[n_pad:n_pad + n, 0:1]
    aseg = aseg_ref[0:n, :] + aseg_ref[n_pad:n_pad + n, :]
    p0 = p_ref[...]
    w1a = w1a_ref[...]
    sa = eas_ref[0:1, :]
    gaa = eas_ref[1:17, :]
    b = jnp.dot(aseg, w1a, preferred_element_type=jnp.float32)
    s1 = (jnp.sum(cnt * p0, axis=0, keepdims=True)
          + jnp.dot(sa, w1a, preferred_element_type=jnp.float32))
    q1 = (jnp.sum(cnt * p0 * p0, axis=0, keepdims=True)
          + 2.0 * jnp.sum(p0 * b, axis=0, keepdims=True)
          + jnp.sum(w1a * jnp.dot(gaa, w1a,
                                  preferred_element_type=jnp.float32),
                    axis=0, keepdims=True))
    o_ref[0:1, :] = s1
    o_ref[1:2, :] = q1


def _comb(p0, cnt2, aseg2, eas, w1at, n_pad):
    n = p0.shape[0]
    return pl.pallas_call(
        functools.partial(_comb_body, n=n, n_pad=n_pad),
        in_specs=[pl.BlockSpec(p0.shape, lambda: (0, 0)),
                  pl.BlockSpec(cnt2.shape, lambda: (0, 0)),
                  pl.BlockSpec(aseg2.shape, lambda: (0, 0)),
                  pl.BlockSpec(eas.shape, lambda: (0, 0)),
                  pl.BlockSpec(w1at.shape, lambda: (0, 0))],
        out_specs=pl.BlockSpec((2, 128), lambda: (0, 0)),
        out_shape=jax.ShapeDtypeStruct((2, 128), jnp.float32),
    )(p0, cnt2, aseg2, eas, w1at)


def _pass2_body(p_ref, a_ref, w1a_ref, w2_ref, s1_ref, gb1_ref,
                y2a_ref, y2b_ref, o_ref, s_acc, q_acc, *, n_edges):
    i = pl.program_id(0)

    @pl.when(i == 0)
    def _():
        s_acc[...] = jnp.zeros_like(s_acc)
        q_acc[...] = jnp.zeros_like(q_acc)

    m1 = s1_ref[0:1, :] / n_edges
    v1 = s1_ref[1:2, :] / n_edges - m1 * m1
    a1 = gb1_ref[0:1, :] * lax.rsqrt(v1 + EPS)
    c1 = gb1_ref[1:2, :] - m1 * a1
    y1 = (p_ref[...].astype(jnp.float32)
          + jnp.dot(a_ref[...], w1a_ref[...],
                    preferred_element_type=jnp.float32))
    z1 = jnp.maximum(y1 * a1 + c1, 0.0)
    y2 = jnp.dot(z1, w2_ref[...], preferred_element_type=jnp.float32)
    y2a_ref[...] = y2[:, 0:64]
    y2b_ref[...] = y2[:, 64:128]
    s_acc[...] += jnp.sum(y2, axis=0, keepdims=True)
    q_acc[...] += jnp.sum(y2 * y2, axis=0, keepdims=True)

    @pl.when(i == pl.num_programs(0) - 1)
    def _():
        o_ref[0:1, :] = s_acc[...]
        o_ref[1:2, :] = q_acc[...]


def _pass2(p0g, ea, w1at, w2t, s1q1, gb1, be):
    e = p0g.shape[0]
    return pl.pallas_call(
        functools.partial(_pass2_body, n_edges=float(e)),
        grid=(e // be,),
        in_specs=[pl.BlockSpec((be, 128), lambda i: (i, 0)),
                  pl.BlockSpec((be, 16), lambda i: (i, 0)),
                  pl.BlockSpec((16, 128), lambda i: (0, 0)),
                  pl.BlockSpec((128, 128), lambda i: (0, 0)),
                  pl.BlockSpec((2, 128), lambda i: (0, 0)),
                  pl.BlockSpec((2, 128), lambda i: (0, 0))],
        out_specs=[pl.BlockSpec((be, 64), lambda i: (i, 0)),
                   pl.BlockSpec((be, 64), lambda i: (i, 0)),
                   pl.BlockSpec((2, 128), lambda i: (0, 0))],
        out_shape=[jax.ShapeDtypeStruct((e, 64), jnp.float32),
                   jax.ShapeDtypeStruct((e, 64), jnp.float32),
                   jax.ShapeDtypeStruct((2, 128), jnp.float32)],
        scratch_shapes=[pltpu.VMEM((1, 128), jnp.float32),
                        pltpu.VMEM((1, 128), jnp.float32)],
    )(p0g, ea, w1at, w2t, s1q1, gb1)


def _sc_scatter(y2a, y2b, row, n_pad):
    info = plsc.get_sparse_core_info()
    nc, ns = info.num_cores, info.num_subcores
    n_edges = y2a.shape[0]
    nt = n_edges // TILE
    iters = (nt + ns - 1) // ns
    rows_per_tile = n_pad // ns
    sub = 128
    nsub = rows_per_tile // sub
    mesh = plsc.VectorSubcoreMesh(core_axis_name="c", subcore_axis_name="s")

    @functools.partial(
        pl.kernel, mesh=mesh,
        compiler_params=pltpu.CompilerParams(use_tc_tiling_on_sc=False),
        out_type=(jax.ShapeDtypeStruct((nc * n_pad, 64), jnp.float32),
                  jax.ShapeDtypeStruct((n_pad, 16), jnp.float32)),
        scratch_types=[
            pltpu.VMEM((TILE,), jnp.int32),
            pltpu.VMEM((TILE,), jnp.int32),
            pltpu.VMEM((TILE,), jnp.int32),
            pltpu.VMEM((TILE, 64), jnp.float32),
            pltpu.VMEM((TILE, 64), jnp.float32),
            pltpu.VMEM((TILE, 16), jnp.float32),
            pltpu.VMEM((sub, 64), jnp.float32),
            pltpu.VMEM((sub, 16), jnp.float32),
            pltpu.VMEM_SHARED((n_pad, 64), jnp.float32),
            pltpu.VMEM_SHARED((n_pad, 16), jnp.float32),
            pltpu.SemaphoreType.DMA,
            pltpu.SemaphoreType.DMA,
        ],
    )
    def k(y2a_hbm, y2b_hbm, row_hbm, z_out, c_out,
          idx0_v, idx1_v, ramp_v, val0_v, val1_v, ones_v, zb_v, cb_v,
          z_sh, c_sh, semL0, semL1):
        cid = lax.axis_index("c")
        sid = lax.axis_index("s")

        zeros16 = jnp.zeros((16,), jnp.float32)
        ones16 = jnp.ones((16,), jnp.float32)

        def zrow(i, carry):
            def zcol(j, c2):
                zb_v[i, pl.ds(j * 16, 16)] = zeros16
                return c2

            lax.fori_loop(0, 4, zcol, 0)
            cb_v[i, :] = zeros16
            return carry

        lax.fori_loop(0, sub, zrow, 0)

        def orow(i, carry):
            ones_v[i, :] = ones16
            return carry

        lax.fori_loop(0, TILE, orow, 0)

        iota16 = lax.iota(jnp.int32, 16)

        def set_ramp(r0):
            def rg(g, carry):
                ramp_v[pl.ds(g * 16, 16)] = iota16 + (r0 + g * 16)
                return carry

            lax.fori_loop(0, TILE // 16, rg, 0)

        def zs(kk, carry):
            r0 = sid * rows_per_tile + kk * sub
            set_ramp(r0)
            pltpu.sync_copy(zb_v, z_sh.at[ramp_v])
            pltpu.sync_copy(cb_v, c_sh.at[ramp_v])
            return carry

        lax.fori_loop(0, nsub, zs, 0)
        plsc.subcore_barrier()

        def main_loop(src_hbm, with_count):
            bufs = ((idx0_v, val0_v, semL0), (idx1_v, val1_v, semL1))

            def issue_loads(i, b):
                idx_b, val_b, semL_b = bufs[b]
                t = sid + i * ns

                @pl.when(t < nt)
                def _():
                    base = t * TILE
                    pltpu.async_copy(
                        row_hbm.at[pl.ds(base, TILE)], idx_b, semL_b)
                    pltpu.async_copy(
                        src_hbm.at[pl.ds(base, TILE)], val_b, semL_b)

            def process(i, b):
                idx_b, val_b, semL_b = bufs[b]
                t = sid + i * ns

                @pl.when(t < nt)
                def _():
                    base = t * TILE
                    pltpu.make_async_copy(
                        row_hbm.at[pl.ds(base, TILE)], idx_b, semL_b).wait()
                    pltpu.make_async_copy(
                        src_hbm.at[pl.ds(base, TILE)], val_b, semL_b).wait()
                    pltpu.sync_copy(val_b, z_sh.at[idx_b], add=True)
                    if with_count:
                        pltpu.sync_copy(ones_v, c_sh.at[idx_b], add=True)

            issue_loads(0, 0)

            def body(step, carry):
                for b in (0, 1):
                    i = 2 * step + b
                    issue_loads(i + 1, 1 - b)
                    process(i, b)
                return carry

            pairs = (iters + 1) // 2
            lax.fori_loop(0, pairs, body, 0)

        @pl.when(cid == 0)
        def _():
            main_loop(y2a_hbm, True)

        @pl.when(cid == 1)
        def _():
            main_loop(y2b_hbm, False)

        plsc.subcore_barrier()

        def wout(kk, carry):
            r0 = sid * rows_per_tile + kk * sub
            set_ramp(r0)
            pltpu.sync_copy(z_sh.at[ramp_v], zb_v)
            pltpu.sync_copy(zb_v, z_out.at[pl.ds(cid * n_pad + r0, sub)])

            @pl.when(cid == 0)
            def _():
                pltpu.sync_copy(c_sh.at[ramp_v], cb_v)
                pltpu.sync_copy(cb_v, c_out.at[pl.ds(r0, sub)])

            return carry

        lax.fori_loop(0, nsub, wout, 0)

    return k(y2a, y2b, row)


def _nodeA_body(x_ref, z0_ref, z1_ref, c0_ref, u_ref, b_ref,
                s2_ref, gb2_ref, w3_ref, y3_ref, o_ref, s_acc, q_acc,
                *, n_edges, n_groups):
    i = pl.program_id(0)

    @pl.when(i == 0)
    def _():
        s_acc[...] = jnp.zeros_like(s_acc)
        q_acc[...] = jnp.zeros_like(q_acc)

    m2 = s2_ref[0:1, :] / n_edges
    v2 = s2_ref[1:2, :] / n_edges - m2 * m2
    a2 = gb2_ref[0:1, :] * lax.rsqrt(v2 + EPS)
    c2 = gb2_ref[1:2, :] - m2 * a2
    zsum = jnp.concatenate([z0_ref[...], z1_ref[...]], axis=1)
    cnt = c0_ref[:, 0:1]
    agg = (zsum * a2 + cnt * c2) / jnp.maximum(cnt, 1.0)
    blk = b_ref.shape[0]
    oh = (lax.broadcasted_iota(jnp.int32, (blk, n_groups), 1)
          == b_ref[...]).astype(jnp.float32)
    ub = jnp.dot(oh, u_ref[...], preferred_element_type=jnp.float32)
    y3 = (jnp.dot(x_ref[...], w3_ref[0:128, :],
                  preferred_element_type=jnp.float32)
          + jnp.dot(agg, w3_ref[128:256, :],
                    preferred_element_type=jnp.float32)
          + jnp.dot(ub, w3_ref[256:384, :],
                    preferred_element_type=jnp.float32))
    y3_ref[...] = y3
    s_acc[...] += jnp.sum(y3, axis=0, keepdims=True)
    q_acc[...] += jnp.sum(y3 * y3, axis=0, keepdims=True)

    @pl.when(i == pl.num_programs(0) - 1)
    def _():
        o_ref[0:1, :] = s_acc[...]
        o_ref[1:2, :] = q_acc[...]


def _nodeA(x, z2a, z2b, c2a, u, batch2, s2q2, gb2, w3t, n_edges, blk):
    n = x.shape[0]
    g = u.shape[0]
    nblk = n // blk
    return pl.pallas_call(
        functools.partial(_nodeA_body, n_edges=float(n_edges), n_groups=g),
        grid=(nblk,),
        in_specs=[pl.BlockSpec((blk, 128), lambda i: (i, 0)),
                  pl.BlockSpec((blk, 64), lambda i: (i, 0)),
                  pl.BlockSpec((blk, 64), lambda i: (i, 0)),
                  pl.BlockSpec((blk, 16), lambda i: (i, 0)),
                  pl.BlockSpec((g, 128), lambda i: (0, 0)),
                  pl.BlockSpec((blk, 1), lambda i: (i, 0)),
                  pl.BlockSpec((2, 128), lambda i: (0, 0)),
                  pl.BlockSpec((2, 128), lambda i: (0, 0)),
                  pl.BlockSpec((384, 128), lambda i: (0, 0))],
        out_specs=[pl.BlockSpec((blk, 128), lambda i: (i, 0)),
                   pl.BlockSpec((2, 128), lambda i: (0, 0))],
        out_shape=[jax.ShapeDtypeStruct((n, 128), jnp.float32),
                   jax.ShapeDtypeStruct((2, 128), jnp.float32)],
        scratch_shapes=[pltpu.VMEM((1, 128), jnp.float32),
                        pltpu.VMEM((1, 128), jnp.float32)],
    )(x, z2a, z2b, c2a, u, batch2, s2q2, gb2, w3t)


def _nodeB_body(y3_ref, s3_ref, gb3_ref, w4_ref, y4_ref, o_ref,
                s_acc, q_acc, *, n_nodes):
    i = pl.program_id(0)

    @pl.when(i == 0)
    def _():
        s_acc[...] = jnp.zeros_like(s_acc)
        q_acc[...] = jnp.zeros_like(q_acc)

    m3 = s3_ref[0:1, :] / n_nodes
    v3 = s3_ref[1:2, :] / n_nodes - m3 * m3
    a3 = gb3_ref[0:1, :] * lax.rsqrt(v3 + EPS)
    c3 = gb3_ref[1:2, :] - m3 * a3
    z3 = jnp.maximum(y3_ref[...] * a3 + c3, 0.0)
    y4 = jnp.dot(z3, w4_ref[...], preferred_element_type=jnp.float32)
    y4_ref[...] = y4
    s_acc[...] += jnp.sum(y4, axis=0, keepdims=True)
    q_acc[...] += jnp.sum(y4 * y4, axis=0, keepdims=True)

    @pl.when(i == pl.num_programs(0) - 1)
    def _():
        o_ref[0:1, :] = s_acc[...]
        o_ref[1:2, :] = q_acc[...]


def _nodeB(y3, s3q3, gb3, w4t, blk):
    n = y3.shape[0]
    return pl.pallas_call(
        functools.partial(_nodeB_body, n_nodes=float(n)),
        grid=(n // blk,),
        in_specs=[pl.BlockSpec((blk, 128), lambda i: (i, 0)),
                  pl.BlockSpec((2, 128), lambda i: (0, 0)),
                  pl.BlockSpec((2, 128), lambda i: (0, 0)),
                  pl.BlockSpec((128, 128), lambda i: (0, 0))],
        out_specs=[pl.BlockSpec((blk, 128), lambda i: (i, 0)),
                   pl.BlockSpec((2, 128), lambda i: (0, 0))],
        out_shape=[jax.ShapeDtypeStruct((n, 128), jnp.float32),
                   jax.ShapeDtypeStruct((2, 128), jnp.float32)],
        scratch_shapes=[pltpu.VMEM((1, 128), jnp.float32),
                        pltpu.VMEM((1, 128), jnp.float32)],
    )(y3, s3q3, gb3, w4t)


def _nodeC_body(y4_ref, s4_ref, gb4_ref, o_ref, *, n_nodes):
    m4 = s4_ref[0:1, :] / n_nodes
    v4 = s4_ref[1:2, :] / n_nodes - m4 * m4
    a4 = gb4_ref[0:1, :] * lax.rsqrt(v4 + EPS)
    c4 = gb4_ref[1:2, :] - m4 * a4
    o_ref[...] = y4_ref[...] * a4 + c4


def _nodeC(y4, s4q4, gb4, blk):
    n = y4.shape[0]
    return pl.pallas_call(
        functools.partial(_nodeC_body, n_nodes=float(n)),
        grid=(n // blk,),
        in_specs=[pl.BlockSpec((blk, 128), lambda i: (i, 0)),
                  pl.BlockSpec((2, 128), lambda i: (0, 0)),
                  pl.BlockSpec((2, 128), lambda i: (0, 0))],
        out_specs=pl.BlockSpec((blk, 128), lambda i: (i, 0)),
        out_shape=jax.ShapeDtypeStruct((n, 128), jnp.float32),
    )(y4, s4q4, gb4)


def kernel(x, edge_index, edge_attr, u, batch,
           W1, g1, b1, W2, g2, b2, W3, g3, b3, W4, g4, b4):
    n, d_node = x.shape
    e = edge_attr.shape[0]

    row = edge_index[0]
    col = edge_index[1]
    w1xt = jnp.transpose(W1[:, :d_node])
    w1at = jnp.transpose(W1[:, d_node:])
    w2t = jnp.transpose(W2)
    w3t = jnp.transpose(W3)
    w4t = jnp.transpose(W4)
    gb1 = jnp.stack([g1, b1])
    gb2 = jnp.stack([g2, b2])
    gb3 = jnp.stack([g3, b3])
    gb4 = jnp.stack([g4, b4])
    batch2 = batch.reshape(n, 1)

    n_pad = 10240
    p0f, p0b = _prep(x, w1xt)
    p0g, cnt2, aseg2 = _sc_gather(p0b, col, edge_attr, e, n_pad)
    eas = _eastats(edge_attr, be=8000)
    s1q1 = _comb(p0f, cnt2, aseg2, eas, w1at, n_pad)
    y2a, y2b, s2q2 = _pass2(p0g, edge_attr, w1at, w2t, s1q1, gb1, be=2560)
    z2, c2 = _sc_scatter(y2a, y2b, row, n_pad)
    z2a, z2b = z2[0:n], z2[n_pad:n_pad + n]
    c2a = c2[0:n]
    y3, s3q3 = _nodeA(x, z2a, z2b, c2a, u, batch2, s2q2, gb2, w3t, e,
                      blk=2000)
    y4, s4q4 = _nodeB(y3, s3q3, gb3, w4t, blk=2000)
    out = _nodeC(y4, s4q4, gb4, blk=2000)
    return out

# --- scband reference (transcript-rebuilt; emitter-appended) ---
"""Pipeline reference for scband-node-model-50371376447950 (READ-ONLY COPY).

The authoritative reference and input builder live on the scoring server;
editing this copy changes nothing except your own understanding.
"""

import jax, jax.numpy as jnp
import numpy as np

N = 10000
E = 320000
D_NODE = 128
D_EDGE = 16
D_U = 128
G = 256
H = 128


def _bn(x, gamma, beta, eps=1e-5):
    mean = jnp.mean(x, axis=0, keepdims=True)
    var = jnp.var(x, axis=0, keepdims=True)
    return (x - mean) / jnp.sqrt(var + eps) * gamma + beta


def setup_inputs(seed: int = 0):
    key = jax.random.key(seed)
    ks = jax.random.split(key, 16)
    x = jax.random.normal(ks[0], (N, D_NODE), dtype=jnp.float32)
    edge_index = jax.random.randint(ks[1], (2, E), 0, N, dtype=jnp.int32)
    edge_attr = jax.random.normal(ks[2], (E, D_EDGE), dtype=jnp.float32)
    u = jax.random.normal(ks[3], (G, D_U), dtype=jnp.float32)
    batch = jnp.sort(jax.random.randint(ks[4], (N,), 0, G, dtype=jnp.int32))
    d1_in = D_NODE + D_EDGE
    d2_in = D_NODE + H + D_U
    W1 = jax.random.normal(ks[5], (H, d1_in), dtype=jnp.float32) / np.sqrt(d1_in)
    g1 = jnp.ones((H,), dtype=jnp.float32)
    b1 = jnp.zeros((H,), dtype=jnp.float32)
    W2 = jax.random.normal(ks[6], (H, H), dtype=jnp.float32) / np.sqrt(H)
    g2 = jnp.ones((H,), dtype=jnp.float32)
    b2 = jnp.zeros((H,), dtype=jnp.float32)
    W3 = jax.random.normal(ks[7], (H, d2_in), dtype=jnp.float32) / np.sqrt(d2_in)
    g3 = jnp.ones((H,), dtype=jnp.float32)
    b3 = jnp.zeros((H,), dtype=jnp.float32)
    W4 = jax.random.normal(ks[8], (H, H), dtype=jnp.float32) / np.sqrt(H)
    g4 = jnp.ones((H,), dtype=jnp.float32)
    b4 = jnp.zeros((H,), dtype=jnp.float32)
    return {"x": x, "edge_index": edge_index, "edge_attr": edge_attr, "u": u, "batch": batch,
            "W1": W1, "g1": g1, "b1": b1, "W2": W2, "g2": g2, "b2": b2,
            "W3": W3, "g3": g3, "b3": b3, "W4": W4, "g4": g4, "b4": b4}


def reference(x, edge_index, edge_attr, u, batch, W1, g1, b1, W2, g2, b2, W3, g3, b3, W4, g4, b4):
    row = edge_index[0]
    col = edge_index[1]
    # node_layer_1 on edge messages
    out = jnp.concatenate([x[col], edge_attr], axis=1)
    out = _bn(out @ W1.T, g1, b1)
    out = jax.nn.relu(out)
    out = _bn(out @ W2.T, g2, b2)
    # scatter_mean over destination nodes (row), dim_size = N
    s = jax.ops.segment_sum(out, row, num_segments=N)
    cnt = jax.ops.segment_sum(jnp.ones((E,), dtype=jnp.float32), row, num_segments=N)
    agg = s / jnp.clip(cnt, 1.0)[:, None]
    # node_layer_2
    out2 = jnp.concatenate([x, agg, u[batch]], axis=1)
    out2 = _bn(out2 @ W3.T, g3, b3)
    out2 = jax.nn.relu(out2)
    out2 = _bn(out2 @ W4.T, g4, b4)
    return out2

if __name__ == "__main__":
    import jax
    _d = setup_inputs()
    print(jax.jit(kernel)(*tuple(_d.values())))

</pallas_src>

<mosaic_0001>
#map = affine_map<(d0, d1) -> (0, 0)>
#map1 = affine_map<(d0, d1) -> (0)>
module attributes {stable_mosaic.version = 14 : i64} {
  func.func @k(%arg0: i32, %arg1: i32, %arg2: memref<320000x64xf32, #tpu.memory_space<hbm>>, %arg3: memref<320000x64xf32, #tpu.memory_space<hbm>>, %arg4: memref<320000xi32, #tpu.memory_space<hbm>>, %arg5: memref<20480x64xf32, #tpu.memory_space<hbm>>, %arg6: memref<10240x16xf32, #tpu.memory_space<hbm>>, %arg7: memref<128xi32, #tpu.memory_space<vmem>>, %arg8: memref<128xi32, #tpu.memory_space<vmem>>, %arg9: memref<128xi32, #tpu.memory_space<vmem>>, %arg10: memref<128x64xf32, #tpu.memory_space<vmem>>, %arg11: memref<128x64xf32, #tpu.memory_space<vmem>>, %arg12: memref<128x16xf32, #tpu.memory_space<vmem>>, %arg13: memref<128x64xf32, #tpu.memory_space<vmem>>, %arg14: memref<128x16xf32, #tpu.memory_space<vmem>>, %arg15: memref<10240x64xf32, #tpu.memory_space<vmem_shared>>, %arg16: memref<10240x16xf32, #tpu.memory_space<vmem_shared>>, %arg17: memref<!tpu.dma_semaphore, #tpu.memory_space<semaphore_mem>>, %arg18: memref<!tpu.dma_semaphore, #tpu.memory_space<semaphore_mem>>) attributes {dimension_semantics = [#tpu.dimension_semantics<core_parallel>, #tpu.dimension_semantics<subcore_parallel>], iteration_bounds = array<i64: 2, 16>, scalar_prefetch = 0 : i64, scratch_operands = 12 : i64, tpu.core_type = #tpu.core_type<sc_vector_subcore>, window_params = [{transform_indices = #map}, {transform_indices = #map}, {transform_indices = #map1}, {transform_indices = #map}, {transform_indices = #map}]} {
    %broadcast_in_dim3A = arith.constant 0.000000e+00 : f32
    %broadcast_in_dim3A_0 = vector.broadcast %broadcast_in_dim3A : f32 to vector<16xf32>
    %broadcast_in_dim3A_1 = arith.constant 1.000000e+00 : f32
    %broadcast_in_dim3A_2 = vector.broadcast %broadcast_in_dim3A_1 : f32 to vector<16xf32>
    %scan3A = arith.constant 0 : i32
    %scan3A_3 = arith.constant 0 : i32
    %scan3A_4 = arith.constant 128 : i32
    %scan3A_5 = arith.addi %scan3A_3, %scan3A_4 : i32
    %scan3A_6 = arith.constant 1 : i32
    scf.for %scan3A_34 = %scan3A_3 to %scan3A_5 step %scan3A_6  : i32 {
      %scan3A_35 = arith.constant 0 : i32
      %scan3A_36 = arith.constant 0 : i32
      %scan3A_37 = arith.constant 4 : i32
      %scan3A_38 = arith.addi %scan3A_36, %scan3A_37 : i32
      %scan3A_39 = arith.constant 1 : i32
      scf.for %scan3A_45 = %scan3A_36 to %scan3A_38 step %scan3A_39  : i32 {
        %mul3A = arith.constant 16 : i32
        %mul3A_46 = arith.muli %scan3A_45, %mul3A : i32
        %swap3A_47 = arith.index_cast %scan3A_34 : i32 to index
        %swap3A_48 = arith.index_cast %mul3A_46 : i32 to index
        %swap3A_49 = tpu.vector_load %arg13[%swap3A_47, %swap3A_48] {strides = array<i32>} : memref<128x64xf32, #tpu.memory_space<vmem>>, vector<1x16xf32>,
        %swap3A_50 = vector.shape_cast %swap3A_49 : vector<1x16xf32> to vector<16xf32>
        %swap3A_51 = vector.shape_cast %broadcast_in_dim3A_0 : vector<16xf32> to vector<1x16xf32>
        tpu.vector_store %arg13[%swap3A_47, %swap3A_48], %swap3A_51 {strides = array<i32>} : memref<128x64xf32, #tpu.memory_space<vmem>>, vector<1x16xf32>,
      }
      %scan3A_40 = arith.constant 4 : i32
      %swap3A = arith.index_cast %scan3A_34 : i32 to index
      %swap3A_41 = arith.constant 0 : index
      %swap3A_42 = tpu.vector_load %arg14[%swap3A, %swap3A_41] {strides = array<i32>} : memref<128x16xf32, #tpu.memory_space<vmem>>, vector<1x16xf32>,
      %swap3A_43 = vector.shape_cast %swap3A_42 : vector<1x16xf32> to vector<16xf32>
      %swap3A_44 = vector.shape_cast %broadcast_in_dim3A_0 : vector<16xf32> to vector<1x16xf32>
      tpu.vector_store %arg14[%swap3A, %swap3A_41], %swap3A_44 {strides = array<i32>} : memref<128x16xf32, #tpu.memory_space<vmem>>, vector<1x16xf32>,
    }
    %scan3A_7 = arith.constant 128 : i32
    %scan3A_8 = arith.constant 0 : i32
    %scan3A_9 = arith.constant 0 : i32
    %scan3A_10 = arith.constant 128 : i32
    %scan3A_11 = arith.addi %scan3A_9, %scan3A_10 : i32
    %scan3A_12 = arith.constant 1 : i32
    scf.for %scan3A_34 = %scan3A_9 to %scan3A_11 step %scan3A_12  : i32 {
      %swap3A = arith.index_cast %scan3A_34 : i32 to index
      %swap3A_35 = arith.constant 0 : index
      %swap3A_36 = tpu.vector_load %arg12[%swap3A, %swap3A_35] {strides = array<i32>} : memref<128x16xf32, #tpu.memory_space<vmem>>, vector<1x16xf32>,
      %swap3A_37 = vector.shape_cast %swap3A_36 : vector<1x16xf32> to vector<16xf32>
      %swap3A_38 = vector.shape_cast %broadcast_in_dim3A_2 : vector<16xf32> to vector<1x16xf32>
      tpu.vector_store %arg12[%swap3A, %swap3A_35], %swap3A_38 {strides = array<i32>} : memref<128x16xf32, #tpu.memory_space<vmem>>, vector<1x16xf32>,
    }
    %scan3A_13 = arith.constant 128 : i32
    %iota3A = tpu.iota {dimensions = array<i32: 0>} : vector<16xi32>
    %scan3A_14 = arith.constant 0 : i32
    %scan3A_15 = arith.constant 0 : i32
    %scan3A_16 = arith.constant 5 : i32
    %scan3A_17 = arith.addi %scan3A_15, %scan3A_16 : i32
    %scan3A_18 = arith.constant 1 : i32
    scf.for %scan3A_34 = %scan3A_15 to %scan3A_17 step %scan3A_18  : i32 {
      %mul3A = arith.constant 640 : i32
      %mul3A_35 = arith.muli %arg1, %mul3A : i32
      %mul3A_36 = arith.constant 128 : i32
      %mul3A_37 = arith.muli %scan3A_34, %mul3A_36 : i32
      %add3A = arith.addi %mul3A_35, %mul3A_37 : i32
      %scan3A_38 = arith.constant 0 : i32
      %scan3A_39 = arith.constant 0 : i32
      %scan3A_40 = arith.constant 8 : i32
      %scan3A_41 = arith.addi %scan3A_39, %scan3A_40 : i32
      %scan3A_42 = arith.constant 1 : i32
      scf.for %scan3A_44 = %scan3A_39 to %scan3A_41 step %scan3A_42  : i32 {
        %mul3A_45 = arith.constant 16 : i32
        %mul3A_46 = arith.muli %scan3A_44, %mul3A_45 : i32
        %add3A_47 = arith.addi %add3A, %mul3A_46 : i32
        %add3A_48 = vector.broadcast %add3A_47 : i32 to vector<16xi32>
        %add3A_49 = arith.addi %iota3A, %add3A_48 : vector<16xi32>
        %mul3A_50 = arith.constant 16 : i32
        %mul3A_51 = arith.muli %scan3A_44, %mul3A_50 : i32
        %swap3A = arith.index_cast %mul3A_51 : i32 to index
        %swap3A_52 = tpu.vector_load %arg9[%swap3A] {strides = array<i32>} : memref<128xi32, #tpu.memory_space<vmem>>, vector<16xi32>,
        %swap3A_53 = vector.shape_cast %swap3A_52 : vector<16xi32> to vector<16xi32>
        %swap3A_54 = vector.shape_cast %add3A_49 : vector<16xi32> to vector<16xi32>
        tpu.vector_store %arg9[%swap3A], %swap3A_54 {strides = array<i32>} : memref<128xi32, #tpu.memory_space<vmem>>, vector<16xi32>,
      }
      %scan3A_43 = arith.constant 8 : i32
      "tpu.region"() ({
        %run_scoped3A = tpu.sem_alloc : memref<!tpu.dma_semaphore, #tpu.memory_space<semaphore_mem>>
        %dma_start3A = arith.constant 0 : i32
        %dma_start3A_44 = arith.constant 0 : i32
        %dma_start3A_45 = tpu.memref_slice %arg15[%dma_start3A, %dma_start3A_44] : memref<10240x64xf32, #tpu.memory_space<vmem_shared>> -> memref<10240x64xf32, #tpu.memory_space<vmem_shared>>
        tpu.enqueue_indirect_dma source(%arg13 : memref<128x64xf32, #tpu.memory_space<vmem>>) target(%dma_start3A_45 : memref<10240x64xf32, #tpu.memory_space<vmem_shared>>) offsets(%arg9 : memref<128xi32, #tpu.memory_space<vmem>>) semaphore(%run_scoped3A : memref<!tpu.dma_semaphore, #tpu.memory_space<semaphore_mem>>)
        %dma_wait3A = arith.constant 0 : i32
        %dma_wait3A_46 = arith.constant 0 : i32
        %dma_wait3A_47 = tpu.memref_slice %arg15[%dma_wait3A, %dma_wait3A_46] : memref<10240x64xf32, #tpu.memory_space<vmem_shared>> -> memref<10240x64xf32, #tpu.memory_space<vmem_shared>>
        tpu.wait_indirect_dma semaphore(%run_scoped3A : memref<!tpu.dma_semaphore, #tpu.memory_space<semaphore_mem>>) src(%arg13 : memref<128x64xf32, #tpu.memory_space<vmem>>) dst(%dma_wait3A_47 : memref<10240x64xf32, #tpu.memory_space<vmem_shared>>)
        tpu.yield
      }) : () -> ()
      "tpu.region"() ({
        %run_scoped3A = tpu.sem_alloc : memref<!tpu.dma_semaphore, #tpu.memory_space<semaphore_mem>>
        %dma_start3A = arith.constant 0 : i32
        %dma_start3A_44 = arith.constant 0 : i32
        %dma_start3A_45 = tpu.memref_slice %arg16[%dma_start3A, %dma_start3A_44] : memref<10240x16xf32, #tpu.memory_space<vmem_shared>> -> memref<10240x16xf32, #tpu.memory_space<vmem_shared>>
        tpu.enqueue_indirect_dma source(%arg14 : memref<128x16xf32, #tpu.memory_space<vmem>>) target(%dma_start3A_45 : memref<10240x16xf32, #tpu.memory_space<vmem_shared>>) offsets(%arg9 : memref<128xi32, #tpu.memory_space<vmem>>) semaphore(%run_scoped3A : memref<!tpu.dma_semaphore, #tpu.memory_space<semaphore_mem>>)
        %dma_wait3A = arith.constant 0 : i32
        %dma_wait3A_46 = arith.constant 0 : i32
        %dma_wait3A_47 = tpu.memref_slice %arg16[%dma_wait3A, %dma_wait3A_46] : memref<10240x16xf32, #tpu.memory_space<vmem_shared>> -> memref<10240x16xf32, #tpu.memory_space<vmem_shared>>
        tpu.wait_indirect_dma semaphore(%run_scoped3A : memref<!tpu.dma_semaphore, #tpu.memory_space<semaphore_mem>>) src(%arg14 : memref<128x16xf32, #tpu.memory_space<vmem>>) dst(%dma_wait3A_47 : memref<10240x16xf32, #tpu.memory_space<vmem_shared>>)
        tpu.yield
      }) : () -> ()
    }
    %scan3A_19 = arith.constant 5 : i32
    %barrier3A = arith.constant 0 : index
    tpu.barrier barrier_id(%barrier3A)
    %eq3A = arith.constant 0 : i32
    %eq3A_20 = arith.cmpi eq, %arg0, %eq3A : i32
    %convert_element_type3A = arith.extui %eq3A_20 : i1 to i32
    %cond3A = arith.constant 0 : i32
    %cond3A_21 = arith.cmpi ne, %convert_element_type3A, %cond3A : i32
    scf.if %cond3A_21 {
      %add3A = arith.constant 0 : i32
      %add3A_34 = arith.addi %arg1, %add3A : i32
      %lt3A = arith.constant 2500 : i32
      %lt3A_35 = arith.cmpi slt, %add3A_34, %lt3A : i32
      %convert_element_type3A_36 = arith.extui %lt3A_35 : i1 to i32
      %cond3A_37 = arith.constant 0 : i32
      %cond3A_38 = arith.cmpi ne, %convert_element_type3A_36, %cond3A_37 : i32
      scf.if %cond3A_38 {
        %mul3A = arith.constant 128 : i32
        %mul3A_45 = arith.muli %add3A_34, %mul3A : i32
        %dma_start3A = tpu.memref_slice %arg4[%mul3A_45] : memref<320000xi32, #tpu.memory_space<hbm>> -> memref<128xi32, #tpu.memory_space<hbm>>
        %dma_start3A_46 = tpu.memref_slice %arg4[%mul3A_45] : memref<320000xi32, #tpu.memory_space<hbm>> -> memref<128xi32, #tpu.memory_space<hbm>>
        tpu.enqueue_dma source(%dma_start3A_46 : memref<128xi32, #tpu.memory_space<hbm>>) target(%arg7 : memref<128xi32, #tpu.memory_space<vmem>>) target_semaphore(%arg17 : memref<!tpu.dma_semaphore, #tpu.memory_space<semaphore_mem>>)
        %dma_start3A_47 = arith.constant 0 : i32
        %dma_start3A_48 = tpu.memref_slice %arg2[%mul3A_45, %dma_start3A_47] : memref<320000x64xf32, #tpu.memory_space<hbm>> -> memref<128x64xf32, #tpu.memory_space<hbm>>
        %dma_start3A_49 = arith.constant 0 : i32
        %dma_start3A_50 = tpu.memref_slice %arg2[%mul3A_45, %dma_start3A_49] : memref<320000x64xf32, #tpu.memory_space<hbm>> -> memref<128x64xf32, #tpu.memory_space<hbm>>
        tpu.enqueue_dma source(%dma_start3A_50 : memref<128x64xf32, #tpu.memory_space<hbm>>) target(%arg10 : memref<128x64xf32, #tpu.memory_space<vmem>>) target_semaphore(%arg17 : memref<!tpu.dma_semaphore, #tpu.memory_space<semaphore_mem>>)
      } else {
      }
      %scan3A_39 = arith.constant 0 : i32
      %scan3A_40 = arith.constant 0 : i32
      %scan3A_41 = arith.constant 79 : i32
      %scan3A_42 = arith.addi %scan3A_40, %scan3A_41 : i32
      %scan3A_43 = arith.constant 1 : i32
      scf.for %scan3A_45 = %scan3A_40 to %scan3A_42 step %scan3A_43  : i32 {
        %mul3A = arith.constant 2 : i32
        %mul3A_46 = arith.muli %mul3A, %scan3A_45 : i32
        %add3A_47 = arith.constant 0 : i32
        %add3A_48 = arith.addi %mul3A_46, %add3A_47 : i32
        %add3A_49 = arith.constant 1 : i32
        %add3A_50 = arith.addi %add3A_48, %add3A_49 : i32
        %mul3A_51 = arith.constant 16 : i32
        %mul3A_52 = arith.muli %add3A_50, %mul3A_51 : i32
        %add3A_53 = arith.addi %arg1, %mul3A_52 : i32
        %lt3A_54 = arith.constant 2500 : i32
        %lt3A_55 = arith.cmpi slt, %add3A_53, %lt3A_54 : i32
        %convert_element_type3A_56 = arith.extui %lt3A_55 : i1 to i32
        %cond3A_57 = arith.constant 0 : i32
        %cond3A_58 = arith.cmpi ne, %convert_element_type3A_56, %cond3A_57 : i32
        scf.if %cond3A_58 {
          %mul3A_89 = arith.constant 128 : i32
          %mul3A_90 = arith.muli %add3A_53, %mul3A_89 : i32
          %dma_start3A = tpu.memref_slice %arg4[%mul3A_90] : memref<320000xi32, #tpu.memory_space<hbm>> -> memref<128xi32, #tpu.memory_space<hbm>>
          %dma_start3A_91 = tpu.memref_slice %arg4[%mul3A_90] : memref<320000xi32, #tpu.memory_space<hbm>> -> memref<128xi32, #tpu.memory_space<hbm>>
          tpu.enqueue_dma source(%dma_start3A_91 : memref<128xi32, #tpu.memory_space<hbm>>) target(%arg8 : memref<128xi32, #tpu.memory_space<vmem>>) target_semaphore(%arg18 : memref<!tpu.dma_semaphore, #tpu.memory_space<semaphore_mem>>)
          %dma_start3A_92 = arith.constant 0 : i32
          %dma_start3A_93 = tpu.memref_slice %arg2[%mul3A_90, %dma_start3A_92] : memref<320000x64xf32, #tpu.memory_space<hbm>> -> memref<128x64xf32, #tpu.memory_space<hbm>>
          %dma_start3A_94 = arith.constant 0 : i32
          %dma_start3A_95 = tpu.memref_slice %arg2[%mul3A_90, %dma_start3A_94] : memref<320000x64xf32, #tpu.memory_space<hbm>> -> memref<128x64xf32, #tpu.memory_space<hbm>>
          tpu.enqueue_dma source(%dma_start3A_95 : memref<128x64xf32, #tpu.memory_space<hbm>>) target(%arg11 : memref<128x64xf32, #tpu.memory_space<vmem>>) target_semaphore(%arg18 : memref<!tpu.dma_semaphore, #tpu.memory_space<semaphore_mem>>)
        } else {
        }
        %mul3A_59 = arith.constant 16 : i32
        %mul3A_60 = arith.muli %add3A_48, %mul3A_59 : i32
        %add3A_61 = arith.addi %arg1, %mul3A_60 : i32
        %lt3A_62 = arith.constant 2500 : i32
        %lt3A_63 = arith.cmpi slt, %add3A_61, %lt3A_62 : i32
        %convert_element_type3A_64 = arith.extui %lt3A_63 : i1 to i32
        %cond3A_65 = arith.constant 0 : i32
        %cond3A_66 = arith.cmpi ne, %convert_element_type3A_64, %cond3A_65 : i32
        scf.if %cond3A_66 {
          %mul3A_89 = arith.constant 128 : i32
          %mul3A_90 = arith.muli %add3A_61, %mul3A_89 : i32
          %dma_wait3A = tpu.memref_slice %arg4[%mul3A_90] : memref<320000xi32, #tpu.memory_space<hbm>> -> memref<128xi32, #tpu.memory_space<hbm>>
          %dma_wait3A_91 = tpu.memref_slice %arg4[%mul3A_90] : memref<320000xi32, #tpu.memory_space<hbm>> -> memref<128xi32, #tpu.memory_space<hbm>>
          tpu.wait_dma2 semaphore(%arg17 : memref<!tpu.dma_semaphore, #tpu.memory_space<semaphore_mem>>) src(%dma_wait3A_91 : memref<128xi32, #tpu.memory_space<hbm>>) dst(%arg7 : memref<128xi32, #tpu.memory_space<vmem>>)
          %dma_wait3A_92 = arith.constant 0 : i32
          %dma_wait3A_93 = tpu.memref_slice %arg2[%mul3A_90, %dma_wait3A_92] : memref<320000x64xf32, #tpu.memory_space<hbm>> -> memref<128x64xf32, #tpu.memory_space<hbm>>
          %dma_wait3A_94 = arith.constant 0 : i32
          %dma_wait3A_95 = tpu.memref_slice %arg2[%mul3A_90, %dma_wait3A_94] : memref<320000x64xf32, #tpu.memory_space<hbm>> -> memref<128x64xf32, #tpu.memory_space<hbm>>
          tpu.wait_dma2 semaphore(%arg17 : memref<!tpu.dma_semaphore, #tpu.memory_space<semaphore_mem>>) src(%dma_wait3A_95 : memref<128x64xf32, #tpu.memory_space<hbm>>) dst(%arg10 : memref<128x64xf32, #tpu.memory_space<vmem>>)
          "tpu.region"() ({
            %run_scoped3A = tpu.sem_alloc : memref<!tpu.dma_semaphore, #tpu.memory_space<semaphore_mem>>
            %dma_start3A = arith.constant 0 : i32
            %dma_start3A_96 = arith.constant 0 : i32
            %dma_start3A_97 = tpu.memref_slice %arg15[%dma_start3A, %dma_start3A_96] : memref<10240x64xf32, #tpu.memory_space<vmem_shared>> -> memref<10240x64xf32, #tpu.memory_space<vmem_shared>>
            tpu.enqueue_indirect_dma source(%arg10 : memref<128x64xf32, #tpu.memory_space<vmem>>) target(%dma_start3A_97 : memref<10240x64xf32, #tpu.memory_space<vmem_shared>>) offsets(%arg7 : memref<128xi32, #tpu.memory_space<vmem>>) semaphore(%run_scoped3A : memref<!tpu.dma_semaphore, #tpu.memory_space<semaphore_mem>>) {add = true}
            %dma_wait3A_98 = arith.constant 0 : i32
            %dma_wait3A_99 = arith.constant 0 : i32
            %dma_wait3A_100 = tpu.memref_slice %arg15[%dma_wait3A_98, %dma_wait3A_99] : memref<10240x64xf32, #tpu.memory_space<vmem_shared>> -> memref<10240x64xf32, #tpu.memory_space<vmem_shared>>
            tpu.wait_indirect_dma semaphore(%run_scoped3A : memref<!tpu.dma_semaphore, #tpu.memory_space<semaphore_mem>>) src(%arg10 : memref<128x64xf32, #tpu.memory_space<vmem>>) dst(%dma_wait3A_100 : memref<10240x64xf32, #tpu.memory_space<vmem_shared>>)
            tpu.yield
          }) : () -> ()
          "tpu.region"() ({
            %run_scoped3A = tpu.sem_alloc : memref<!tpu.dma_semaphore, #tpu.memory_space<semaphore_mem>>
            %dma_start3A = arith.constant 0 : i32
            %dma_start3A_96 = arith.constant 0 : i32
            %dma_start3A_97 = tpu.memref_slice %arg16[%dma_start3A, %dma_start3A_96] : memref<10240x16xf32, #tpu.memory_space<vmem_shared>> -> memref<10240x16xf32, #tpu.memory_space<vmem_shared>>
            tpu.enqueue_indirect_dma source(%arg12 : memref<128x16xf32, #tpu.memory_space<vmem>>) target(%dma_start3A_97 : memref<10240x16xf32, #tpu.memory_space<vmem_shared>>) offsets(%arg7 : memref<128xi32, #tpu.memory_space<vmem>>) semaphore(%run_scoped3A : memref<!tpu.dma_semaphore, #tpu.memory_space<semaphore_mem>>) {add = true}
            %dma_wait3A_98 = arith.constant 0 : i32
            %dma_wait3A_99 = arith.constant 0 : i32
            %dma_wait3A_100 = tpu.memref_slice %arg16[%dma_wait3A_98, %dma_wait3A_99] : memref<10240x16xf32, #tpu.memory_space<vmem_shared>> -> memref<10240x16xf32, #tpu.memory_space<vmem_shared>>
            tpu.wait_indirect_dma semaphore(%run_scoped3A : memref<!tpu.dma_semaphore, #tpu.memory_space<semaphore_mem>>) src(%arg12 : memref<128x16xf32, #tpu.memory_space<vmem>>) dst(%dma_wait3A_100 : memref<10240x16xf32, #tpu.memory_space<vmem_shared>>)
            tpu.yield
          }) : () -> ()
        } else {
        }
        %mul3A_67 = arith.constant 2 : i32
        %mul3A_68 = arith.muli %mul3A_67, %scan3A_45 : i32
        %add3A_69 = arith.constant 1 : i32
        %add3A_70 = arith.addi %mul3A_68, %add3A_69 : i32
        %add3A_71 = arith.constant 1 : i32
        %add3A_72 = arith.addi %add3A_70, %add3A_71 : i32
        %mul3A_73 = arith.constant 16 : i32
        %mul3A_74 = arith.muli %add3A_72, %mul3A_73 : i32
        %add3A_75 = arith.addi %arg1, %mul3A_74 : i32
        %lt3A_76 = arith.constant 2500 : i32
        %lt3A_77 = arith.cmpi slt, %add3A_75, %lt3A_76 : i32
        %convert_element_type3A_78 = arith.extui %lt3A_77 : i1 to i32
        %cond3A_79 = arith.constant 0 : i32
        %cond3A_80 = arith.cmpi ne, %convert_element_type3A_78, %cond3A_79 : i32
        scf.if %cond3A_80 {
          %mul3A_89 = arith.constant 128 : i32
          %mul3A_90 = arith.muli %add3A_75, %mul3A_89 : i32
          %dma_start3A = tpu.memref_slice %arg4[%mul3A_90] : memref<320000xi32, #tpu.memory_space<hbm>> -> memref<128xi32, #tpu.memory_space<hbm>>
          %dma_start3A_91 = tpu.memref_slice %arg4[%mul3A_90] : memref<320000xi32, #tpu.memory_space<hbm>> -> memref<128xi32, #tpu.memory_space<hbm>>
          tpu.enqueue_dma source(%dma_start3A_91 : memref<128xi32, #tpu.memory_space<hbm>>) target(%arg7 : memref<128xi32, #tpu.memory_space<vmem>>) target_semaphore(%arg17 : memref<!tpu.dma_semaphore, #tpu.memory_space<semaphore_mem>>)
          %dma_start3A_92 = arith.constant 0 : i32
          %dma_start3A_93 = tpu.memref_slice %arg2[%mul3A_90, %dma_start3A_92] : memref<320000x64xf32, #tpu.memory_space<hbm>> -> memref<128x64xf32, #tpu.memory_space<hbm>>
          %dma_start3A_94 = arith.constant 0 : i32
          %dma_start3A_95 = tpu.memref_slice %arg2[%mul3A_90, %dma_start3A_94] : memref<320000x64xf32, #tpu.memory_space<hbm>> -> memref<128x64xf32, #tpu.memory_space<hbm>>
          tpu.enqueue_dma source(%dma_start3A_95 : memref<128x64xf32, #tpu.memory_space<hbm>>) target(%arg10 : memref<128x64xf32, #tpu.memory_space<vmem>>) target_semaphore(%arg17 : memref<!tpu.dma_semaphore, #tpu.memory_space<semaphore_mem>>)
        } else {
        }
        %mul3A_81 = arith.constant 16 : i32
        %mul3A_82 = arith.muli %add3A_70, %mul3A_81 : i32
        %add3A_83 = arith.addi %arg1, %mul3A_82 : i32
        %lt3A_84 = arith.constant 2500 : i32
        %lt3A_85 = arith.cmpi slt, %add3A_83, %lt3A_84 : i32
        %convert_element_type3A_86 = arith.extui %lt3A_85 : i1 to i32
        %cond3A_87 = arith.constant 0 : i32
        %cond3A_88 = arith.cmpi ne, %convert_element_type3A_86, %cond3A_87 : i32
        scf.if %cond3A_88 {
          %mul3A_89 = arith.constant 128 : i32
          %mul3A_90 = arith.muli %add3A_83, %mul3A_89 : i32
          %dma_wait3A = tpu.memref_slice %arg4[%mul3A_90] : memref<320000xi32, #tpu.memory_space<hbm>> -> memref<128xi32, #tpu.memory_space<hbm>>
          %dma_wait3A_91 = tpu.memref_slice %arg4[%mul3A_90] : memref<320000xi32, #tpu.memory_space<hbm>> -> memref<128xi32, #tpu.memory_space<hbm>>
          tpu.wait_dma2 semaphore(%arg18 : memref<!tpu.dma_semaphore, #tpu.memory_space<semaphore_mem>>) src(%dma_wait3A_91 : memref<128xi32, #tpu.memory_space<hbm>>) dst(%arg8 : memref<128xi32, #tpu.memory_space<vmem>>)
          %dma_wait3A_92 = arith.constant 0 : i32
          %dma_wait3A_93 = tpu.memref_slice %arg2[%mul3A_90, %dma_wait3A_92] : memref<320000x64xf32, #tpu.memory_space<hbm>> -> memref<128x64xf32, #tpu.memory_space<hbm>>
          %dma_wait3A_94 = arith.constant 0 : i32
          %dma_wait3A_95 = tpu.memref_slice %arg2[%mul3A_90, %dma_wait3A_94] : memref<320000x64xf32, #tpu.memory_space<hbm>> -> memref<128x64xf32, #tpu.memory_space<hbm>>
          tpu.wait_dma2 semaphore(%arg18 : memref<!tpu.dma_semaphore, #tpu.memory_space<semaphore_mem>>) src(%dma_wait3A_95 : memref<128x64xf32, #tpu.memory_space<hbm>>) dst(%arg11 : memref<128x64xf32, #tpu.memory_space<vmem>>)
          "tpu.region"() ({
            %run_scoped3A = tpu.sem_alloc : memref<!tpu.dma_semaphore, #tpu.memory_space<semaphore_mem>>
            %dma_start3A = arith.constant 0 : i32
            %dma_start3A_96 = arith.constant 0 : i32
            %dma_start3A_97 = tpu.memref_slice %arg15[%dma_start3A, %dma_start3A_96] : memref<10240x64xf32, #tpu.memory_space<vmem_shared>> -> memref<10240x64xf32, #tpu.memory_space<vmem_shared>>
            tpu.enqueue_indirect_dma source(%arg11 : memref<128x64xf32, #tpu.memory_space<vmem>>) target(%dma_start3A_97 : memref<10240x64xf32, #tpu.memory_space<vmem_shared>>) offsets(%arg8 : memref<128xi32, #tpu.memory_space<vmem>>) semaphore(%run_scoped3A : memref<!tpu.dma_semaphore, #tpu.memory_space<semaphore_mem>>) {add = true}
            %dma_wait3A_98 = arith.constant 0 : i32
            %dma_wait3A_99 = arith.constant 0 : i32
            %dma_wait3A_100 = tpu.memref_slice %arg15[%dma_wait3A_98, %dma_wait3A_99] : memref<10240x64xf32, #tpu.memory_space<vmem_shared>> -> memref<10240x64xf32, #tpu.memory_space<vmem_shared>>
            tpu.wait_indirect_dma semaphore(%run_scoped3A : memref<!tpu.dma_semaphore, #tpu.memory_space<semaphore_mem>>) src(%arg11 : memref<128x64xf32, #tpu.memory_space<vmem>>) dst(%dma_wait3A_100 : memref<10240x64xf32, #tpu.memory_space<vmem_shared>>)
            tpu.yield
          }) : () -> ()
          "tpu.region"() ({
            %run_scoped3A = tpu.sem_alloc : memref<!tpu.dma_semaphore, #tpu.memory_space<semaphore_mem>>
            %dma_start3A = arith.constant 0 : i32
            %dma_start3A_96 = arith.constant 0 : i32
            %dma_start3A_97 = tpu.memref_slice %arg16[%dma_start3A, %dma_start3A_96] : memref<10240x16xf32, #tpu.memory_space<vmem_shared>> -> memref<10240x16xf32, #tpu.memory_space<vmem_shared>>
            tpu.enqueue_indirect_dma source(%arg12 : memref<128x16xf32, #tpu.memory_space<vmem>>) target(%dma_start3A_97 : memref<10240x16xf32, #tpu.memory_space<vmem_shared>>) offsets(%arg8 : memref<128xi32, #tpu.memory_space<vmem>>) semaphore(%run_scoped3A : memref<!tpu.dma_semaphore, #tpu.memory_space<semaphore_mem>>) {add = true}
            %dma_wait3A_98 = arith.constant 0 : i32
            %dma_wait3A_99 = arith.constant 0 : i32
            %dma_wait3A_100 = tpu.memref_slice %arg16[%dma_wait3A_98, %dma_wait3A_99] : memref<10240x16xf32, #tpu.memory_space<vmem_shared>> -> memref<10240x16xf32, #tpu.memory_space<vmem_shared>>
            tpu.wait_indirect_dma semaphore(%run_scoped3A : memref<!tpu.dma_semaphore, #tpu.memory_space<semaphore_mem>>) src(%arg12 : memref<128x16xf32, #tpu.memory_space<vmem>>) dst(%dma_wait3A_100 : memref<10240x16xf32, #tpu.memory_space<vmem_shared>>)
            tpu.yield
          }) : () -> ()
        } else {
        }
      }
      %scan3A_44 = arith.constant 79 : i32
    } else {
    }
    %eq3A_22 = arith.constant 1 : i32
    %eq3A_23 = arith.cmpi eq, %arg0, %eq3A_22 : i32
    %convert_element_type3A_24 = arith.extui %eq3A_23 : i1 to i32
    %cond3A_25 = arith.constant 0 : i32
    %cond3A_26 = arith.cmpi ne, %convert_element_type3A_24, %cond3A_25 : i32
    scf.if %cond3A_26 {
      %add3A = arith.constant 0 : i32
      %add3A_34 = arith.addi %arg1, %add3A : i32
      %lt3A = arith.constant 2500 : i32
      %lt3A_35 = arith.cmpi slt, %add3A_34, %lt3A : i32
      %convert_element_type3A_36 = arith.extui %lt3A_35 : i1 to i32
      %cond3A_37 = arith.constant 0 : i32
      %cond3A_38 = arith.cmpi ne, %convert_element_type3A_36, %cond3A_37 : i32
      scf.if %cond3A_38 {
        %mul3A = arith.constant 128 : i32
        %mul3A_45 = arith.muli %add3A_34, %mul3A : i32
        %dma_start3A = tpu.memref_slice %arg4[%mul3A_45] : memref<320000xi32, #tpu.memory_space<hbm>> -> memref<128xi32, #tpu.memory_space<hbm>>
        %dma_start3A_46 = tpu.memref_slice %arg4[%mul3A_45] : memref<320000xi32, #tpu.memory_space<hbm>> -> memref<128xi32, #tpu.memory_space<hbm>>
        tpu.enqueue_dma source(%dma_start3A_46 : memref<128xi32, #tpu.memory_space<hbm>>) target(%arg7 : memref<128xi32, #tpu.memory_space<vmem>>) target_semaphore(%arg17 : memref<!tpu.dma_semaphore, #tpu.memory_space<semaphore_mem>>)
        %dma_start3A_47 = arith.constant 0 : i32
        %dma_start3A_48 = tpu.memref_slice %arg3[%mul3A_45, %dma_start3A_47] : memref<320000x64xf32, #tpu.memory_space<hbm>> -> memref<128x64xf32, #tpu.memory_space<hbm>>
        %dma_start3A_49 = arith.constant 0 : i32
        %dma_start3A_50 = tpu.memref_slice %arg3[%mul3A_45, %dma_start3A_49] : memref<320000x64xf32, #tpu.memory_space<hbm>> -> memref<128x64xf32, #tpu.memory_space<hbm>>
        tpu.enqueue_dma source(%dma_start3A_50 : memref<128x64xf32, #tpu.memory_space<hbm>>) target(%arg10 : memref<128x64xf32, #tpu.memory_space<vmem>>) target_semaphore(%arg17 : memref<!tpu.dma_semaphore, #tpu.memory_space<semaphore_mem>>)
      } else {
      }
      %scan3A_39 = arith.constant 0 : i32
      %scan3A_40 = arith.constant 0 : i32
      %scan3A_41 = arith.constant 79 : i32
      %scan3A_42 = arith.addi %scan3A_40, %scan3A_41 : i32
      %scan3A_43 = arith.constant 1 : i32
      scf.for %scan3A_45 = %scan3A_40 to %scan3A_42 step %scan3A_43  : i32 {
        %mul3A = arith.constant 2 : i32
        %mul3A_46 = arith.muli %mul3A, %scan3A_45 : i32
        %add3A_47 = arith.constant 0 : i32
        %add3A_48 = arith.addi %mul3A_46, %add3A_47 : i32
        %add3A_49 = arith.constant 1 : i32
        %add3A_50 = arith.addi %add3A_48, %add3A_49 : i32
        %mul3A_51 = arith.constant 16 : i32
        %mul3A_52 = arith.muli %add3A_50, %mul3A_51 : i32
        %add3A_53 = arith.addi %arg1, %mul3A_52 : i32
        %lt3A_54 = arith.constant 2500 : i32
        %lt3A_55 = arith.cmpi slt, %add3A_53, %lt3A_54 : i32
        %convert_element_type3A_56 = arith.extui %lt3A_55 : i1 to i32
        %cond3A_57 = arith.constant 0 : i32
        %cond3A_58 = arith.cmpi ne, %convert_element_type3A_56, %cond3A_57 : i32
        scf.if %cond3A_58 {
          %mul3A_89 = arith.constant 128 : i32
          %mul3A_90 = arith.muli %add3A_53, %mul3A_89 : i32
          %dma_start3A = tpu.memref_slice %arg4[%mul3A_90] : memref<320000xi32, #tpu.memory_space<hbm>> -> memref<128xi32, #tpu.memory_space<hbm>>
          %dma_start3A_91 = tpu.memref_slice %arg4[%mul3A_90] : memref<320000xi32, #tpu.memory_space<hbm>> -> memref<128xi32, #tpu.memory_space<hbm>>
          tpu.enqueue_dma source(%dma_start3A_91 : memref<128xi32, #tpu.memory_space<hbm>>) target(%arg8 : memref<128xi32, #tpu.memory_space<vmem>>) target_semaphore(%arg18 : memref<!tpu.dma_semaphore, #tpu.memory_space<semaphore_mem>>)
          %dma_start3A_92 = arith.constant 0 : i32
          %dma_start3A_93 = tpu.memref_slice %arg3[%mul3A_90, %dma_start3A_92] : memref<320000x64xf32, #tpu.memory_space<hbm>> -> memref<128x64xf32, #tpu.memory_space<hbm>>
          %dma_start3A_94 = arith.constant 0 : i32
          %dma_start3A_95 = tpu.memref_slice %arg3[%mul3A_90, %dma_start3A_94] : memref<320000x64xf32, #tpu.memory_space<hbm>> -> memref<128x64xf32, #tpu.memory_space<hbm>>
          tpu.enqueue_dma source(%dma_start3A_95 : memref<128x64xf32, #tpu.memory_space<hbm>>) target(%arg11 : memref<128x64xf32, #tpu.memory_space<vmem>>) target_semaphore(%arg18 : memref<!tpu.dma_semaphore, #tpu.memory_space<semaphore_mem>>)
        } else {
        }
        %mul3A_59 = arith.constant 16 : i32
        %mul3A_60 = arith.muli %add3A_48, %mul3A_59 : i32
        %add3A_61 = arith.addi %arg1, %mul3A_60 : i32
        %lt3A_62 = arith.constant 2500 : i32
        %lt3A_63 = arith.cmpi slt, %add3A_61, %lt3A_62 : i32
        %convert_element_type3A_64 = arith.extui %lt3A_63 : i1 to i32
        %cond3A_65 = arith.constant 0 : i32
        %cond3A_66 = arith.cmpi ne, %convert_element_type3A_64, %cond3A_65 : i32
        scf.if %cond3A_66 {
          %mul3A_89 = arith.constant 128 : i32
          %mul3A_90 = arith.muli %add3A_61, %mul3A_89 : i32
          %dma_wait3A = tpu.memref_slice %arg4[%mul3A_90] : memref<320000xi32, #tpu.memory_space<hbm>> -> memref<128xi32, #tpu.memory_space<hbm>>
          %dma_wait3A_91 = tpu.memref_slice %arg4[%mul3A_90] : memref<320000xi32, #tpu.memory_space<hbm>> -> memref<128xi32, #tpu.memory_space<hbm>>
          tpu.wait_dma2 semaphore(%arg17 : memref<!tpu.dma_semaphore, #tpu.memory_space<semaphore_mem>>) src(%dma_wait3A_91 : memref<128xi32, #tpu.memory_space<hbm>>) dst(%arg7 : memref<128xi32, #tpu.memory_space<vmem>>)
          %dma_wait3A_92 = arith.constant 0 : i32
          %dma_wait3A_93 = tpu.memref_slice %arg3[%mul3A_90, %dma_wait3A_92] : memref<320000x64xf32, #tpu.memory_space<hbm>> -> memref<128x64xf32, #tpu.memory_space<hbm>>
          %dma_wait3A_94 = arith.constant 0 : i32
          %dma_wait3A_95 = tpu.memref_slice %arg3[%mul3A_90, %dma_wait3A_94] : memref<320000x64xf32, #tpu.memory_space<hbm>> -> memref<128x64xf32, #tpu.memory_space<hbm>>
          tpu.wait_dma2 semaphore(%arg17 : memref<!tpu.dma_semaphore, #tpu.memory_space<semaphore_mem>>) src(%dma_wait3A_95 : memref<128x64xf32, #tpu.memory_space<hbm>>) dst(%arg10 : memref<128x64xf32, #tpu.memory_space<vmem>>)
          "tpu.region"() ({
            %run_scoped3A = tpu.sem_alloc : memref<!tpu.dma_semaphore, #tpu.memory_space<semaphore_mem>>
            %dma_start3A = arith.constant 0 : i32
            %dma_start3A_96 = arith.constant 0 : i32
            %dma_start3A_97 = tpu.memref_slice %arg15[%dma_start3A, %dma_start3A_96] : memref<10240x64xf32, #tpu.memory_space<vmem_shared>> -> memref<10240x64xf32, #tpu.memory_space<vmem_shared>>
            tpu.enqueue_indirect_dma source(%arg10 : memref<128x64xf32, #tpu.memory_space<vmem>>) target(%dma_start3A_97 : memref<10240x64xf32, #tpu.memory_space<vmem_shared>>) offsets(%arg7 : memref<128xi32, #tpu.memory_space<vmem>>) semaphore(%run_scoped3A : memref<!tpu.dma_semaphore, #tpu.memory_space<semaphore_mem>>) {add = true}
            %dma_wait3A_98 = arith.constant 0 : i32
            %dma_wait3A_99 = arith.constant 0 : i32
            %dma_wait3A_100 = tpu.memref_slice %arg15[%dma_wait3A_98, %dma_wait3A_99] : memref<10240x64xf32, #tpu.memory_space<vmem_shared>> -> memref<10240x64xf32, #tpu.memory_space<vmem_shared>>
            tpu.wait_indirect_dma semaphore(%run_scoped3A : memref<!tpu.dma_semaphore, #tpu.memory_space<semaphore_mem>>) src(%arg10 : memref<128x64xf32, #tpu.memory_space<vmem>>) dst(%dma_wait3A_100 : memref<10240x64xf32, #tpu.memory_space<vmem_shared>>)
            tpu.yield
          }) : () -> ()
        } else {
        }
        %mul3A_67 = arith.constant 2 : i32
        %mul3A_68 = arith.muli %mul3A_67, %scan3A_45 : i32
        %add3A_69 = arith.constant 1 : i32
        %add3A_70 = arith.addi %mul3A_68, %add3A_69 : i32
        %add3A_71 = arith.constant 1 : i32
        %add3A_72 = arith.addi %add3A_70, %add3A_71 : i32
        %mul3A_73 = arith.constant 16 : i32
        %mul3A_74 = arith.muli %add3A_72, %mul3A_73 : i32
        %add3A_75 = arith.addi %arg1, %mul3A_74 : i32
        %lt3A_76 = arith.constant 2500 : i32
        %lt3A_77 = arith.cmpi slt, %add3A_75, %lt3A_76 : i32
        %convert_element_type3A_78 = arith.extui %lt3A_77 : i1 to i32
        %cond3A_79 = arith.constant 0 : i32
        %cond3A_80 = arith.cmpi ne, %convert_element_type3A_78, %cond3A_79 : i32
        scf.if %cond3A_80 {
          %mul3A_89 = arith.constant 128 : i32
          %mul3A_90 = arith.muli %add3A_75, %mul3A_89 : i32
          %dma_start3A = tpu.memref_slice %arg4[%mul3A_90] : memref<320000xi32, #tpu.memory_space<hbm>> -> memref<128xi32, #tpu.memory_space<hbm>>
          %dma_start3A_91 = tpu.memref_slice %arg4[%mul3A_90] : memref<320000xi32, #tpu.memory_space<hbm>> -> memref<128xi32, #tpu.memory_space<hbm>>
          tpu.enqueue_dma source(%dma_start3A_91 : memref<128xi32, #tpu.memory_space<hbm>>) target(%arg7 : memref<128xi32, #tpu.memory_space<vmem>>) target_semaphore(%arg17 : memref<!tpu.dma_semaphore, #tpu.memory_space<semaphore_mem>>)
          %dma_start3A_92 = arith.constant 0 : i32
          %dma_start3A_93 = tpu.memref_slice %arg3[%mul3A_90, %dma_start3A_92] : memref<320000x64xf32, #tpu.memory_space<hbm>> -> memref<128x64xf32, #tpu.memory_space<hbm>>
          %dma_start3A_94 = arith.constant 0 : i32
          %dma_start3A_95 = tpu.memref_slice %arg3[%mul3A_90, %dma_start3A_94] : memref<320000x64xf32, #tpu.memory_space<hbm>> -> memref<128x64xf32, #tpu.memory_space<hbm>>
          tpu.enqueue_dma source(%dma_start3A_95 : memref<128x64xf32, #tpu.memory_space<hbm>>) target(%arg10 : memref<128x64xf32, #tpu.memory_space<vmem>>) target_semaphore(%arg17 : memref<!tpu.dma_semaphore, #tpu.memory_space<semaphore_mem>>)
        } else {
        }
        %mul3A_81 = arith.constant 16 : i32
        %mul3A_82 = arith.muli %add3A_70, %mul3A_81 : i32
        %add3A_83 = arith.addi %arg1, %mul3A_82 : i32
        %lt3A_84 = arith.constant 2500 : i32
        %lt3A_85 = arith.cmpi slt, %add3A_83, %lt3A_84 : i32
        %convert_element_type3A_86 = arith.extui %lt3A_85 : i1 to i32
        %cond3A_87 = arith.constant 0 : i32
        %cond3A_88 = arith.cmpi ne, %convert_element_type3A_86, %cond3A_87 : i32
        scf.if %cond3A_88 {
          %mul3A_89 = arith.constant 128 : i32
          %mul3A_90 = arith.muli %add3A_83, %mul3A_89 : i32
          %dma_wait3A = tpu.memref_slice %arg4[%mul3A_90] : memref<320000xi32, #tpu.memory_space<hbm>> -> memref<128xi32, #tpu.memory_space<hbm>>
          %dma_wait3A_91 = tpu.memref_slice %arg4[%mul3A_90] : memref<320000xi32, #tpu.memory_space<hbm>> -> memref<128xi32, #tpu.memory_space<hbm>>
          tpu.wait_dma2 semaphore(%arg18 : memref<!tpu.dma_semaphore, #tpu.memory_space<semaphore_mem>>) src(%dma_wait3A_91 : memref<128xi32, #tpu.memory_space<hbm>>) dst(%arg8 : memref<128xi32, #tpu.memory_space<vmem>>)
          %dma_wait3A_92 = arith.constant 0 : i32
          %dma_wait3A_93 = tpu.memref_slice %arg3[%mul3A_90, %dma_wait3A_92] : memref<320000x64xf32, #tpu.memory_space<hbm>> -> memref<128x64xf32, #tpu.memory_space<hbm>>
          %dma_wait3A_94 = arith.constant 0 : i32
          %dma_wait3A_95 = tpu.memref_slice %arg3[%mul3A_90, %dma_wait3A_94] : memref<320000x64xf32, #tpu.memory_space<hbm>> -> memref<128x64xf32, #tpu.memory_space<hbm>>
          tpu.wait_dma2 semaphore(%arg18 : memref<!tpu.dma_semaphore, #tpu.memory_space<semaphore_mem>>) src(%dma_wait3A_95 : memref<128x64xf32, #tpu.memory_space<hbm>>) dst(%arg11 : memref<128x64xf32, #tpu.memory_space<vmem>>)
          "tpu.region"() ({
            %run_scoped3A = tpu.sem_alloc : memref<!tpu.dma_semaphore, #tpu.memory_space<semaphore_mem>>
            %dma_start3A = arith.constant 0 : i32
            %dma_start3A_96 = arith.constant 0 : i32
            %dma_start3A_97 = tpu.memref_slice %arg15[%dma_start3A, %dma_start3A_96] : memref<10240x64xf32, #tpu.memory_space<vmem_shared>> -> memref<10240x64xf32, #tpu.memory_space<vmem_shared>>
            tpu.enqueue_indirect_dma source(%arg11 : memref<128x64xf32, #tpu.memory_space<vmem>>) target(%dma_start3A_97 : memref<10240x64xf32, #tpu.memory_space<vmem_shared>>) offsets(%arg8 : memref<128xi32, #tpu.memory_space<vmem>>) semaphore(%run_scoped3A : memref<!tpu.dma_semaphore, #tpu.memory_space<semaphore_mem>>) {add = true}
            %dma_wait3A_98 = arith.constant 0 : i32
            %dma_wait3A_99 = arith.constant 0 : i32
            %dma_wait3A_100 = tpu.memref_slice %arg15[%dma_wait3A_98, %dma_wait3A_99] : memref<10240x64xf32, #tpu.memory_space<vmem_shared>> -> memref<10240x64xf32, #tpu.memory_space<vmem_shared>>
            tpu.wait_indirect_dma semaphore(%run_scoped3A : memref<!tpu.dma_semaphore, #tpu.memory_space<semaphore_mem>>) src(%arg11 : memref<128x64xf32, #tpu.memory_space<vmem>>) dst(%dma_wait3A_100 : memref<10240x64xf32, #tpu.memory_space<vmem_shared>>)
            tpu.yield
          }) : () -> ()
        } else {
        }
      }
      %scan3A_44 = arith.constant 79 : i32
    } else {
    }
    %barrier3A_27 = arith.constant 0 : index
    tpu.barrier barrier_id(%barrier3A_27)
    %scan3A_28 = arith.constant 0 : i32
    %scan3A_29 = arith.constant 0 : i32
    %scan3A_30 = arith.constant 5 : i32
    %scan3A_31 = arith.addi %scan3A_29, %scan3A_30 : i32
    %scan3A_32 = arith.constant 1 : i32
    scf.for %scan3A_34 = %scan3A_29 to %scan3A_31 step %scan3A_32  : i32 {
      %mul3A = arith.constant 640 : i32
      %mul3A_35 = arith.muli %arg1, %mul3A : i32
      %mul3A_36 = arith.constant 128 : i32
      %mul3A_37 = arith.muli %scan3A_34, %mul3A_36 : i32
      %add3A = arith.addi %mul3A_35, %mul3A_37 : i32
      %scan3A_38 = arith.constant 0 : i32
      %scan3A_39 = arith.constant 0 : i32
      %scan3A_40 = arith.constant 8 : i32
      %scan3A_41 = arith.addi %scan3A_39, %scan3A_40 : i32
      %scan3A_42 = arith.constant 1 : i32
      scf.for %scan3A_52 = %scan3A_39 to %scan3A_41 step %scan3A_42  : i32 {
        %mul3A_53 = arith.constant 16 : i32
        %mul3A_54 = arith.muli %scan3A_52, %mul3A_53 : i32
        %add3A_55 = arith.addi %add3A, %mul3A_54 : i32
        %add3A_56 = vector.broadcast %add3A_55 : i32 to vector<16xi32>
        %add3A_57 = arith.addi %iota3A, %add3A_56 : vector<16xi32>
        %mul3A_58 = arith.constant 16 : i32
        %mul3A_59 = arith.muli %scan3A_52, %mul3A_58 : i32
        %swap3A = arith.index_cast %mul3A_59 : i32 to index
        %swap3A_60 = tpu.vector_load %arg9[%swap3A] {strides = array<i32>} : memref<128xi32, #tpu.memory_space<vmem>>, vector<16xi32>,
        %swap3A_61 = vector.shape_cast %swap3A_60 : vector<16xi32> to vector<16xi32>
        %swap3A_62 = vector.shape_cast %add3A_57 : vector<16xi32> to vector<16xi32>
        tpu.vector_store %arg9[%swap3A], %swap3A_62 {strides = array<i32>} : memref<128xi32, #tpu.memory_space<vmem>>, vector<16xi32>,
      }
      %scan3A_43 = arith.constant 8 : i32
      "tpu.region"() ({
        %run_scoped3A = tpu.sem_alloc : memref<!tpu.dma_semaphore, #tpu.memory_space<semaphore_mem>>
        %dma_start3A = arith.constant 0 : i32
        %dma_start3A_52 = arith.constant 0 : i32
        %dma_start3A_53 = tpu.memref_slice %arg15[%dma_start3A, %dma_start3A_52] : memref<10240x64xf32, #tpu.memory_space<vmem_shared>> -> memref<10240x64xf32, #tpu.memory_space<vmem_shared>>
        tpu.enqueue_indirect_dma source(%dma_start3A_53 : memref<10240x64xf32, #tpu.memory_space<vmem_shared>>) target(%arg13 : memref<128x64xf32, #tpu.memory_space<vmem>>) offsets(%arg9 : memref<128xi32, #tpu.memory_space<vmem>>) semaphore(%run_scoped3A : memref<!tpu.dma_semaphore, #tpu.memory_space<semaphore_mem>>)
        %dma_wait3A = arith.constant 0 : i32
        %dma_wait3A_54 = arith.constant 0 : i32
        %dma_wait3A_55 = tpu.memref_slice %arg15[%dma_wait3A, %dma_wait3A_54] : memref<10240x64xf32, #tpu.memory_space<vmem_shared>> -> memref<10240x64xf32, #tpu.memory_space<vmem_shared>>
        tpu.wait_indirect_dma semaphore(%run_scoped3A : memref<!tpu.dma_semaphore, #tpu.memory_space<semaphore_mem>>) src(%dma_wait3A_55 : memref<10240x64xf32, #tpu.memory_space<vmem_shared>>) dst(%arg13 : memref<128x64xf32, #tpu.memory_space<vmem>>)
        tpu.yield
      }) : () -> ()
      %mul3A_44 = arith.constant 10240 : i32
      %mul3A_45 = arith.muli %arg0, %mul3A_44 : i32
      %add3A_46 = arith.addi %mul3A_45, %add3A : i32
      "tpu.region"() ({
        %run_scoped3A = tpu.sem_alloc : memref<!tpu.dma_semaphore, #tpu.memory_space<semaphore_mem>>
        %dma_start3A = arith.constant 0 : i32
        %dma_start3A_52 = tpu.memref_slice %arg5[%add3A_46, %dma_start3A] : memref<20480x64xf32, #tpu.memory_space<hbm>> -> memref<128x64xf32, #tpu.memory_space<hbm>>
        %dma_start3A_53 = arith.constant 0 : i32
        %dma_start3A_54 = tpu.memref_slice %arg5[%add3A_46, %dma_start3A_53] : memref<20480x64xf32, #tpu.memory_space<hbm>> -> memref<128x64xf32, #tpu.memory_space<hbm>>
        tpu.enqueue_dma source(%arg13 : memref<128x64xf32, #tpu.memory_space<vmem>>) target(%dma_start3A_54 : memref<128x64xf32, #tpu.memory_space<hbm>>) target_semaphore(%run_scoped3A : memref<!tpu.dma_semaphore, #tpu.memory_space<semaphore_mem>>)
        %dma_wait3A = arith.constant 0 : i32
        %dma_wait3A_55 = tpu.memref_slice %arg5[%add3A_46, %dma_wait3A] : memref<20480x64xf32, #tpu.memory_space<hbm>> -> memref<128x64xf32, #tpu.memory_space<hbm>>
        %dma_wait3A_56 = arith.constant 0 : i32
        %dma_wait3A_57 = tpu.memref_slice %arg5[%add3A_46, %dma_wait3A_56] : memref<20480x64xf32, #tpu.memory_space<hbm>> -> memref<128x64xf32, #tpu.memory_space<hbm>>
        tpu.wait_dma2 semaphore(%run_scoped3A : memref<!tpu.dma_semaphore, #tpu.memory_space<semaphore_mem>>) src(%arg13 : memref<128x64xf32, #tpu.memory_space<vmem>>) dst(%dma_wait3A_57 : memref<128x64xf32, #tpu.memory_space<hbm>>)
        tpu.yield
      }) : () -> ()
      %eq3A_47 = arith.constant 0 : i32
      %eq3A_48 = arith.cmpi eq, %arg0, %eq3A_47 : i32
      %convert_element_type3A_49 = arith.extui %eq3A_48 : i1 to i32
      %cond3A_50 = arith.constant 0 : i32
      %cond3A_51 = arith.cmpi ne, %convert_element_type3A_49, %cond3A_50 : i32
      scf.if %cond3A_51 {
        "tpu.region"() ({
          %run_scoped3A = tpu.sem_alloc : memref<!tpu.dma_semaphore, #tpu.memory_space<semaphore_mem>>
          %dma_start3A = arith.constant 0 : i32
          %dma_start3A_52 = arith.constant 0 : i32
          %dma_start3A_53 = tpu.memref_slice %arg16[%dma_start3A, %dma_start3A_52] : memref<10240x16xf32, #tpu.memory_space<vmem_shared>> -> memref<10240x16xf32, #tpu.memory_space<vmem_shared>>
          tpu.enqueue_indirect_dma source(%dma_start3A_53 : memref<10240x16xf32, #tpu.memory_space<vmem_shared>>) target(%arg14 : memref<128x16xf32, #tpu.memory_space<vmem>>) offsets(%arg9 : memref<128xi32, #tpu.memory_space<vmem>>) semaphore(%run_scoped3A : memref<!tpu.dma_semaphore, #tpu.memory_space<semaphore_mem>>)
          %dma_wait3A = arith.constant 0 : i32
          %dma_wait3A_54 = arith.constant 0 : i32
          %dma_wait3A_55 = tpu.memref_slice %arg16[%dma_wait3A, %dma_wait3A_54] : memref<10240x16xf32, #tpu.memory_space<vmem_shared>> -> memref<10240x16xf32, #tpu.memory_space<vmem_shared>>
          tpu.wait_indirect_dma semaphore(%run_scoped3A : memref<!tpu.dma_semaphore, #tpu.memory_space<semaphore_mem>>) src(%dma_wait3A_55 : memref<10240x16xf32, #tpu.memory_space<vmem_shared>>) dst(%arg14 : memref<128x16xf32, #tpu.memory_space<vmem>>)
          tpu.yield
        }) : () -> ()
        "tpu.region"() ({
          %run_scoped3A = tpu.sem_alloc : memref<!tpu.dma_semaphore, #tpu.memory_space<semaphore_mem>>
          %dma_start3A = arith.constant 0 : i32
          %dma_start3A_52 = tpu.memref_slice %arg6[%add3A, %dma_start3A] : memref<10240x16xf32, #tpu.memory_space<hbm>> -> memref<128x16xf32, #tpu.memory_space<hbm>>
          %dma_start3A_53 = arith.constant 0 : i32
          %dma_start3A_54 = tpu.memref_slice %arg6[%add3A, %dma_start3A_53] : memref<10240x16xf32, #tpu.memory_space<hbm>> -> memref<128x16xf32, #tpu.memory_space<hbm>>
          tpu.enqueue_dma source(%arg14 : memref<128x16xf32, #tpu.memory_space<vmem>>) target(%dma_start3A_54 : memref<128x16xf32, #tpu.memory_space<hbm>>) target_semaphore(%run_scoped3A : memref<!tpu.dma_semaphore, #tpu.memory_space<semaphore_mem>>)
          %dma_wait3A = arith.constant 0 : i32
          %dma_wait3A_55 = tpu.memref_slice %arg6[%add3A, %dma_wait3A] : memref<10240x16xf32, #tpu.memory_space<hbm>> -> memref<128x16xf32, #tpu.memory_space<hbm>>
          %dma_wait3A_56 = arith.constant 0 : i32
          %dma_wait3A_57 = tpu.memref_slice %arg6[%add3A, %dma_wait3A_56] : memref<10240x16xf32, #tpu.memory_space<hbm>> -> memref<128x16xf32, #tpu.memory_space<hbm>>
          tpu.wait_dma2 semaphore(%run_scoped3A : memref<!tpu.dma_semaphore, #tpu.memory_space<semaphore_mem>>) src(%arg14 : memref<128x16xf32, #tpu.memory_space<vmem>>) dst(%dma_wait3A_57 : memref<128x16xf32, #tpu.memory_space<hbm>>)
          tpu.yield
        }) : () -> ()
      } else {
      }
    }
    %scan3A_33 = arith.constant 5 : i32
    return
  }
}

#map = affine_map<(d0, d1) -> (0, 0)>
#map1 = affine_map<(d0, d1) -> (0)>
module attributes {stable_mosaic.version = 14 : i64} {
  func.func @k(%arg0: i32, %arg1: i32, %arg2: memref<10000x128xbf16, #tpu.memory_space<hbm>>, %arg3: memref<320000xi32, #tpu.memory_space<hbm>>, %arg4: memref<320000x16xf32, #tpu.memory_space<hbm>>, %arg5: memref<320000x128xbf16, #tpu.memory_space<hbm>>, %arg6: memref<20480x16xf32, #tpu.memory_space<hbm>>, %arg7: memref<20480x16xf32, #tpu.memory_space<hbm>>, %arg8: memref<128xi32, #tpu.memory_space<vmem>>, %arg9: memref<128xi32, #tpu.memory_space<vmem>>, %arg10: memref<128xi32, #tpu.memory_space<vmem>>, %arg11: memref<128x128xbf16, #tpu.memory_space<vmem>>, %arg12: memref<128x128xbf16, #tpu.memory_space<vmem>>, %arg13: memref<128x16xf32, #tpu.memory_space<vmem>>, %arg14: memref<128x16xf32, #tpu.memory_space<vmem>>, %arg15: memref<128x16xf32, #tpu.memory_space<vmem>>, %arg16: memref<128x16xf32, #tpu.memory_space<vmem>>, %arg17: memref<10240x16xf32, #tpu.memory_space<vmem_shared>>, %arg18: memref<10240x16xf32, #tpu.memory_space<vmem_shared>>, %arg19: memref<!tpu.dma_semaphore, #tpu.memory_space<semaphore_mem>>, %arg20: memref<!tpu.dma_semaphore, #tpu.memory_space<semaphore_mem>>, %arg21: memref<!tpu.dma_semaphore, #tpu.memory_space<semaphore_mem>>, %arg22: memref<!tpu.dma_semaphore, #tpu.memory_space<semaphore_mem>>) attributes {dimension_semantics = [#tpu.dimension_semantics<core_parallel>, #tpu.dimension_semantics<subcore_parallel>], iteration_bounds = array<i64: 2, 16>, scalar_prefetch = 0 : i64, scratch_operands = 15 : i64, tpu.core_type = #tpu.core_type<sc_vector_subcore>, window_params = [{transform_indices = #map}, {transform_indices = #map1}, {transform_indices = #map}, {transform_indices = #map}, {transform_indices = #map}, {transform_indices = #map}]} {
    %mul3A = arith.constant 2 : i32
    %mul3A_0 = arith.muli %arg1, %mul3A : i32
    %add3A = arith.addi %mul3A_0, %arg0 : i32
    %broadcast_in_dim3A = arith.constant 0.000000e+00 : f32
    %broadcast_in_dim3A_1 = vector.broadcast %broadcast_in_dim3A : f32 to vector<16xf32>
    %broadcast_in_dim3A_2 = arith.constant 1.000000e+00 : f32
    %broadcast_in_dim3A_3 = vector.broadcast %broadcast_in_dim3A_2 : f32 to vector<16xf32>
    %iota3A = tpu.iota {dimensions = array<i32: 0>} : vector<16xi32>
    %scan3A = arith.constant 0 : i32
    %scan3A_4 = arith.constant 0 : i32
    %scan3A_5 = arith.constant 128 : i32
    %scan3A_6 = arith.addi %scan3A_4, %scan3A_5 : i32
    %scan3A_7 = arith.constant 1 : i32
    scf.for %scan3A_46 = %scan3A_4 to %scan3A_6 step %scan3A_7  : i32 {
      %swap3A = arith.index_cast %scan3A_46 : i32 to index
      %swap3A_47 = arith.constant 0 : index
      %swap3A_48 = tpu.vector_load %arg16[%swap3A, %swap3A_47] {strides = array<i32>} : memref<128x16xf32, #tpu.memory_space<vmem>>, vector<1x16xf32>,
      %swap3A_49 = vector.shape_cast %swap3A_48 : vector<1x16xf32> to vector<16xf32>
      %swap3A_50 = vector.shape_cast %broadcast_in_dim3A_1 : vector<16xf32> to vector<1x16xf32>
      tpu.vector_store %arg16[%swap3A, %swap3A_47], %swap3A_50 {strides = array<i32>} : memref<128x16xf32, #tpu.memory_space<vmem>>, vector<1x16xf32>,
    }
    %scan3A_8 = arith.constant 128 : i32
    %scan3A_9 = arith.constant 0 : i32
    %scan3A_10 = arith.constant 0 : i32
    %scan3A_11 = arith.constant 128 : i32
    %scan3A_12 = arith.addi %scan3A_10, %scan3A_11 : i32
    %scan3A_13 = arith.constant 1 : i32
    scf.for %scan3A_46 = %scan3A_10 to %scan3A_12 step %scan3A_13  : i32 {
      %swap3A = arith.index_cast %scan3A_46 : i32 to index
      %swap3A_47 = arith.constant 0 : index
      %swap3A_48 = tpu.vector_load %arg15[%swap3A, %swap3A_47] {strides = array<i32>} : memref<128x16xf32, #tpu.memory_space<vmem>>, vector<1x16xf32>,
      %swap3A_49 = vector.shape_cast %swap3A_48 : vector<1x16xf32> to vector<16xf32>
      %swap3A_50 = vector.shape_cast %broadcast_in_dim3A_3 : vector<16xf32> to vector<1x16xf32>
      tpu.vector_store %arg15[%swap3A, %swap3A_47], %swap3A_50 {strides = array<i32>} : memref<128x16xf32, #tpu.memory_space<vmem>>, vector<1x16xf32>,
    }
    %scan3A_14 = arith.constant 128 : i32
    %scan3A_15 = arith.constant 0 : i32
    %scan3A_16 = arith.constant 0 : i32
    %scan3A_17 = arith.constant 5 : i32
    %scan3A_18 = arith.addi %scan3A_16, %scan3A_17 : i32
    %scan3A_19 = arith.constant 1 : i32
    scf.for %scan3A_46 = %scan3A_16 to %scan3A_18 step %scan3A_19  : i32 {
      %mul3A_47 = arith.constant 640 : i32
      %mul3A_48 = arith.muli %arg1, %mul3A_47 : i32
      %mul3A_49 = arith.constant 128 : i32
      %mul3A_50 = arith.muli %scan3A_46, %mul3A_49 : i32
      %add3A_51 = arith.addi %mul3A_48, %mul3A_50 : i32
      %scan3A_52 = arith.constant 0 : i32
      %scan3A_53 = arith.constant 0 : i32
      %scan3A_54 = arith.constant 8 : i32
      %scan3A_55 = arith.addi %scan3A_53, %scan3A_54 : i32
      %scan3A_56 = arith.constant 1 : i32
      scf.for %scan3A_58 = %scan3A_53 to %scan3A_55 step %scan3A_56  : i32 {
        %mul3A_59 = arith.constant 16 : i32
        %mul3A_60 = arith.muli %scan3A_58, %mul3A_59 : i32
        %add3A_61 = arith.addi %add3A_51, %mul3A_60 : i32
        %add3A_62 = vector.broadcast %add3A_61 : i32 to vector<16xi32>
        %add3A_63 = arith.addi %iota3A, %add3A_62 : vector<16xi32>
        %mul3A_64 = arith.constant 16 : i32
        %mul3A_65 = arith.muli %scan3A_58, %mul3A_64 : i32
        %swap3A = arith.index_cast %mul3A_65 : i32 to index
        %swap3A_66 = tpu.vector_load %arg10[%swap3A] {strides = array<i32>} : memref<128xi32, #tpu.memory_space<vmem>>, vector<16xi32>,
        %swap3A_67 = vector.shape_cast %swap3A_66 : vector<16xi32> to vector<16xi32>
        %swap3A_68 = vector.shape_cast %add3A_63 : vector<16xi32> to vector<16xi32>
        tpu.vector_store %arg10[%swap3A], %swap3A_68 {strides = array<i32>} : memref<128xi32, #tpu.memory_space<vmem>>, vector<16xi32>,
      }
      %scan3A_57 = arith.constant 8 : i32
      "tpu.region"() ({
        %run_scoped3A = tpu.sem_alloc : memref<!tpu.dma_semaphore, #tpu.memory_space<semaphore_mem>>
        %dma_start3A = arith.constant 0 : i32
        %dma_start3A_58 = arith.constant 0 : i32
        %dma_start3A_59 = tpu.memref_slice %arg17[%dma_start3A, %dma_start3A_58] : memref<10240x16xf32, #tpu.memory_space<vmem_shared>> -> memref<10240x16xf32, #tpu.memory_space<vmem_shared>>
        tpu.enqueue_indirect_dma source(%arg16 : memref<128x16xf32, #tpu.memory_space<vmem>>) target(%dma_start3A_59 : memref<10240x16xf32, #tpu.memory_space<vmem_shared>>) offsets(%arg10 : memref<128xi32, #tpu.memory_space<vmem>>) semaphore(%run_scoped3A : memref<!tpu.dma_semaphore, #tpu.memory_space<semaphore_mem>>)
        %dma_wait3A = arith.constant 0 : i32
        %dma_wait3A_60 = arith.constant 0 : i32
        %dma_wait3A_61 = tpu.memref_slice %arg17[%dma_wait3A, %dma_wait3A_60] : memref<10240x16xf32, #tpu.memory_space<vmem_shared>> -> memref<10240x16xf32, #tpu.memory_space<vmem_shared>>
        tpu.wait_indirect_dma semaphore(%run_scoped3A : memref<!tpu.dma_semaphore, #tpu.memory_space<semaphore_mem>>) src(%arg16 : memref<128x16xf32, #tpu.memory_space<vmem>>) dst(%dma_wait3A_61 : memref<10240x16xf32, #tpu.memory_space<vmem_shared>>)
        tpu.yield
      }) : () -> ()
      "tpu.region"() ({
        %run_scoped3A = tpu.sem_alloc : memref<!tpu.dma_semaphore, #tpu.memory_space<semaphore_mem>>
        %dma_start3A = arith.constant 0 : i32
        %dma_start3A_58 = arith.constant 0 : i32
        %dma_start3A_59 = tpu.memref_slice %arg18[%dma_start3A, %dma_start3A_58] : memref<10240x16xf32, #tpu.memory_space<vmem_shared>> -> memref<10240x16xf32, #tpu.memory_space<vmem_shared>>
        tpu.enqueue_indirect_dma source(%arg16 : memref<128x16xf32, #tpu.memory_space<vmem>>) target(%dma_start3A_59 : memref<10240x16xf32, #tpu.memory_space<vmem_shared>>) offsets(%arg10 : memref<128xi32, #tpu.memory_space<vmem>>) semaphore(%run_scoped3A : memref<!tpu.dma_semaphore, #tpu.memory_space<semaphore_mem>>)
        %dma_wait3A = arith.constant 0 : i32
        %dma_wait3A_60 = arith.constant 0 : i32
        %dma_wait3A_61 = tpu.memref_slice %arg18[%dma_wait3A, %dma_wait3A_60] : memref<10240x16xf32, #tpu.memory_space<vmem_shared>> -> memref<10240x16xf32, #tpu.memory_space<vmem_shared>>
        tpu.wait_indirect_dma semaphore(%run_scoped3A : memref<!tpu.dma_semaphore, #tpu.memory_space<semaphore_mem>>) src(%arg16 : memref<128x16xf32, #tpu.memory_space<vmem>>) dst(%dma_wait3A_61 : memref<10240x16xf32, #tpu.memory_space<vmem_shared>>)
        tpu.yield
      }) : () -> ()
    }
    %scan3A_20 = arith.constant 5 : i32
    %barrier3A = arith.constant 0 : index
    tpu.barrier barrier_id(%barrier3A)
    %add3A_21 = arith.constant 0 : i32
    %add3A_22 = arith.addi %add3A, %add3A_21 : i32
    %lt3A = arith.constant 2500 : i32
    %lt3A_23 = arith.cmpi slt, %add3A_22, %lt3A : i32
    %convert_element_type3A = arith.extui %lt3A_23 : i1 to i32
    %cond3A = arith.constant 0 : i32
    %cond3A_24 = arith.cmpi ne, %convert_element_type3A, %cond3A : i32
    scf.if %cond3A_24 {
      %mul3A_46 = arith.constant 128 : i32
      %mul3A_47 = arith.muli %add3A_22, %mul3A_46 : i32
      %dma_start3A = tpu.memref_slice %arg3[%mul3A_47] : memref<320000xi32, #tpu.memory_space<hbm>> -> memref<128xi32, #tpu.memory_space<hbm>>
      %dma_start3A_48 = tpu.memref_slice %arg3[%mul3A_47] : memref<320000xi32, #tpu.memory_space<hbm>> -> memref<128xi32, #tpu.memory_space<hbm>>
      tpu.enqueue_dma source(%dma_start3A_48 : memref<128xi32, #tpu.memory_space<hbm>>) target(%arg8 : memref<128xi32, #tpu.memory_space<vmem>>) target_semaphore(%arg19 : memref<!tpu.dma_semaphore, #tpu.memory_space<semaphore_mem>>)
      %dma_start3A_49 = arith.constant 0 : i32
      %dma_start3A_50 = tpu.memref_slice %arg4[%mul3A_47, %dma_start3A_49] : memref<320000x16xf32, #tpu.memory_space<hbm>> -> memref<128x16xf32, #tpu.memory_space<hbm>>
      %dma_start3A_51 = arith.constant 0 : i32
      %dma_start3A_52 = tpu.memref_slice %arg4[%mul3A_47, %dma_start3A_51] : memref<320000x16xf32, #tpu.memory_space<hbm>> -> memref<128x16xf32, #tpu.memory_space<hbm>>
      tpu.enqueue_dma source(%dma_start3A_52 : memref<128x16xf32, #tpu.memory_space<hbm>>) target(%arg13 : memref<128x16xf32, #tpu.memory_space<vmem>>) target_semaphore(%arg19 : memref<!tpu.dma_semaphore, #tpu.memory_space<semaphore_mem>>)
    } else {
    }
    %scan3A_25 = arith.constant 0 : i32
    %scan3A_26 = arith.constant 0 : i32
    %scan3A_27 = arith.constant 40 : i32
    %scan3A_28 = arith.addi %scan3A_26, %scan3A_27 : i32
    %scan3A_29 = arith.constant 1 : i32
    scf.for %scan3A_46 = %scan3A_26 to %scan3A_28 step %scan3A_29  : i32 {
      %mul3A_47 = arith.constant 2 : i32
      %mul3A_48 = arith.muli %mul3A_47, %scan3A_46 : i32
      %add3A_49 = arith.constant 0 : i32
      %add3A_50 = arith.addi %mul3A_48, %add3A_49 : i32
      %mul3A_51 = arith.constant 32 : i32
      %mul3A_52 = arith.muli %add3A_50, %mul3A_51 : i32
      %add3A_53 = arith.addi %add3A, %mul3A_52 : i32
      %lt3A_54 = arith.constant 2500 : i32
      %lt3A_55 = arith.cmpi slt, %add3A_53, %lt3A_54 : i32
      %convert_element_type3A_56 = arith.extui %lt3A_55 : i1 to i32
      %cond3A_57 = arith.constant 0 : i32
      %cond3A_58 = arith.cmpi ne, %convert_element_type3A_56, %cond3A_57 : i32
      scf.if %cond3A_58 {
        %mul3A_132 = arith.constant 128 : i32
        %mul3A_133 = arith.muli %add3A_53, %mul3A_132 : i32
        %dma_wait3A = tpu.memref_slice %arg3[%mul3A_133] : memref<320000xi32, #tpu.memory_space<hbm>> -> memref<128xi32, #tpu.memory_space<hbm>>
        %dma_wait3A_134 = tpu.memref_slice %arg3[%mul3A_133] : memref<320000xi32, #tpu.memory_space<hbm>> -> memref<128xi32, #tpu.memory_space<hbm>>
        tpu.wait_dma2 semaphore(%arg19 : memref<!tpu.dma_semaphore, #tpu.memory_space<semaphore_mem>>) src(%dma_wait3A_134 : memref<128xi32, #tpu.memory_space<hbm>>) dst(%arg8 : memref<128xi32, #tpu.memory_space<vmem>>)
        %dma_wait3A_135 = arith.constant 0 : i32
        %dma_wait3A_136 = tpu.memref_slice %arg4[%mul3A_133, %dma_wait3A_135] : memref<320000x16xf32, #tpu.memory_space<hbm>> -> memref<128x16xf32, #tpu.memory_space<hbm>>
        %dma_wait3A_137 = arith.constant 0 : i32
        %dma_wait3A_138 = tpu.memref_slice %arg4[%mul3A_133, %dma_wait3A_137] : memref<320000x16xf32, #tpu.memory_space<hbm>> -> memref<128x16xf32, #tpu.memory_space<hbm>>
        tpu.wait_dma2 semaphore(%arg19 : memref<!tpu.dma_semaphore, #tpu.memory_space<semaphore_mem>>) src(%dma_wait3A_138 : memref<128x16xf32, #tpu.memory_space<hbm>>) dst(%arg13 : memref<128x16xf32, #tpu.memory_space<vmem>>)
      } else {
      }
      %mul3A_59 = arith.constant 32 : i32
      %mul3A_60 = arith.muli %add3A_50, %mul3A_59 : i32
      %add3A_61 = arith.addi %add3A, %mul3A_60 : i32
      %lt3A_62 = arith.constant 2500 : i32
      %lt3A_63 = arith.cmpi slt, %add3A_61, %lt3A_62 : i32
      %convert_element_type3A_64 = arith.extui %lt3A_63 : i1 to i32
      %cond3A_65 = arith.constant 0 : i32
      %cond3A_66 = arith.cmpi ne, %convert_element_type3A_64, %cond3A_65 : i32
      scf.if %cond3A_66 {
        %dma_start3A = arith.constant 0 : i32
        %dma_start3A_132 = arith.constant 0 : i32
        %dma_start3A_133 = tpu.memref_slice %arg2[%dma_start3A, %dma_start3A_132] : memref<10000x128xbf16, #tpu.memory_space<hbm>> -> memref<10000x128xbf16, #tpu.memory_space<hbm>>
        tpu.enqueue_indirect_dma source(%dma_start3A_133 : memref<10000x128xbf16, #tpu.memory_space<hbm>>) target(%arg11 : memref<128x128xbf16, #tpu.memory_space<vmem>>) offsets(%arg8 : memref<128xi32, #tpu.memory_space<vmem>>) semaphore(%arg21 : memref<!tpu.dma_semaphore, #tpu.memory_space<semaphore_mem>>)
      } else {
      }
      %sub3A = arith.constant 1 : i32
      %sub3A_67 = arith.subi %add3A_50, %sub3A : i32
      %mul3A_68 = arith.constant 32 : i32
      %mul3A_69 = arith.muli %sub3A_67, %mul3A_68 : i32
      %add3A_70 = arith.addi %add3A, %mul3A_69 : i32
      %ge3A_71 = arith.constant 0 : i32
      %ge3A_72 = arith.cmpi sge, %add3A_70, %ge3A_71 : i32
      %lt3A_73 = arith.constant 2500 : i32
      %lt3A_74 = arith.cmpi slt, %add3A_70, %lt3A_73 : i32
      %and3A_75 = arith.andi %ge3A_72, %lt3A_74 : i1
      %convert_element_type3A_76 = arith.extui %and3A_75 : i1 to i32
      %cond3A_77 = arith.constant 0 : i32
      %cond3A_78 = arith.cmpi ne, %convert_element_type3A_76, %cond3A_77 : i32
      scf.if %cond3A_78 {
        %mul3A_132 = arith.constant 128 : i32
        %mul3A_133 = arith.muli %add3A_70, %mul3A_132 : i32
        %dma_wait3A = arith.constant 0 : i32
        %dma_wait3A_134 = arith.constant 0 : i32
        %dma_wait3A_135 = tpu.memref_slice %arg2[%dma_wait3A, %dma_wait3A_134] : memref<10000x128xbf16, #tpu.memory_space<hbm>> -> memref<10000x128xbf16, #tpu.memory_space<hbm>>
        tpu.wait_indirect_dma semaphore(%arg22 : memref<!tpu.dma_semaphore, #tpu.memory_space<semaphore_mem>>) src(%dma_wait3A_135 : memref<10000x128xbf16, #tpu.memory_space<hbm>>) dst(%arg12 : memref<128x128xbf16, #tpu.memory_space<vmem>>)
        "tpu.region"() ({
          %run_scoped3A = tpu.sem_alloc : memref<!tpu.dma_semaphore, #tpu.memory_space<semaphore_mem>>
          %dma_start3A = arith.constant 0 : i32
          %dma_start3A_136 = tpu.memref_slice %arg5[%mul3A_133, %dma_start3A] : memref<320000x128xbf16, #tpu.memory_space<hbm>> -> memref<128x128xbf16, #tpu.memory_space<hbm>>
          %dma_start3A_137 = arith.constant 0 : i32
          %dma_start3A_138 = tpu.memref_slice %arg5[%mul3A_133, %dma_start3A_137] : memref<320000x128xbf16, #tpu.memory_space<hbm>> -> memref<128x128xbf16, #tpu.memory_space<hbm>>
          tpu.enqueue_dma source(%arg12 : memref<128x128xbf16, #tpu.memory_space<vmem>>) target(%dma_start3A_138 : memref<128x128xbf16, #tpu.memory_space<hbm>>) target_semaphore(%run_scoped3A : memref<!tpu.dma_semaphore, #tpu.memory_space<semaphore_mem>>)
          %dma_wait3A_139 = arith.constant 0 : i32
          %dma_wait3A_140 = tpu.memref_slice %arg5[%mul3A_133, %dma_wait3A_139] : memref<320000x128xbf16, #tpu.memory_space<hbm>> -> memref<128x128xbf16, #tpu.memory_space<hbm>>
          %dma_wait3A_141 = arith.constant 0 : i32
          %dma_wait3A_142 = tpu.memref_slice %arg5[%mul3A_133, %dma_wait3A_141] : memref<320000x128xbf16, #tpu.memory_space<hbm>> -> memref<128x128xbf16, #tpu.memory_space<hbm>>
          tpu.wait_dma2 semaphore(%run_scoped3A : memref<!tpu.dma_semaphore, #tpu.memory_space<semaphore_mem>>) src(%arg12 : memref<128x128xbf16, #tpu.memory_space<vmem>>) dst(%dma_wait3A_142 : memref<128x128xbf16, #tpu.memory_space<hbm>>)
          tpu.yield
        }) : () -> ()
        "tpu.region"() ({
          %run_scoped3A = tpu.sem_alloc : memref<!tpu.dma_semaphore, #tpu.memory_space<semaphore_mem>>
          %dma_start3A = arith.constant 0 : i32
          %dma_start3A_136 = arith.constant 0 : i32
          %dma_start3A_137 = tpu.memref_slice %arg18[%dma_start3A, %dma_start3A_136] : memref<10240x16xf32, #tpu.memory_space<vmem_shared>> -> memref<10240x16xf32, #tpu.memory_space<vmem_shared>>
          tpu.enqueue_indirect_dma source(%arg14 : memref<128x16xf32, #tpu.memory_space<vmem>>) target(%dma_start3A_137 : memref<10240x16xf32, #tpu.memory_space<vmem_shared>>) offsets(%arg9 : memref<128xi32, #tpu.memory_space<vmem>>) semaphore(%run_scoped3A : memref<!tpu.dma_semaphore, #tpu.memory_space<semaphore_mem>>) {add = true}
          %dma_wait3A_138 = arith.constant 0 : i32
          %dma_wait3A_139 = arith.constant 0 : i32
          %dma_wait3A_140 = tpu.memref_slice %arg18[%dma_wait3A_138, %dma_wait3A_139] : memref<10240x16xf32, #tpu.memory_space<vmem_shared>> -> memref<10240x16xf32, #tpu.memory_space<vmem_shared>>
          tpu.wait_indirect_dma semaphore(%run_scoped3A : memref<!tpu.dma_semaphore, #tpu.memory_space<semaphore_mem>>) src(%arg14 : memref<128x16xf32, #tpu.memory_space<vmem>>) dst(%dma_wait3A_140 : memref<10240x16xf32, #tpu.memory_space<vmem_shared>>)
          tpu.yield
        }) : () -> ()
        "tpu.region"() ({
          %run_scoped3A = tpu.sem_alloc : memref<!tpu.dma_semaphore, #tpu.memory_space<semaphore_mem>>
          %dma_start3A = arith.constant 0 : i32
          %dma_start3A_136 = arith.constant 0 : i32
          %dma_start3A_137 = tpu.memref_slice %arg17[%dma_start3A, %dma_start3A_136] : memref<10240x16xf32, #tpu.memory_space<vmem_shared>> -> memref<10240x16xf32, #tpu.memory_space<vmem_shared>>
          tpu.enqueue_indirect_dma source(%arg15 : memref<128x16xf32, #tpu.memory_space<vmem>>) target(%dma_start3A_137 : memref<10240x16xf32, #tpu.memory_space<vmem_shared>>) offsets(%arg9 : memref<128xi32, #tpu.memory_space<vmem>>) semaphore(%run_scoped3A : memref<!tpu.dma_semaphore, #tpu.memory_space<semaphore_mem>>) {add = true}
          %dma_wait3A_138 = arith.constant 0 : i32
          %dma_wait3A_139 = arith.constant 0 : i32
          %dma_wait3A_140 = tpu.memref_slice %arg17[%dma_wait3A_138, %dma_wait3A_139] : memref<10240x16xf32, #tpu.memory_space<vmem_shared>> -> memref<10240x16xf32, #tpu.memory_space<vmem_shared>>
          tpu.wait_indirect_dma semaphore(%run_scoped3A : memref<!tpu.dma_semaphore, #tpu.memory_space<semaphore_mem>>) src(%arg15 : memref<128x16xf32, #tpu.memory_space<vmem>>) dst(%dma_wait3A_140 : memref<10240x16xf32, #tpu.memory_space<vmem_shared>>)
          tpu.yield
        }) : () -> ()
      } else {
      }
      %add3A_79 = arith.constant 1 : i32
      %add3A_80 = arith.addi %add3A_50, %add3A_79 : i32
      %mul3A_81 = arith.constant 32 : i32
      %mul3A_82 = arith.muli %add3A_80, %mul3A_81 : i32
      %add3A_83 = arith.addi %add3A, %mul3A_82 : i32
      %lt3A_84 = arith.constant 2500 : i32
      %lt3A_85 = arith.cmpi slt, %add3A_83, %lt3A_84 : i32
      %convert_element_type3A_86 = arith.extui %lt3A_85 : i1 to i32
      %cond3A_87 = arith.constant 0 : i32
      %cond3A_88 = arith.cmpi ne, %convert_element_type3A_86, %cond3A_87 : i32
      scf.if %cond3A_88 {
        %mul3A_132 = arith.constant 128 : i32
        %mul3A_133 = arith.muli %add3A_83, %mul3A_132 : i32
        %dma_start3A = tpu.memref_slice %arg3[%mul3A_133] : memref<320000xi32, #tpu.memory_space<hbm>> -> memref<128xi32, #tpu.memory_space<hbm>>
        %dma_start3A_134 = tpu.memref_slice %arg3[%mul3A_133] : memref<320000xi32, #tpu.memory_space<hbm>> -> memref<128xi32, #tpu.memory_space<hbm>>
        tpu.enqueue_dma source(%dma_start3A_134 : memref<128xi32, #tpu.memory_space<hbm>>) target(%arg9 : memref<128xi32, #tpu.memory_space<vmem>>) target_semaphore(%arg20 : memref<!tpu.dma_semaphore, #tpu.memory_space<semaphore_mem>>)
        %dma_start3A_135 = arith.constant 0 : i32
        %dma_start3A_136 = tpu.memref_slice %arg4[%mul3A_133, %dma_start3A_135] : memref<320000x16xf32, #tpu.memory_space<hbm>> -> memref<128x16xf32, #tpu.memory_space<hbm>>
        %dma_start3A_137 = arith.constant 0 : i32
        %dma_start3A_138 = tpu.memref_slice %arg4[%mul3A_133, %dma_start3A_137] : memref<320000x16xf32, #tpu.memory_space<hbm>> -> memref<128x16xf32, #tpu.memory_space<hbm>>
        tpu.enqueue_dma source(%dma_start3A_138 : memref<128x16xf32, #tpu.memory_space<hbm>>) target(%arg14 : memref<128x16xf32, #tpu.memory_space<vmem>>) target_semaphore(%arg20 : memref<!tpu.dma_semaphore, #tpu.memory_space<semaphore_mem>>)
      } else {
      }
      %mul3A_89 = arith.constant 2 : i32
      %mul3A_90 = arith.muli %mul3A_89, %scan3A_46 : i32
      %add3A_91 = arith.constant 1 : i32
      %add3A_92 = arith.addi %mul3A_90, %add3A_91 : i32
      %mul3A_93 = arith.constant 32 : i32
      %mul3A_94 = arith.muli %add3A_92, %mul3A_93 : i32
      %add3A_95 = arith.addi %add3A, %mul3A_94 : i32
      %lt3A_96 = arith.constant 2500 : i32
      %lt3A_97 = arith.cmpi slt, %add3A_95, %lt3A_96 : i32
      %convert_element_type3A_98 = arith.extui %lt3A_97 : i1 to i32
      %cond3A_99 = arith.constant 0 : i32
      %cond3A_100 = arith.cmpi ne, %convert_element_type3A_98, %cond3A_99 : i32
      scf.if %cond3A_100 {
        %mul3A_132 = arith.constant 128 : i32
        %mul3A_133 = arith.muli %add3A_95, %mul3A_132 : i32
        %dma_wait3A = tpu.memref_slice %arg3[%mul3A_133] : memref<320000xi32, #tpu.memory_space<hbm>> -> memref<128xi32, #tpu.memory_space<hbm>>
        %dma_wait3A_134 = tpu.memref_slice %arg3[%mul3A_133] : memref<320000xi32, #tpu.memory_space<hbm>> -> memref<128xi32, #tpu.memory_space<hbm>>
        tpu.wait_dma2 semaphore(%arg20 : memref<!tpu.dma_semaphore, #tpu.memory_space<semaphore_mem>>) src(%dma_wait3A_134 : memref<128xi32, #tpu.memory_space<hbm>>) dst(%arg9 : memref<128xi32, #tpu.memory_space<vmem>>)
        %dma_wait3A_135 = arith.constant 0 : i32
        %dma_wait3A_136 = tpu.memref_slice %arg4[%mul3A_133, %dma_wait3A_135] : memref<320000x16xf32, #tpu.memory_space<hbm>> -> memref<128x16xf32, #tpu.memory_space<hbm>>
        %dma_wait3A_137 = arith.constant 0 : i32
        %dma_wait3A_138 = tpu.memref_slice %arg4[%mul3A_133, %dma_wait3A_137] : memref<320000x16xf32, #tpu.memory_space<hbm>> -> memref<128x16xf32, #tpu.memory_space<hbm>>
        tpu.wait_dma2 semaphore(%arg20 : memref<!tpu.dma_semaphore, #tpu.memory_space<semaphore_mem>>) src(%dma_wait3A_138 : memref<128x16xf32, #tpu.memory_space<hbm>>) dst(%arg14 : memref<128x16xf32, #tpu.memory_space<vmem>>)
      } else {
      }
      %mul3A_101 = arith.constant 32 : i32
      %mul3A_102 = arith.muli %add3A_92, %mul3A_101 : i32
      %add3A_103 = arith.addi %add3A, %mul3A_102 : i32
      %lt3A_104 = arith.constant 2500 : i32
      %lt3A_105 = arith.cmpi slt, %add3A_103, %lt3A_104 : i32
      %convert_element_type3A_106 = arith.extui %lt3A_105 : i1 to i32
      %cond3A_107 = arith.constant 0 : i32
      %cond3A_108 = arith.cmpi ne, %convert_element_type3A_106, %cond3A_107 : i32
      scf.if %cond3A_108 {
        %dma_start3A = arith.constant 0 : i32
        %dma_start3A_132 = arith.constant 0 : i32
        %dma_start3A_133 = tpu.memref_slice %arg2[%dma_start3A, %dma_start3A_132] : memref<10000x128xbf16, #tpu.memory_space<hbm>> -> memref<10000x128xbf16, #tpu.memory_space<hbm>>
        tpu.enqueue_indirect_dma source(%dma_start3A_133 : memref<10000x128xbf16, #tpu.memory_space<hbm>>) target(%arg12 : memref<128x128xbf16, #tpu.memory_space<vmem>>) offsets(%arg9 : memref<128xi32, #tpu.memory_space<vmem>>) semaphore(%arg22 : memref<!tpu.dma_semaphore, #tpu.memory_space<semaphore_mem>>)
      } else {
      }
      %sub3A_109 = arith.constant 1 : i32
      %sub3A_110 = arith.subi %add3A_92, %sub3A_109 : i32
      %mul3A_111 = arith.constant 32 : i32
      %mul3A_112 = arith.muli %sub3A_110, %mul3A_111 : i32
      %add3A_113 = arith.addi %add3A, %mul3A_112 : i32
      %ge3A_114 = arith.constant 0 : i32
      %ge3A_115 = arith.cmpi sge, %add3A_113, %ge3A_114 : i32
      %lt3A_116 = arith.constant 2500 : i32
      %lt3A_117 = arith.cmpi slt, %add3A_113, %lt3A_116 : i32
      %and3A_118 = arith.andi %ge3A_115, %lt3A_117 : i1
      %convert_element_type3A_119 = arith.extui %and3A_118 : i1 to i32
      %cond3A_120 = arith.constant 0 : i32
      %cond3A_121 = arith.cmpi ne, %convert_element_type3A_119, %cond3A_120 : i32
      scf.if %cond3A_121 {
        %mul3A_132 = arith.constant 128 : i32
        %mul3A_133 = arith.muli %add3A_113, %mul3A_132 : i32
        %dma_wait3A = arith.constant 0 : i32
        %dma_wait3A_134 = arith.constant 0 : i32
        %dma_wait3A_135 = tpu.memref_slice %arg2[%dma_wait3A, %dma_wait3A_134] : memref<10000x128xbf16, #tpu.memory_space<hbm>> -> memref<10000x128xbf16, #tpu.memory_space<hbm>>
        tpu.wait_indirect_dma semaphore(%arg21 : memref<!tpu.dma_semaphore, #tpu.memory_space<semaphore_mem>>) src(%dma_wait3A_135 : memref<10000x128xbf16, #tpu.memory_space<hbm>>) dst(%arg11 : memref<128x128xbf16, #tpu.memory_space<vmem>>)
        "tpu.region"() ({
          %run_scoped3A = tpu.sem_alloc : memref<!tpu.dma_semaphore, #tpu.memory_space<semaphore_mem>>
          %dma_start3A = arith.constant 0 : i32
          %dma_start3A_136 = tpu.memref_slice %arg5[%mul3A_133, %dma_start3A] : memref<320000x128xbf16, #tpu.memory_space<hbm>> -> memref<128x128xbf16, #tpu.memory_space<hbm>>
          %dma_start3A_137 = arith.constant 0 : i32
          %dma_start3A_138 = tpu.memref_slice %arg5[%mul3A_133, %dma_start3A_137] : memref<320000x128xbf16, #tpu.memory_space<hbm>> -> memref<128x128xbf16, #tpu.memory_space<hbm>>
          tpu.enqueue_dma source(%arg11 : memref<128x128xbf16, #tpu.memory_space<vmem>>) target(%dma_start3A_138 : memref<128x128xbf16, #tpu.memory_space<hbm>>) target_semaphore(%run_scoped3A : memref<!tpu.dma_semaphore, #tpu.memory_space<semaphore_mem>>)
          %dma_wait3A_139 = arith.constant 0 : i32
          %dma_wait3A_140 = tpu.memref_slice %arg5[%mul3A_133, %dma_wait3A_139] : memref<320000x128xbf16, #tpu.memory_space<hbm>> -> memref<128x128xbf16, #tpu.memory_space<hbm>>
          %dma_wait3A_141 = arith.constant 0 : i32
          %dma_wait3A_142 = tpu.memref_slice %arg5[%mul3A_133, %dma_wait3A_141] : memref<320000x128xbf16, #tpu.memory_space<hbm>> -> memref<128x128xbf16, #tpu.memory_space<hbm>>
          tpu.wait_dma2 semaphore(%run_scoped3A : memref<!tpu.dma_semaphore, #tpu.memory_space<semaphore_mem>>) src(%arg11 : memref<128x128xbf16, #tpu.memory_space<vmem>>) dst(%dma_wait3A_142 : memref<128x128xbf16, #tpu.memory_space<hbm>>)
          tpu.yield
        }) : () -> ()
        "tpu.region"() ({
          %run_scoped3A = tpu.sem_alloc : memref<!tpu.dma_semaphore, #tpu.memory_space<semaphore_mem>>
          %dma_start3A = arith.constant 0 : i32
          %dma_start3A_136 = arith.constant 0 : i32
          %dma_start3A_137 = tpu.memref_slice %arg18[%dma_start3A, %dma_start3A_136] : memref<10240x16xf32, #tpu.memory_space<vmem_shared>> -> memref<10240x16xf32, #tpu.memory_space<vmem_shared>>
          tpu.enqueue_indirect_dma source(%arg13 : memref<128x16xf32, #tpu.memory_space<vmem>>) target(%dma_start3A_137 : memref<10240x16xf32, #tpu.memory_space<vmem_shared>>) offsets(%arg8 : memref<128xi32, #tpu.memory_space<vmem>>) semaphore(%run_scoped3A : memref<!tpu.dma_semaphore, #tpu.memory_space<semaphore_mem>>) {add = true}
          %dma_wait3A_138 = arith.constant 0 : i32
          %dma_wait3A_139 = arith.constant 0 : i32
          %dma_wait3A_140 = tpu.memref_slice %arg18[%dma_wait3A_138, %dma_wait3A_139] : memref<10240x16xf32, #tpu.memory_space<vmem_shared>> -> memref<10240x16xf32, #tpu.memory_space<vmem_shared>>
          tpu.wait_indirect_dma semaphore(%run_scoped3A : memref<!tpu.dma_semaphore, #tpu.memory_space<semaphore_mem>>) src(%arg13 : memref<128x16xf32, #tpu.memory_space<vmem>>) dst(%dma_wait3A_140 : memref<10240x16xf32, #tpu.memory_space<vmem_shared>>)
          tpu.yield
        }) : () -> ()
        "tpu.region"() ({
          %run_scoped3A = tpu.sem_alloc : memref<!tpu.dma_semaphore, #tpu.memory_space<semaphore_mem>>
          %dma_start3A = arith.constant 0 : i32
          %dma_start3A_136 = arith.constant 0 : i32
          %dma_start3A_137 = tpu.memref_slice %arg17[%dma_start3A, %dma_start3A_136] : memref<10240x16xf32, #tpu.memory_space<vmem_shared>> -> memref<10240x16xf32, #tpu.memory_space<vmem_shared>>
          tpu.enqueue_indirect_dma source(%arg15 : memref<128x16xf32, #tpu.memory_space<vmem>>) target(%dma_start3A_137 : memref<10240x16xf32, #tpu.memory_space<vmem_shared>>) offsets(%arg8 : memref<128xi32, #tpu.memory_space<vmem>>) semaphore(%run_scoped3A : memref<!tpu.dma_semaphore, #tpu.memory_space<semaphore_mem>>) {add = true}
          %dma_wait3A_138 = arith.constant 0 : i32
          %dma_wait3A_139 = arith.constant 0 : i32
          %dma_wait3A_140 = tpu.memref_slice %arg17[%dma_wait3A_138, %dma_wait3A_139] : memref<10240x16xf32, #tpu.memory_space<vmem_shared>> -> memref<10240x16xf32, #tpu.memory_space<vmem_shared>>
          tpu.wait_indirect_dma semaphore(%run_scoped3A : memref<!tpu.dma_semaphore, #tpu.memory_space<semaphore_mem>>) src(%arg15 : memref<128x16xf32, #tpu.memory_space<vmem>>) dst(%dma_wait3A_140 : memref<10240x16xf32, #tpu.memory_space<vmem_shared>>)
          tpu.yield
        }) : () -> ()
      } else {
      }
      %add3A_122 = arith.constant 1 : i32
      %add3A_123 = arith.addi %add3A_92, %add3A_122 : i32
      %mul3A_124 = arith.constant 32 : i32
      %mul3A_125 = arith.muli %add3A_123, %mul3A_124 : i32
      %add3A_126 = arith.addi %add3A, %mul3A_125 : i32
      %lt3A_127 = arith.constant 2500 : i32
      %lt3A_128 = arith.cmpi slt, %add3A_126, %lt3A_127 : i32
      %convert_element_type3A_129 = arith.extui %lt3A_128 : i1 to i32
      %cond3A_130 = arith.constant 0 : i32
      %cond3A_131 = arith.cmpi ne, %convert_element_type3A_129, %cond3A_130 : i32
      scf.if %cond3A_131 {
        %mul3A_132 = arith.constant 128 : i32
        %mul3A_133 = arith.muli %add3A_126, %mul3A_132 : i32
        %dma_start3A = tpu.memref_slice %arg3[%mul3A_133] : memref<320000xi32, #tpu.memory_space<hbm>> -> memref<128xi32, #tpu.memory_space<hbm>>
        %dma_start3A_134 = tpu.memref_slice %arg3[%mul3A_133] : memref<320000xi32, #tpu.memory_space<hbm>> -> memref<128xi32, #tpu.memory_space<hbm>>
        tpu.enqueue_dma source(%dma_start3A_134 : memref<128xi32, #tpu.memory_space<hbm>>) target(%arg8 : memref<128xi32, #tpu.memory_space<vmem>>) target_semaphore(%arg19 : memref<!tpu.dma_semaphore, #tpu.memory_space<semaphore_mem>>)
        %dma_start3A_135 = arith.constant 0 : i32
        %dma_start3A_136 = tpu.memref_slice %arg4[%mul3A_133, %dma_start3A_135] : memref<320000x16xf32, #tpu.memory_space<hbm>> -> memref<128x16xf32, #tpu.memory_space<hbm>>
        %dma_start3A_137 = arith.constant 0 : i32
        %dma_start3A_138 = tpu.memref_slice %arg4[%mul3A_133, %dma_start3A_137] : memref<320000x16xf32, #tpu.memory_space<hbm>> -> memref<128x16xf32, #tpu.memory_space<hbm>>
        tpu.enqueue_dma source(%dma_start3A_138 : memref<128x16xf32, #tpu.memory_space<hbm>>) target(%arg13 : memref<128x16xf32, #tpu.memory_space<vmem>>) target_semaphore(%arg19 : memref<!tpu.dma_semaphore, #tpu.memory_space<semaphore_mem>>)
      } else {
      }
    }
    %scan3A_30 = arith.constant 40 : i32
    %add3A_31 = arith.constant 2528 : i32
    %add3A_32 = arith.addi %add3A, %add3A_31 : i32
    %ge3A = arith.constant 0 : i32
    %ge3A_33 = arith.cmpi sge, %add3A_32, %ge3A : i32
    %lt3A_34 = arith.constant 2500 : i32
    %lt3A_35 = arith.cmpi slt, %add3A_32, %lt3A_34 : i32
    %and3A = arith.andi %ge3A_33, %lt3A_35 : i1
    %convert_element_type3A_36 = arith.extui %and3A : i1 to i32
    %cond3A_37 = arith.constant 0 : i32
    %cond3A_38 = arith.cmpi ne, %convert_element_type3A_36, %cond3A_37 : i32
    scf.if %cond3A_38 {
      %mul3A_46 = arith.constant 128 : i32
      %mul3A_47 = arith.muli %add3A_32, %mul3A_46 : i32
      %dma_wait3A = arith.constant 0 : i32
      %dma_wait3A_48 = arith.constant 0 : i32
      %dma_wait3A_49 = tpu.memref_slice %arg2[%dma_wait3A, %dma_wait3A_48] : memref<10000x128xbf16, #tpu.memory_space<hbm>> -> memref<10000x128xbf16, #tpu.memory_space<hbm>>
      tpu.wait_indirect_dma semaphore(%arg22 : memref<!tpu.dma_semaphore, #tpu.memory_space<semaphore_mem>>) src(%dma_wait3A_49 : memref<10000x128xbf16, #tpu.memory_space<hbm>>) dst(%arg12 : memref<128x128xbf16, #tpu.memory_space<vmem>>)
      "tpu.region"() ({
        %run_scoped3A = tpu.sem_alloc : memref<!tpu.dma_semaphore, #tpu.memory_space<semaphore_mem>>
        %dma_start3A = arith.constant 0 : i32
        %dma_start3A_50 = tpu.memref_slice %arg5[%mul3A_47, %dma_start3A] : memref<320000x128xbf16, #tpu.memory_space<hbm>> -> memref<128x128xbf16, #tpu.memory_space<hbm>>
        %dma_start3A_51 = arith.constant 0 : i32
        %dma_start3A_52 = tpu.memref_slice %arg5[%mul3A_47, %dma_start3A_51] : memref<320000x128xbf16, #tpu.memory_space<hbm>> -> memref<128x128xbf16, #tpu.memory_space<hbm>>
        tpu.enqueue_dma source(%arg12 : memref<128x128xbf16, #tpu.memory_space<vmem>>) target(%dma_start3A_52 : memref<128x128xbf16, #tpu.memory_space<hbm>>) target_semaphore(%run_scoped3A : memref<!tpu.dma_semaphore, #tpu.memory_space<semaphore_mem>>)
        %dma_wait3A_53 = arith.constant 0 : i32
        %dma_wait3A_54 = tpu.memref_slice %arg5[%mul3A_47, %dma_wait3A_53] : memref<320000x128xbf16, #tpu.memory_space<hbm>> -> memref<128x128xbf16, #tpu.memory_space<hbm>>
        %dma_wait3A_55 = arith.constant 0 : i32
        %dma_wait3A_56 = tpu.memref_slice %arg5[%mul3A_47, %dma_wait3A_55] : memref<320000x128xbf16, #tpu.memory_space<hbm>> -> memref<128x128xbf16, #tpu.memory_space<hbm>>
        tpu.wait_dma2 semaphore(%run_scoped3A : memref<!tpu.dma_semaphore, #tpu.memory_space<semaphore_mem>>) src(%arg12 : memref<128x128xbf16, #tpu.memory_space<vmem>>) dst(%dma_wait3A_56 : memref<128x128xbf16, #tpu.memory_space<hbm>>)
        tpu.yield
      }) : () -> ()
      "tpu.region"() ({
        %run_scoped3A = tpu.sem_alloc : memref<!tpu.dma_semaphore, #tpu.memory_space<semaphore_mem>>
        %dma_start3A = arith.constant 0 : i32
        %dma_start3A_50 = arith.constant 0 : i32
        %dma_start3A_51 = tpu.memref_slice %arg18[%dma_start3A, %dma_start3A_50] : memref<10240x16xf32, #tpu.memory_space<vmem_shared>> -> memref<10240x16xf32, #tpu.memory_space<vmem_shared>>
        tpu.enqueue_indirect_dma source(%arg14 : memref<128x16xf32, #tpu.memory_space<vmem>>) target(%dma_start3A_51 : memref<10240x16xf32, #tpu.memory_space<vmem_shared>>) offsets(%arg9 : memref<128xi32, #tpu.memory_space<vmem>>) semaphore(%run_scoped3A : memref<!tpu.dma_semaphore, #tpu.memory_space<semaphore_mem>>) {add = true}
        %dma_wait3A_52 = arith.constant 0 : i32
        %dma_wait3A_53 = arith.constant 0 : i32
        %dma_wait3A_54 = tpu.memref_slice %arg18[%dma_wait3A_52, %dma_wait3A_53] : memref<10240x16xf32, #tpu.memory_space<vmem_shared>> -> memref<10240x16xf32, #tpu.memory_space<vmem_shared>>
        tpu.wait_indirect_dma semaphore(%run_scoped3A : memref<!tpu.dma_semaphore, #tpu.memory_space<semaphore_mem>>) src(%arg14 : memref<128x16xf32, #tpu.memory_space<vmem>>) dst(%dma_wait3A_54 : memref<10240x16xf32, #tpu.memory_space<vmem_shared>>)
        tpu.yield
      }) : () -> ()
      "tpu.region"() ({
        %run_scoped3A = tpu.sem_alloc : memref<!tpu.dma_semaphore, #tpu.memory_space<semaphore_mem>>
        %dma_start3A = arith.constant 0 : i32
        %dma_start3A_50 = arith.constant 0 : i32
        %dma_start3A_51 = tpu.memref_slice %arg17[%dma_start3A, %dma_start3A_50] : memref<10240x16xf32, #tpu.memory_space<vmem_shared>> -> memref<10240x16xf32, #tpu.memory_space<vmem_shared>>
        tpu.enqueue_indirect_dma source(%arg15 : memref<128x16xf32, #tpu.memory_space<vmem>>) target(%dma_start3A_51 : memref<10240x16xf32, #tpu.memory_space<vmem_shared>>) offsets(%arg9 : memref<128xi32, #tpu.memory_space<vmem>>) semaphore(%run_scoped3A : memref<!tpu.dma_semaphore, #tpu.memory_space<semaphore_mem>>) {add = true}
        %dma_wait3A_52 = arith.constant 0 : i32
        %dma_wait3A_53 = arith.constant 0 : i32
        %dma_wait3A_54 = tpu.memref_slice %arg17[%dma_wait3A_52, %dma_wait3A_53] : memref<10240x16xf32, #tpu.memory_space<vmem_shared>> -> memref<10240x16xf32, #tpu.memory_space<vmem_shared>>
        tpu.wait_indirect_dma semaphore(%run_scoped3A : memref<!tpu.dma_semaphore, #tpu.memory_space<semaphore_mem>>) src(%arg15 : memref<128x16xf32, #tpu.memory_space<vmem>>) dst(%dma_wait3A_54 : memref<10240x16xf32, #tpu.memory_space<vmem_shared>>)
        tpu.yield
      }) : () -> ()
    } else {
    }
    %barrier3A_39 = arith.constant 0 : index
    tpu.barrier barrier_id(%barrier3A_39)
    %scan3A_40 = arith.constant 0 : i32
    %scan3A_41 = arith.constant 0 : i32
    %scan3A_42 = arith.constant 5 : i32
    %scan3A_43 = arith.addi %scan3A_41, %scan3A_42 : i32
    %scan3A_44 = arith.constant 1 : i32
    scf.for %scan3A_46 = %scan3A_41 to %scan3A_43 step %scan3A_44  : i32 {
      %mul3A_47 = arith.constant 640 : i32
      %mul3A_48 = arith.muli %arg1, %mul3A_47 : i32
      %mul3A_49 = arith.constant 128 : i32
      %mul3A_50 = arith.muli %scan3A_46, %mul3A_49 : i32
      %add3A_51 = arith.addi %mul3A_48, %mul3A_50 : i32
      %scan3A_52 = arith.constant 0 : i32
      %scan3A_53 = arith.constant 0 : i32
      %scan3A_54 = arith.constant 8 : i32
      %scan3A_55 = arith.addi %scan3A_53, %scan3A_54 : i32
      %scan3A_56 = arith.constant 1 : i32
      scf.for %scan3A_64 = %scan3A_53 to %scan3A_55 step %scan3A_56  : i32 {
        %mul3A_65 = arith.constant 16 : i32
        %mul3A_66 = arith.muli %scan3A_64, %mul3A_65 : i32
        %add3A_67 = arith.addi %add3A_51, %mul3A_66 : i32
        %add3A_68 = vector.broadcast %add3A_67 : i32 to vector<16xi32>
        %add3A_69 = arith.addi %iota3A, %add3A_68 : vector<16xi32>
        %mul3A_70 = arith.constant 16 : i32
        %mul3A_71 = arith.muli %scan3A_64, %mul3A_70 : i32
        %swap3A = arith.index_cast %mul3A_71 : i32 to index
        %swap3A_72 = tpu.vector_load %arg10[%swap3A] {strides = array<i32>} : memref<128xi32, #tpu.memory_space<vmem>>, vector<16xi32>,
        %swap3A_73 = vector.shape_cast %swap3A_72 : vector<16xi32> to vector<16xi32>
        %swap3A_74 = vector.shape_cast %add3A_69 : vector<16xi32> to vector<16xi32>
        tpu.vector_store %arg10[%swap3A], %swap3A_74 {strides = array<i32>} : memref<128xi32, #tpu.memory_space<vmem>>, vector<16xi32>,
      }
      %scan3A_57 = arith.constant 8 : i32
      "tpu.region"() ({
        %run_scoped3A = tpu.sem_alloc : memref<!tpu.dma_semaphore, #tpu.memory_space<semaphore_mem>>
        %dma_start3A = arith.constant 0 : i32
        %dma_start3A_64 = arith.constant 0 : i32
        %dma_start3A_65 = tpu.memref_slice %arg17[%dma_start3A, %dma_start3A_64] : memref<10240x16xf32, #tpu.memory_space<vmem_shared>> -> memref<10240x16xf32, #tpu.memory_space<vmem_shared>>
        tpu.enqueue_indirect_dma source(%dma_start3A_65 : memref<10240x16xf32, #tpu.memory_space<vmem_shared>>) target(%arg16 : memref<128x16xf32, #tpu.memory_space<vmem>>) offsets(%arg10 : memref<128xi32, #tpu.memory_space<vmem>>) semaphore(%run_scoped3A : memref<!tpu.dma_semaphore, #tpu.memory_space<semaphore_mem>>)
        %dma_wait3A = arith.constant 0 : i32
        %dma_wait3A_66 = arith.constant 0 : i32
        %dma_wait3A_67 = tpu.memref_slice %arg17[%dma_wait3A, %dma_wait3A_66] : memref<10240x16xf32, #tpu.memory_space<vmem_shared>> -> memref<10240x16xf32, #tpu.memory_space<vmem_shared>>
        tpu.wait_indirect_dma semaphore(%run_scoped3A : memref<!tpu.dma_semaphore, #tpu.memory_space<semaphore_mem>>) src(%dma_wait3A_67 : memref<10240x16xf32, #tpu.memory_space<vmem_shared>>) dst(%arg16 : memref<128x16xf32, #tpu.memory_space<vmem>>)
        tpu.yield
      }) : () -> ()
      %mul3A_58 = arith.constant 10240 : i32
      %mul3A_59 = arith.muli %arg0, %mul3A_58 : i32
      %add3A_60 = arith.addi %mul3A_59, %add3A_51 : i32
      "tpu.region"() ({
        %run_scoped3A = tpu.sem_alloc : memref<!tpu.dma_semaphore, #tpu.memory_space<semaphore_mem>>
        %dma_start3A = arith.constant 0 : i32
        %dma_start3A_64 = tpu.memref_slice %arg6[%add3A_60, %dma_start3A] : memref<20480x16xf32, #tpu.memory_space<hbm>> -> memref<128x16xf32, #tpu.memory_space<hbm>>
        %dma_start3A_65 = arith.constant 0 : i32
        %dma_start3A_66 = tpu.memref_slice %arg6[%add3A_60, %dma_start3A_65] : memref<20480x16xf32, #tpu.memory_space<hbm>> -> memref<128x16xf32, #tpu.memory_space<hbm>>
        tpu.enqueue_dma source(%arg16 : memref<128x16xf32, #tpu.memory_space<vmem>>) target(%dma_start3A_66 : memref<128x16xf32, #tpu.memory_space<hbm>>) target_semaphore(%run_scoped3A : memref<!tpu.dma_semaphore, #tpu.memory_space<semaphore_mem>>)
        %dma_wait3A = arith.constant 0 : i32
        %dma_wait3A_67 = tpu.memref_slice %arg6[%add3A_60, %dma_wait3A] : memref<20480x16xf32, #tpu.memory_space<hbm>> -> memref<128x16xf32, #tpu.memory_space<hbm>>
        %dma_wait3A_68 = arith.constant 0 : i32
        %dma_wait3A_69 = tpu.memref_slice %arg6[%add3A_60, %dma_wait3A_68] : memref<20480x16xf32, #tpu.memory_space<hbm>> -> memref<128x16xf32, #tpu.memory_space<hbm>>
        tpu.wait_dma2 semaphore(%run_scoped3A : memref<!tpu.dma_semaphore, #tpu.memory_space<semaphore_mem>>) src(%arg16 : memref<128x16xf32, #tpu.memory_space<vmem>>) dst(%dma_wait3A_69 : memref<128x16xf32, #tpu.memory_space<hbm>>)
        tpu.yield
      }) : () -> ()
      "tpu.region"() ({
        %run_scoped3A = tpu.sem_alloc : memref<!tpu.dma_semaphore, #tpu.memory_space<semaphore_mem>>
        %dma_start3A = arith.constant 0 : i32
        %dma_start3A_64 = arith.constant 0 : i32
        %dma_start3A_65 = tpu.memref_slice %arg18[%dma_start3A, %dma_start3A_64] : memref<10240x16xf32, #tpu.memory_space<vmem_shared>> -> memref<10240x16xf32, #tpu.memory_space<vmem_shared>>
        tpu.enqueue_indirect_dma source(%dma_start3A_65 : memref<10240x16xf32, #tpu.memory_space<vmem_shared>>) target(%arg16 : memref<128x16xf32, #tpu.memory_space<vmem>>) offsets(%arg10 : memref<128xi32, #tpu.memory_space<vmem>>) semaphore(%run_scoped3A : memref<!tpu.dma_semaphore, #tpu.memory_space<semaphore_mem>>)
        %dma_wait3A = arith.constant 0 : i32
        %dma_wait3A_66 = arith.constant 0 : i32
        %dma_wait3A_67 = tpu.memref_slice %arg18[%dma_wait3A, %dma_wait3A_66] : memref<10240x16xf32, #tpu.memory_space<vmem_shared>> -> memref<10240x16xf32, #tpu.memory_space<vmem_shared>>
        tpu.wait_indirect_dma semaphore(%run_scoped3A : memref<!tpu.dma_semaphore, #tpu.memory_space<semaphore_mem>>) src(%dma_wait3A_67 : memref<10240x16xf32, #tpu.memory_space<vmem_shared>>) dst(%arg16 : memref<128x16xf32, #tpu.memory_space<vmem>>)
        tpu.yield
      }) : () -> ()
      %mul3A_61 = arith.constant 10240 : i32
      %mul3A_62 = arith.muli %arg0, %mul3A_61 : i32
      %add3A_63 = arith.addi %mul3A_62, %add3A_51 : i32
      "tpu.region"() ({
        %run_scoped3A = tpu.sem_alloc : memref<!tpu.dma_semaphore, #tpu.memory_space<semaphore_mem>>
        %dma_start3A = arith.constant 0 : i32
        %dma_start3A_64 = tpu.memref_slice %arg7[%add3A_63, %dma_start3A] : memref<20480x16xf32, #tpu.memory_space<hbm>> -> memref<128x16xf32, #tpu.memory_space<hbm>>
        %dma_start3A_65 = arith.constant 0 : i32
        %dma_start3A_66 = tpu.memref_slice %arg7[%add3A_63, %dma_start3A_65] : memref<20480x16xf32, #tpu.memory_space<hbm>> -> memref<128x16xf32, #tpu.memory_space<hbm>>
        tpu.enqueue_dma source(%arg16 : memref<128x16xf32, #tpu.memory_space<vmem>>) target(%dma_start3A_66 : memref<128x16xf32, #tpu.memory_space<hbm>>) target_semaphore(%run_scoped3A : memref<!tpu.dma_semaphore, #tpu.memory_space<semaphore_mem>>)
        %dma_wait3A = arith.constant 0 : i32
        %dma_wait3A_67 = tpu.memref_slice %arg7[%add3A_63, %dma_wait3A] : memref<20480x16xf32, #tpu.memory_space<hbm>> -> memref<128x16xf32, #tpu.memory_space<hbm>>
        %dma_wait3A_68 = arith.constant 0 : i32
        %dma_wait3A_69 = tpu.memref_slice %arg7[%add3A_63, %dma_wait3A_68] : memref<20480x16xf32, #tpu.memory_space<hbm>> -> memref<128x16xf32, #tpu.memory_space<hbm>>
        tpu.wait_dma2 semaphore(%run_scoped3A : memref<!tpu.dma_semaphore, #tpu.memory_space<semaphore_mem>>) src(%arg16 : memref<128x16xf32, #tpu.memory_space<vmem>>) dst(%dma_wait3A_69 : memref<128x16xf32, #tpu.memory_space<hbm>>)
        tpu.yield
      }) : () -> ()
    }
    %scan3A_45 = arith.constant 5 : i32
    return
  }
}

module attributes {stable_mosaic.version = 14 : i64} {
  func.func @_prep_body(%arg0: i32, %arg1: memref<1000x128xf32, #tpu.memory_space<vmem>>, %arg2: memref<128x128xf32, #tpu.memory_space<vmem>>, %arg3: memref<1000x128xf32, #tpu.memory_space<vmem>>, %arg4: memref<1000x128xbf16, #tpu.memory_space<vmem>>) attributes {dimension_semantics = [#tpu.dimension_semantics<arbitrary>], iteration_bounds = array<i64: 10>, scalar_prefetch = 0 : i64, scratch_operands = 0 : i64, tpu.core_type = #tpu.core_type<tc>, window_params = [{transform_indices = @transform_0, window_bounds = array<i64: 1000, 128>}, {pipeline_mode = #tpu.pipeline_mode<synchronous>, transform_indices = @transform_1, window_bounds = array<i64: 128, 128>}, {transform_indices = @transform_2, window_bounds = array<i64: 1000, 128>}, {transform_indices = @transform_3, window_bounds = array<i64: 1000, 128>}]} {
    %get3A = arith.constant 0 : index
    %get3A_0 = arith.constant 0 : index
    %get3A_1 = vector.load %arg1[%get3A, %get3A_0] : memref<1000x128xf32, #tpu.memory_space<vmem>>, vector<1000x128xf32>
    %get3A_2 = arith.constant 0 : index
    %get3A_3 = arith.constant 0 : index
    %get3A_4 = vector.load %arg2[%get3A_2, %get3A_3] : memref<128x128xf32, #tpu.memory_space<vmem>>, vector<128x128xf32>
    %dot_general3A = arith.constant dense<0.000000e+00> : vector<1000x128xf32>
    %dot_general3A_5 = tpu.matmul %get3A_1, %get3A_4, %dot_general3A {dimension_numbers = #tpu.dot_dimension_numbers<[1], [0], [0], [1], [0, 0, 1, 1], [], []>, transpose_lhs_hint = false} : vector<1000x128xf32>, vector<128x128xf32>, vector<1000x128xf32> -> vector<1000x128xf32>
    %swap3A = arith.constant 0 : index
    %swap3A_6 = arith.constant 0 : index
    %swap3A_7 = vector.load %arg3[%swap3A, %swap3A_6] : memref<1000x128xf32, #tpu.memory_space<vmem>>, vector<1000x128xf32>
    tpu.vector_store %arg3[%swap3A, %swap3A_6], %dot_general3A_5 {strides = array<i32>} : memref<1000x128xf32, #tpu.memory_space<vmem>>, vector<1000x128xf32>,
    %convert_element_type3A = arith.truncf %dot_general3A_5 : vector<1000x128xf32> to vector<1000x128xbf16>
    %swap3A_8 = arith.constant 0 : index
    %swap3A_9 = arith.constant 0 : index
    %swap3A_10 = vector.load %arg4[%swap3A_8, %swap3A_9] : memref<1000x128xbf16, #tpu.memory_space<vmem>>, vector<1000x128xbf16>
    tpu.vector_store %arg4[%swap3A_8, %swap3A_9], %convert_element_type3A {strides = array<i32>} : memref<1000x128xbf16, #tpu.memory_space<vmem>>, vector<1000x128xbf16>,
    return
  }
  func.func @transform_0(%arg0: i32) -> (i32, i32) {
    %c0_i32 = arith.constant 0 : i32
    %c0_i32_0 = arith.constant 0 : i32
    return %arg0, %c0_i32 : i32, i32
  }
  func.func @transform_1(%arg0: i32) -> (i32, i32) {
    %c0_i32 = arith.constant 0 : i32
    %c0_i32_0 = arith.constant 0 : i32
    %c0_i32_1 = arith.constant 0 : i32
    return %c0_i32, %c0_i32_0 : i32, i32
  }
  func.func @transform_2(%arg0: i32) -> (i32, i32) {
    %c0_i32 = arith.constant 0 : i32
    %c0_i32_0 = arith.constant 0 : i32
    return %arg0, %c0_i32 : i32, i32
  }
  func.func @transform_3(%arg0: i32) -> (i32, i32) {
    %c0_i32 = arith.constant 0 : i32
    %c0_i32_0 = arith.constant 0 : i32
    return %arg0, %c0_i32 : i32, i32
  }
}

module attributes {stable_mosaic.version = 14 : i64} {
  func.func @_eastats_body(%arg0: i32, %arg1: memref<8000x16xf32, #tpu.memory_space<vmem>>, %arg2: memref<17x16xf32, #tpu.memory_space<vmem>>, %arg3: memref<1x16xf32, #tpu.memory_space<vmem>>, %arg4: memref<16x16xf32, #tpu.memory_space<vmem>>) attributes {dimension_semantics = [#tpu.dimension_semantics<arbitrary>], iteration_bounds = array<i64: 40>, scalar_prefetch = 0 : i64, scratch_operands = 2 : i64, tpu.core_type = #tpu.core_type<tc>, window_params = [{transform_indices = @transform_0, window_bounds = array<i64: 8000, 16>}, {pipeline_mode = #tpu.pipeline_mode<synchronous>, transform_indices = @transform_1, window_bounds = array<i64: 17, 16>}]} {
    %eq3A = arith.constant 0 : i32
    %eq3A_0 = arith.cmpi eq, %arg0, %eq3A : i32
    %convert_element_type3A = arith.extui %eq3A_0 : i1 to i32
    %cond3A = arith.constant 0 : i32
    %cond3A_1 = arith.cmpi ne, %convert_element_type3A, %cond3A : i32
    scf.if %cond3A_1 {
      %broadcast_in_dim3A_23 = arith.constant 0.000000e+00 : f32
      %broadcast_in_dim3A_24 = vector.broadcast %broadcast_in_dim3A_23 : f32 to vector<1x16xf32>
      %swap3A_25 = arith.constant 0 : index
      %swap3A_26 = arith.constant 0 : index
      %swap3A_27 = vector.load %arg3[%swap3A_25, %swap3A_26] : memref<1x16xf32, #tpu.memory_space<vmem>>, vector<1x16xf32>
      tpu.vector_store %arg3[%swap3A_25, %swap3A_26], %broadcast_in_dim3A_24 {strides = array<i32>} : memref<1x16xf32, #tpu.memory_space<vmem>>, vector<1x16xf32>,
      %broadcast_in_dim3A_28 = arith.constant 0.000000e+00 : f32
      %broadcast_in_dim3A_29 = vector.broadcast %broadcast_in_dim3A_28 : f32 to vector<16x16xf32>
      %swap3A_30 = arith.constant 0 : index
      %swap3A_31 = arith.constant 0 : index
      %swap3A_32 = vector.load %arg4[%swap3A_30, %swap3A_31] : memref<16x16xf32, #tpu.memory_space<vmem>>, vector<16x16xf32>
      tpu.vector_store %arg4[%swap3A_30, %swap3A_31], %broadcast_in_dim3A_29 {strides = array<i32>} : memref<16x16xf32, #tpu.memory_space<vmem>>, vector<16x16xf32>,
    } else {
    }
    %get3A = arith.constant 0 : index
    %get3A_2 = arith.constant 0 : index
    %get3A_3 = vector.load %arg1[%get3A, %get3A_2] : memref<8000x16xf32, #tpu.memory_space<vmem>>, vector<8000x16xf32>
    %get3A_4 = arith.constant 0 : index
    %get3A_5 = arith.constant 0 : index
    %get3A_6 = vector.load %arg3[%get3A_4, %get3A_5] : memref<1x16xf32, #tpu.memory_space<vmem>>, vector<1x16xf32>
    %reduce_sum3A = arith.constant dense<0.000000e+00> : vector<16xf32>
    %reduce_sum3A_7 = vector.multi_reduction <add>, %get3A_3, %reduce_sum3A [0] : vector<8000x16xf32> to vector<16xf32>
    %broadcast_in_dim3A = vector.shape_cast %reduce_sum3A_7 : vector<16xf32> to vector<1x16xf32>
    %add3A = arith.addf %get3A_6, %broadcast_in_dim3A : vector<1x16xf32>
    %swap3A = arith.constant 0 : index
    %swap3A_8 = arith.constant 0 : index
    %swap3A_9 = vector.load %arg3[%swap3A, %swap3A_8] : memref<1x16xf32, #tpu.memory_space<vmem>>, vector<1x16xf32>
    tpu.vector_store %arg3[%swap3A, %swap3A_8], %add3A {strides = array<i32>} : memref<1x16xf32, #tpu.memory_space<vmem>>, vector<1x16xf32>,
    %get3A_10 = arith.constant 0 : index
    %get3A_11 = arith.constant 0 : index
    %get3A_12 = vector.load %arg4[%get3A_10, %get3A_11] : memref<16x16xf32, #tpu.memory_space<vmem>>, vector<16x16xf32>
    %transpose3A = tpu.transpose %get3A_3, [1, 0] : vector<8000x16xf32> -> vector<16x8000xf32>
    %dot_general3A = arith.constant dense<0.000000e+00> : vector<16x16xf32>
    %dot_general3A_13 = tpu.matmul %transpose3A, %get3A_3, %dot_general3A {dimension_numbers = #tpu.dot_dimension_numbers<[1], [0], [0], [1], [0, 0, 1, 1], [], []>, transpose_lhs_hint = false} : vector<16x8000xf32>, vector<8000x16xf32>, vector<16x16xf32> -> vector<16x16xf32>
    %add3A_14 = arith.addf %get3A_12, %dot_general3A_13 : vector<16x16xf32>
    %swap3A_15 = arith.constant 0 : index
    %swap3A_16 = arith.constant 0 : index
    %swap3A_17 = vector.load %arg4[%swap3A_15, %swap3A_16] : memref<16x16xf32, #tpu.memory_space<vmem>>, vector<16x16xf32>
    tpu.vector_store %arg4[%swap3A_15, %swap3A_16], %add3A_14 {strides = array<i32>} : memref<16x16xf32, #tpu.memory_space<vmem>>, vector<16x16xf32>,
    %eq3A_18 = arith.constant 39 : i32
    %eq3A_19 = arith.cmpi eq, %arg0, %eq3A_18 : i32
    %convert_element_type3A_20 = arith.extui %eq3A_19 : i1 to i32
    %cond3A_21 = arith.constant 0 : i32
    %cond3A_22 = arith.cmpi ne, %convert_element_type3A_20, %cond3A_21 : i32
    scf.if %cond3A_22 {
      %get3A_23 = arith.constant 0 : index
      %get3A_24 = arith.constant 0 : index
      %get3A_25 = vector.load %arg3[%get3A_23, %get3A_24] : memref<1x16xf32, #tpu.memory_space<vmem>>, vector<1x16xf32>
      %swap3A_26 = arith.constant 0 : index
      %swap3A_27 = arith.constant 0 : index
      %swap3A_28 = vector.load %arg2[%swap3A_26, %swap3A_27] : memref<17x16xf32, #tpu.memory_space<vmem>>, vector<1x16xf32>
      tpu.vector_store %arg2[%swap3A_26, %swap3A_27], %get3A_25 {strides = array<i32>} : memref<17x16xf32, #tpu.memory_space<vmem>>, vector<1x16xf32>,
      %get3A_29 = arith.constant 0 : index
      %get3A_30 = arith.constant 0 : index
      %get3A_31 = vector.load %arg4[%get3A_29, %get3A_30] : memref<16x16xf32, #tpu.memory_space<vmem>>, vector<16x16xf32>
      %swap3A_32 = arith.constant 1 : index
      %swap3A_33 = arith.constant 0 : index
      %swap3A_34 = vector.load %arg2[%swap3A_32, %swap3A_33] : memref<17x16xf32, #tpu.memory_space<vmem>>, vector<16x16xf32>
      tpu.vector_store %arg2[%swap3A_32, %swap3A_33], %get3A_31 {strides = array<i32>} : memref<17x16xf32, #tpu.memory_space<vmem>>, vector<16x16xf32>,
    } else {
    }
    return
  }
  func.func @transform_0(%arg0: i32) -> (i32, i32) {
    %c0_i32 = arith.constant 0 : i32
    %c0_i32_0 = arith.constant 0 : i32
    return %arg0, %c0_i32 : i32, i32
  }
  func.func @transform_1(%arg0: i32) -> (i32, i32) {
    %c0_i32 = arith.constant 0 : i32
    %c0_i32_0 = arith.constant 0 : i32
    %c0_i32_1 = arith.constant 0 : i32
    return %c0_i32, %c0_i32_0 : i32, i32
  }
}

module attributes {stable_mosaic.version = 14 : i64} {
  func.func @_comb_body(%arg0: memref<10000x128xf32, #tpu.memory_space<vmem>>, %arg1: memref<20480x16xf32, #tpu.memory_space<vmem>>, %arg2: memref<20480x16xf32, #tpu.memory_space<vmem>>, %arg3: memref<17x16xf32, #tpu.memory_space<vmem>>, %arg4: memref<16x128xf32, #tpu.memory_space<vmem>>, %arg5: memref<2x128xf32, #tpu.memory_space<vmem>>) attributes {dimension_semantics = [], scalar_prefetch = 0 : i64, scratch_operands = 0 : i64, tpu.core_type = #tpu.core_type<tc>} {
    %get3A = arith.constant 0 : index
    %get3A_0 = arith.constant 0 : index
    %get3A_1 = vector.load %arg1[%get3A, %get3A_0] : memref<20480x16xf32, #tpu.memory_space<vmem>>, vector<10000x1xf32>
    %get3A_2 = arith.constant 10240 : index
    %get3A_3 = arith.constant 0 : index
    %get3A_4 = vector.load %arg1[%get3A_2, %get3A_3] : memref<20480x16xf32, #tpu.memory_space<vmem>>, vector<10000x1xf32>
    %add3A = arith.addf %get3A_1, %get3A_4 : vector<10000x1xf32>
    %get3A_5 = arith.constant 0 : index
    %get3A_6 = arith.constant 0 : index
    %get3A_7 = vector.load %arg2[%get3A_5, %get3A_6] : memref<20480x16xf32, #tpu.memory_space<vmem>>, vector<10000x16xf32>
    %get3A_8 = arith.constant 10240 : index
    %get3A_9 = arith.constant 0 : index
    %get3A_10 = vector.load %arg2[%get3A_8, %get3A_9] : memref<20480x16xf32, #tpu.memory_space<vmem>>, vector<10000x16xf32>
    %add3A_11 = arith.addf %get3A_7, %get3A_10 : vector<10000x16xf32>
    %get3A_12 = arith.constant 0 : index
    %get3A_13 = arith.constant 0 : index
    %get3A_14 = vector.load %arg0[%get3A_12, %get3A_13] : memref<10000x128xf32, #tpu.memory_space<vmem>>, vector<10000x128xf32>
    %get3A_15 = arith.constant 0 : index
    %get3A_16 = arith.constant 0 : index
    %get3A_17 = vector.load %arg4[%get3A_15, %get3A_16] : memref<16x128xf32, #tpu.memory_space<vmem>>, vector<16x128xf32>
    %get3A_18 = arith.constant 0 : index
    %get3A_19 = arith.constant 0 : index
    %get3A_20 = vector.load %arg3[%get3A_18, %get3A_19] : memref<17x16xf32, #tpu.memory_space<vmem>>, vector<1x16xf32>
    %get3A_21 = arith.constant 1 : index
    %get3A_22 = arith.constant 0 : index
    %get3A_23 = vector.load %arg3[%get3A_21, %get3A_22] : memref<17x16xf32, #tpu.memory_space<vmem>>, vector<16x16xf32>
    %dot_general3A = arith.constant dense<0.000000e+00> : vector<10000x128xf32>
    %dot_general3A_24 = tpu.matmul %add3A_11, %get3A_17, %dot_general3A {dimension_numbers = #tpu.dot_dimension_numbers<[1], [0], [0], [1], [0, 0, 1, 1], [], []>, transpose_lhs_hint = false} : vector<10000x16xf32>, vector<16x128xf32>, vector<10000x128xf32> -> vector<10000x128xf32>
    %mul3A = vector.broadcast %add3A : vector<10000x1xf32> to vector<10000x128xf32>
    %mul3A_25 = arith.mulf %mul3A, %get3A_14 : vector<10000x128xf32>
    %reduce_sum3A = arith.constant dense<0.000000e+00> : vector<128xf32>
    %reduce_sum3A_26 = vector.multi_reduction <add>, %mul3A_25, %reduce_sum3A [0] : vector<10000x128xf32> to vector<128xf32>
    %broadcast_in_dim3A = vector.shape_cast %reduce_sum3A_26 : vector<128xf32> to vector<1x128xf32>
    %dot_general3A_27 = arith.constant dense<0.000000e+00> : vector<1x128xf32>
    %dot_general3A_28 = tpu.matmul %get3A_20, %get3A_17, %dot_general3A_27 {dimension_numbers = #tpu.dot_dimension_numbers<[1], [0], [0], [1], [0, 0, 1, 1], [], []>, transpose_lhs_hint = false} : vector<1x16xf32>, vector<16x128xf32>, vector<1x128xf32> -> vector<1x128xf32>
    %add3A_29 = arith.addf %broadcast_in_dim3A, %dot_general3A_28 : vector<1x128xf32>
    %mul3A_30 = vector.broadcast %add3A : vector<10000x1xf32> to vector<10000x128xf32>
    %mul3A_31 = arith.mulf %mul3A_30, %get3A_14 : vector<10000x128xf32>
    %mul3A_32 = arith.mulf %mul3A_31, %get3A_14 : vector<10000x128xf32>
    %reduce_sum3A_33 = arith.constant dense<0.000000e+00> : vector<128xf32>
    %reduce_sum3A_34 = vector.multi_reduction <add>, %mul3A_32, %reduce_sum3A_33 [0] : vector<10000x128xf32> to vector<128xf32>
    %broadcast_in_dim3A_35 = vector.shape_cast %reduce_sum3A_34 : vector<128xf32> to vector<1x128xf32>
    %mul3A_36 = arith.mulf %get3A_14, %dot_general3A_24 : vector<10000x128xf32>
    %reduce_sum3A_37 = arith.constant dense<0.000000e+00> : vector<128xf32>
    %reduce_sum3A_38 = vector.multi_reduction <add>, %mul3A_36, %reduce_sum3A_37 [0] : vector<10000x128xf32> to vector<128xf32>
    %broadcast_in_dim3A_39 = vector.shape_cast %reduce_sum3A_38 : vector<128xf32> to vector<1x128xf32>
    %mul3A_40 = arith.constant 2.000000e+00 : f32
    %mul3A_41 = vector.broadcast %mul3A_40 : f32 to vector<1x128xf32>
    %mul3A_42 = arith.mulf %mul3A_41, %broadcast_in_dim3A_39 : vector<1x128xf32>
    %add3A_43 = arith.addf %broadcast_in_dim3A_35, %mul3A_42 : vector<1x128xf32>
    %dot_general3A_44 = arith.constant dense<0.000000e+00> : vector<16x128xf32>
    %dot_general3A_45 = tpu.matmul %get3A_23, %get3A_17, %dot_general3A_44 {dimension_numbers = #tpu.dot_dimension_numbers<[1], [0], [0], [1], [0, 0, 1, 1], [], []>, transpose_lhs_hint = false} : vector<16x16xf32>, vector<16x128xf32>, vector<16x128xf32> -> vector<16x128xf32>
    %mul3A_46 = arith.mulf %get3A_17, %dot_general3A_45 : vector<16x128xf32>
    %reduce_sum3A_47 = arith.constant dense<0.000000e+00> : vector<128xf32>
    %reduce_sum3A_48 = vector.multi_reduction <add>, %mul3A_46, %reduce_sum3A_47 [0] : vector<16x128xf32> to vector<128xf32>
    %broadcast_in_dim3A_49 = vector.shape_cast %reduce_sum3A_48 : vector<128xf32> to vector<1x128xf32>
    %add3A_50 = arith.addf %add3A_43, %broadcast_in_dim3A_49 : vector<1x128xf32>
    %swap3A = arith.constant 0 : index
    %swap3A_51 = arith.constant 0 : index
    %swap3A_52 = vector.load %arg5[%swap3A, %swap3A_51] : memref<2x128xf32, #tpu.memory_space<vmem>>, vector<1x128xf32>
    tpu.vector_store %arg5[%swap3A, %swap3A_51], %add3A_29 {strides = array<i32>} : memref<2x128xf32, #tpu.memory_space<vmem>>, vector<1x128xf32>,
    %swap3A_53 = arith.constant 1 : index
    %swap3A_54 = arith.constant 0 : index
    %swap3A_55 = vector.load %arg5[%swap3A_53, %swap3A_54] : memref<2x128xf32, #tpu.memory_space<vmem>>, vector<1x128xf32>
    tpu.vector_store %arg5[%swap3A_53, %swap3A_54], %add3A_50 {strides = array<i32>} : memref<2x128xf32, #tpu.memory_space<vmem>>, vector<1x128xf32>,
    return
  }
}

module attributes {stable_mosaic.version = 14 : i64} {
  func.func @_pass2_body(%arg0: i32, %arg1: memref<2560x128xbf16, #tpu.memory_space<vmem>>, %arg2: memref<2560x16xf32, #tpu.memory_space<vmem>>, %arg3: memref<16x128xf32, #tpu.memory_space<vmem>>, %arg4: memref<128x128xf32, #tpu.memory_space<vmem>>, %arg5: memref<2x128xf32, #tpu.memory_space<vmem>>, %arg6: memref<2x128xf32, #tpu.memory_space<vmem>>, %arg7: memref<2560x64xf32, #tpu.memory_space<vmem>>, %arg8: memref<2560x64xf32, #tpu.memory_space<vmem>>, %arg9: memref<2x128xf32, #tpu.memory_space<vmem>>, %arg10: memref<1x128xf32, #tpu.memory_space<vmem>>, %arg11: memref<1x128xf32, #tpu.memory_space<vmem>>) attributes {dimension_semantics = [#tpu.dimension_semantics<arbitrary>], iteration_bounds = array<i64: 125>, scalar_prefetch = 0 : i64, scratch_operands = 2 : i64, tpu.core_type = #tpu.core_type<tc>, window_params = [{transform_indices = @transform_0, window_bounds = array<i64: 2560, 128>}, {transform_indices = @transform_1, window_bounds = array<i64: 2560, 16>}, {pipeline_mode = #tpu.pipeline_mode<synchronous>, transform_indices = @transform_2, window_bounds = array<i64: 16, 128>}, {pipeline_mode = #tpu.pipeline_mode<synchronous>, transform_indices = @transform_3, window_bounds = array<i64: 128, 128>}, {pipeline_mode = #tpu.pipeline_mode<synchronous>, transform_indices = @transform_4, window_bounds = array<i64: 2, 128>}, {pipeline_mode = #tpu.pipeline_mode<synchronous>, transform_indices = @transform_5, window_bounds = array<i64: 2, 128>}, {transform_indices = @transform_6, window_bounds = array<i64: 2560, 64>}, {transform_indices = @transform_7, window_bounds = array<i64: 2560, 64>}, {pipeline_mode = #tpu.pipeline_mode<synchronous>, transform_indices = @transform_8, window_bounds = array<i64: 2, 128>}]} {
    %eq3A = arith.constant 0 : i32
    %eq3A_0 = arith.cmpi eq, %arg0, %eq3A : i32
    %convert_element_type3A = arith.extui %eq3A_0 : i1 to i32
    %cond3A = arith.constant 0 : i32
    %cond3A_1 = arith.cmpi ne, %convert_element_type3A, %cond3A : i32
    scf.if %cond3A_1 {
      %broadcast_in_dim3A_76 = arith.constant 0.000000e+00 : f32
      %broadcast_in_dim3A_77 = vector.broadcast %broadcast_in_dim3A_76 : f32 to vector<1x128xf32>
      %swap3A_78 = arith.constant 0 : index
      %swap3A_79 = arith.constant 0 : index
      %swap3A_80 = vector.load %arg10[%swap3A_78, %swap3A_79] : memref<1x128xf32, #tpu.memory_space<vmem>>, vector<1x128xf32>
      tpu.vector_store %arg10[%swap3A_78, %swap3A_79], %broadcast_in_dim3A_77 {strides = array<i32>} : memref<1x128xf32, #tpu.memory_space<vmem>>, vector<1x128xf32>,
      %broadcast_in_dim3A_81 = arith.constant 0.000000e+00 : f32
      %broadcast_in_dim3A_82 = vector.broadcast %broadcast_in_dim3A_81 : f32 to vector<1x128xf32>
      %swap3A_83 = arith.constant 0 : index
      %swap3A_84 = arith.constant 0 : index
      %swap3A_85 = vector.load %arg11[%swap3A_83, %swap3A_84] : memref<1x128xf32, #tpu.memory_space<vmem>>, vector<1x128xf32>
      tpu.vector_store %arg11[%swap3A_83, %swap3A_84], %broadcast_in_dim3A_82 {strides = array<i32>} : memref<1x128xf32, #tpu.memory_space<vmem>>, vector<1x128xf32>,
    } else {
    }
    %get3A = arith.constant 0 : index
    %get3A_2 = arith.constant 0 : index
    %get3A_3 = vector.load %arg5[%get3A, %get3A_2] : memref<2x128xf32, #tpu.memory_space<vmem>>, vector<1x128xf32>
    %div3A = arith.constant 3.200000e+05 : f32
    %div3A_4 = vector.broadcast %div3A : f32 to vector<1x128xf32>
    %div3A_5 = arith.divf %get3A_3, %div3A_4 : vector<1x128xf32>
    %get3A_6 = arith.constant 1 : index
    %get3A_7 = arith.constant 0 : index
    %get3A_8 = vector.load %arg5[%get3A_6, %get3A_7] : memref<2x128xf32, #tpu.memory_space<vmem>>, vector<1x128xf32>
    %div3A_9 = arith.constant 3.200000e+05 : f32
    %div3A_10 = vector.broadcast %div3A_9 : f32 to vector<1x128xf32>
    %div3A_11 = arith.divf %get3A_8, %div3A_10 : vector<1x128xf32>
    %mul3A = arith.mulf %div3A_5, %div3A_5 : vector<1x128xf32>
    %sub3A = arith.subf %div3A_11, %mul3A : vector<1x128xf32>
    %get3A_12 = arith.constant 0 : index
    %get3A_13 = arith.constant 0 : index
    %get3A_14 = vector.load %arg6[%get3A_12, %get3A_13] : memref<2x128xf32, #tpu.memory_space<vmem>>, vector<1x128xf32>
    %add3A = arith.constant 9.99999974E-6 : f32
    %add3A_15 = vector.broadcast %add3A : f32 to vector<1x128xf32>
    %add3A_16 = arith.addf %sub3A, %add3A_15 : vector<1x128xf32>
    %rsqrt3A = math.rsqrt %add3A_16 : vector<1x128xf32>
    %mul3A_17 = arith.mulf %get3A_14, %rsqrt3A : vector<1x128xf32>
    %get3A_18 = arith.constant 1 : index
    %get3A_19 = arith.constant 0 : index
    %get3A_20 = vector.load %arg6[%get3A_18, %get3A_19] : memref<2x128xf32, #tpu.memory_space<vmem>>, vector<1x128xf32>
    %mul3A_21 = arith.mulf %div3A_5, %mul3A_17 : vector<1x128xf32>
    %sub3A_22 = arith.subf %get3A_20, %mul3A_21 : vector<1x128xf32>
    %get3A_23 = arith.constant 0 : index
    %get3A_24 = arith.constant 0 : index
    %get3A_25 = vector.load %arg1[%get3A_23, %get3A_24] : memref<2560x128xbf16, #tpu.memory_space<vmem>>, vector<2560x128xbf16>
    %convert_element_type3A_26 = arith.extf %get3A_25 : vector<2560x128xbf16> to vector<2560x128xf32>
    %get3A_27 = arith.constant 0 : index
    %get3A_28 = arith.constant 0 : index
    %get3A_29 = vector.load %arg2[%get3A_27, %get3A_28] : memref<2560x16xf32, #tpu.memory_space<vmem>>, vector<2560x16xf32>
    %get3A_30 = arith.constant 0 : index
    %get3A_31 = arith.constant 0 : index
    %get3A_32 = vector.load %arg3[%get3A_30, %get3A_31] : memref<16x128xf32, #tpu.memory_space<vmem>>, vector<16x128xf32>
    %dot_general3A = arith.constant dense<0.000000e+00> : vector<2560x128xf32>
    %dot_general3A_33 = tpu.matmul %get3A_29, %get3A_32, %dot_general3A {dimension_numbers = #tpu.dot_dimension_numbers<[1], [0], [0], [1], [0, 0, 1, 1], [], []>, transpose_lhs_hint = false} : vector<2560x16xf32>, vector<16x128xf32>, vector<2560x128xf32> -> vector<2560x128xf32>
    %add3A_34 = arith.addf %convert_element_type3A_26, %dot_general3A_33 : vector<2560x128xf32>
    %mul3A_35 = vector.broadcast %mul3A_17 : vector<1x128xf32> to vector<2560x128xf32>
    %mul3A_36 = arith.mulf %add3A_34, %mul3A_35 : vector<2560x128xf32>
    %add3A_37 = vector.broadcast %sub3A_22 : vector<1x128xf32> to vector<2560x128xf32>
    %add3A_38 = arith.addf %mul3A_36, %add3A_37 : vector<2560x128xf32>
    %max3A = arith.constant 0.000000e+00 : f32
    %max3A_39 = vector.broadcast %max3A : f32 to vector<2560x128xf32>
    %max3A_40 = arith.maximumf %add3A_38, %max3A_39 : vector<2560x128xf32>
    %get3A_41 = arith.constant 0 : index
    %get3A_42 = arith.constant 0 : index
    %get3A_43 = vector.load %arg4[%get3A_41, %get3A_42] : memref<128x128xf32, #tpu.memory_space<vmem>>, vector<128x128xf32>
    %dot_general3A_44 = arith.constant dense<0.000000e+00> : vector<2560x128xf32>
    %dot_general3A_45 = tpu.matmul %max3A_40, %get3A_43, %dot_general3A_44 {dimension_numbers = #tpu.dot_dimension_numbers<[1], [0], [0], [1], [0, 0, 1, 1], [], []>, transpose_lhs_hint = false} : vector<2560x128xf32>, vector<128x128xf32>, vector<2560x128xf32> -> vector<2560x128xf32>
    %slice3A = vector.extract_strided_slice %dot_general3A_45 {offsets = [0, 0], sizes = [2560, 64], strides = [1, 1]} : vector<2560x128xf32> to vector<2560x64xf32>
    %swap3A = arith.constant 0 : index
    %swap3A_46 = arith.constant 0 : index
    %swap3A_47 = vector.load %arg7[%swap3A, %swap3A_46] : memref<2560x64xf32, #tpu.memory_space<vmem>>, vector<2560x64xf32>
    tpu.vector_store %arg7[%swap3A, %swap3A_46], %slice3A {strides = array<i32>} : memref<2560x64xf32, #tpu.memory_space<vmem>>, vector<2560x64xf32>,
    %slice3A_48 = vector.extract_strided_slice %dot_general3A_45 {offsets = [0, 64], sizes = [2560, 64], strides = [1, 1]} : vector<2560x128xf32> to vector<2560x64xf32>
    %swap3A_49 = arith.constant 0 : index
    %swap3A_50 = arith.constant 0 : index
    %swap3A_51 = vector.load %arg8[%swap3A_49, %swap3A_50] : memref<2560x64xf32, #tpu.memory_space<vmem>>, vector<2560x64xf32>
    tpu.vector_store %arg8[%swap3A_49, %swap3A_50], %slice3A_48 {strides = array<i32>} : memref<2560x64xf32, #tpu.memory_space<vmem>>, vector<2560x64xf32>,
    %get3A_52 = arith.constant 0 : index
    %get3A_53 = arith.constant 0 : index
    %get3A_54 = vector.load %arg10[%get3A_52, %get3A_53] : memref<1x128xf32, #tpu.memory_space<vmem>>, vector<1x128xf32>
    %reduce_sum3A = arith.constant dense<0.000000e+00> : vector<128xf32>
    %reduce_sum3A_55 = vector.multi_reduction <add>, %dot_general3A_45, %reduce_sum3A [0] : vector<2560x128xf32> to vector<128xf32>
    %broadcast_in_dim3A = vector.shape_cast %reduce_sum3A_55 : vector<128xf32> to vector<1x128xf32>
    %add3A_56 = arith.addf %get3A_54, %broadcast_in_dim3A : vector<1x128xf32>
    %swap3A_57 = arith.constant 0 : index
    %swap3A_58 = arith.constant 0 : index
    %swap3A_59 = vector.load %arg10[%swap3A_57, %swap3A_58] : memref<1x128xf32, #tpu.memory_space<vmem>>, vector<1x128xf32>
    tpu.vector_store %arg10[%swap3A_57, %swap3A_58], %add3A_56 {strides = array<i32>} : memref<1x128xf32, #tpu.memory_space<vmem>>, vector<1x128xf32>,
    %get3A_60 = arith.constant 0 : index
    %get3A_61 = arith.constant 0 : index
    %get3A_62 = vector.load %arg11[%get3A_60, %get3A_61] : memref<1x128xf32, #tpu.memory_space<vmem>>, vector<1x128xf32>
    %mul3A_63 = arith.mulf %dot_general3A_45, %dot_general3A_45 : vector<2560x128xf32>
    %reduce_sum3A_64 = arith.constant dense<0.000000e+00> : vector<128xf32>
    %reduce_sum3A_65 = vector.multi_reduction <add>, %mul3A_63, %reduce_sum3A_64 [0] : vector<2560x128xf32> to vector<128xf32>
    %broadcast_in_dim3A_66 = vector.shape_cast %reduce_sum3A_65 : vector<128xf32> to vector<1x128xf32>
    %add3A_67 = arith.addf %get3A_62, %broadcast_in_dim3A_66 : vector<1x128xf32>
    %swap3A_68 = arith.constant 0 : index
    %swap3A_69 = arith.constant 0 : index
    %swap3A_70 = vector.load %arg11[%swap3A_68, %swap3A_69] : memref<1x128xf32, #tpu.memory_space<vmem>>, vector<1x128xf32>
    tpu.vector_store %arg11[%swap3A_68, %swap3A_69], %add3A_67 {strides = array<i32>} : memref<1x128xf32, #tpu.memory_space<vmem>>, vector<1x128xf32>,
    %eq3A_71 = arith.constant 124 : i32
    %eq3A_72 = arith.cmpi eq, %arg0, %eq3A_71 : i32
    %convert_element_type3A_73 = arith.extui %eq3A_72 : i1 to i32
    %cond3A_74 = arith.constant 0 : i32
    %cond3A_75 = arith.cmpi ne, %convert_element_type3A_73, %cond3A_74 : i32
    scf.if %cond3A_75 {
      %get3A_76 = arith.constant 0 : index
      %get3A_77 = arith.constant 0 : index
      %get3A_78 = vector.load %arg10[%get3A_76, %get3A_77] : memref<1x128xf32, #tpu.memory_space<vmem>>, vector<1x128xf32>
      %swap3A_79 = arith.constant 0 : index
      %swap3A_80 = arith.constant 0 : index
      %swap3A_81 = vector.load %arg9[%swap3A_79, %swap3A_80] : memref<2x128xf32, #tpu.memory_space<vmem>>, vector<1x128xf32>
      tpu.vector_store %arg9[%swap3A_79, %swap3A_80], %get3A_78 {strides = array<i32>} : memref<2x128xf32, #tpu.memory_space<vmem>>, vector<1x128xf32>,
      %get3A_82 = arith.constant 0 : index
      %get3A_83 = arith.constant 0 : index
      %get3A_84 = vector.load %arg11[%get3A_82, %get3A_83] : memref<1x128xf32, #tpu.memory_space<vmem>>, vector<1x128xf32>
      %swap3A_85 = arith.constant 1 : index
      %swap3A_86 = arith.constant 0 : index
      %swap3A_87 = vector.load %arg9[%swap3A_85, %swap3A_86] : memref<2x128xf32, #tpu.memory_space<vmem>>, vector<1x128xf32>
      tpu.vector_store %arg9[%swap3A_85, %swap3A_86], %get3A_84 {strides = array<i32>} : memref<2x128xf32, #tpu.memory_space<vmem>>, vector<1x128xf32>,
    } else {
    }
    return
  }
  func.func @transform_0(%arg0: i32) -> (i32, i32) {
    %c0_i32 = arith.constant 0 : i32
    %c0_i32_0 = arith.constant 0 : i32
    return %arg0, %c0_i32 : i32, i32
  }
  func.func @transform_1(%arg0: i32) -> (i32, i32) {
    %c0_i32 = arith.constant 0 : i32
    %c0_i32_0 = arith.constant 0 : i32
    return %arg0, %c0_i32 : i32, i32
  }
  func.func @transform_2(%arg0: i32) -> (i32, i32) {
    %c0_i32 = arith.constant 0 : i32
    %c0_i32_0 = arith.constant 0 : i32
    %c0_i32_1 = arith.constant 0 : i32
    return %c0_i32, %c0_i32_0 : i32, i32
  }
  func.func @transform_3(%arg0: i32) -> (i32, i32) {
    %c0_i32 = arith.constant 0 : i32
    %c0_i32_0 = arith.constant 0 : i32
    %c0_i32_1 = arith.constant 0 : i32
    return %c0_i32, %c0_i32_0 : i32, i32
  }
  func.func @transform_4(%arg0: i32) -> (i32, i32) {
    %c0_i32 = arith.constant 0 : i32
    %c0_i32_0 = arith.constant 0 : i32
    %c0_i32_1 = arith.constant 0 : i32
    return %c0_i32, %c0_i32_0 : i32, i32
  }
  func.func @transform_5(%arg0: i32) -> (i32, i32) {
    %c0_i32 = arith.constant 0 : i32
    %c0_i32_0 = arith.constant 0 : i32
    %c0_i32_1 = arith.constant 0 : i32
    return %c0_i32, %c0_i32_0 : i32, i32
  }
  func.func @transform_6(%arg0: i32) -> (i32, i32) {
    %c0_i32 = arith.constant 0 : i32
    %c0_i32_0 = arith.constant 0 : i32
    return %arg0, %c0_i32 : i32, i32
  }
  func.func @transform_7(%arg0: i32) -> (i32, i32) {
    %c0_i32 = arith.constant 0 : i32
    %c0_i32_0 = arith.constant 0 : i32
    return %arg0, %c0_i32 : i32, i32
  }
  func.func @transform_8(%arg0: i32) -> (i32, i32) {
    %c0_i32 = arith.constant 0 : i32
    %c0_i32_0 = arith.constant 0 : i32
    %c0_i32_1 = arith.constant 0 : i32
    return %c0_i32, %c0_i32_0 : i32, i32
  }
}

module attributes {stable_mosaic.version = 14 : i64} {
  func.func @_nodeA_body(%arg0: i32, %arg1: memref<2000x128xf32, #tpu.memory_space<vmem>>, %arg2: memref<2000x64xf32, #tpu.memory_space<vmem>>, %arg3: memref<2000x64xf32, #tpu.memory_space<vmem>>, %arg4: memref<2000x16xf32, #tpu.memory_space<vmem>>, %arg5: memref<256x128xf32, #tpu.memory_space<vmem>>, %arg6: memref<2000x1xi32, #tpu.memory_space<vmem>>, %arg7: memref<2x128xf32, #tpu.memory_space<vmem>>, %arg8: memref<2x128xf32, #tpu.memory_space<vmem>>, %arg9: memref<384x128xf32, #tpu.memory_space<vmem>>, %arg10: memref<2000x128xf32, #tpu.memory_space<vmem>>, %arg11: memref<2x128xf32, #tpu.memory_space<vmem>>, %arg12: memref<1x128xf32, #tpu.memory_space<vmem>>, %arg13: memref<1x128xf32, #tpu.memory_space<vmem>>) attributes {dimension_semantics = [#tpu.dimension_semantics<arbitrary>], iteration_bounds = array<i64: 5>, scalar_prefetch = 0 : i64, scratch_operands = 2 : i64, tpu.core_type = #tpu.core_type<tc>, window_params = [{transform_indices = @transform_0, window_bounds = array<i64: 2000, 128>}, {transform_indices = @transform_1, window_bounds = array<i64: 2000, 64>}, {transform_indices = @transform_2, window_bounds = array<i64: 2000, 64>}, {transform_indices = @transform_3, window_bounds = array<i64: 2000, 16>}, {pipeline_mode = #tpu.pipeline_mode<synchronous>, transform_indices = @transform_4, window_bounds = array<i64: 256, 128>}, {transform_indices = @transform_5, window_bounds = array<i64: 2000, 1>}, {pipeline_mode = #tpu.pipeline_mode<synchronous>, transform_indices = @transform_6, window_bounds = array<i64: 2, 128>}, {pipeline_mode = #tpu.pipeline_mode<synchronous>, transform_indices = @transform_7, window_bounds = array<i64: 2, 128>}, {pipeline_mode = #tpu.pipeline_mode<synchronous>, transform_indices = @transform_8, window_bounds = array<i64: 384, 128>}, {transform_indices = @transform_9, window_bounds = array<i64: 2000, 128>}, {pipeline_mode = #tpu.pipeline_mode<synchronous>, transform_indices = @transform_10, window_bounds = array<i64: 2, 128>}]} {
    %eq3A = arith.constant 0 : i32
    %eq3A_0 = arith.cmpi eq, %arg0, %eq3A : i32
    %convert_element_type3A = arith.extui %eq3A_0 : i1 to i32
    %cond3A = arith.constant 0 : i32
    %cond3A_1 = arith.cmpi ne, %convert_element_type3A, %cond3A : i32
    scf.if %cond3A_1 {
      %broadcast_in_dim3A_99 = arith.constant 0.000000e+00 : f32
      %broadcast_in_dim3A_100 = vector.broadcast %broadcast_in_dim3A_99 : f32 to vector<1x128xf32>
      %swap3A_101 = arith.constant 0 : index
      %swap3A_102 = arith.constant 0 : index
      %swap3A_103 = vector.load %arg12[%swap3A_101, %swap3A_102] : memref<1x128xf32, #tpu.memory_space<vmem>>, vector<1x128xf32>
      tpu.vector_store %arg12[%swap3A_101, %swap3A_102], %broadcast_in_dim3A_100 {strides = array<i32>} : memref<1x128xf32, #tpu.memory_space<vmem>>, vector<1x128xf32>,
      %broadcast_in_dim3A_104 = arith.constant 0.000000e+00 : f32
      %broadcast_in_dim3A_105 = vector.broadcast %broadcast_in_dim3A_104 : f32 to vector<1x128xf32>
      %swap3A_106 = arith.constant 0 : index
      %swap3A_107 = arith.constant 0 : index
      %swap3A_108 = vector.load %arg13[%swap3A_106, %swap3A_107] : memref<1x128xf32, #tpu.memory_space<vmem>>, vector<1x128xf32>
      tpu.vector_store %arg13[%swap3A_106, %swap3A_107], %broadcast_in_dim3A_105 {strides = array<i32>} : memref<1x128xf32, #tpu.memory_space<vmem>>, vector<1x128xf32>,
    } else {
    }
    %get3A = arith.constant 0 : index
    %get3A_2 = arith.constant 0 : index
    %get3A_3 = vector.load %arg7[%get3A, %get3A_2] : memref<2x128xf32, #tpu.memory_space<vmem>>, vector<1x128xf32>
    %div3A = arith.constant 3.200000e+05 : f32
    %div3A_4 = vector.broadcast %div3A : f32 to vector<1x128xf32>
    %div3A_5 = arith.divf %get3A_3, %div3A_4 : vector<1x128xf32>
    %get3A_6 = arith.constant 1 : index
    %get3A_7 = arith.constant 0 : index
    %get3A_8 = vector.load %arg7[%get3A_6, %get3A_7] : memref<2x128xf32, #tpu.memory_space<vmem>>, vector<1x128xf32>
    %div3A_9 = arith.constant 3.200000e+05 : f32
    %div3A_10 = vector.broadcast %div3A_9 : f32 to vector<1x128xf32>
    %div3A_11 = arith.divf %get3A_8, %div3A_10 : vector<1x128xf32>
    %mul3A = arith.mulf %div3A_5, %div3A_5 : vector<1x128xf32>
    %sub3A = arith.subf %div3A_11, %mul3A : vector<1x128xf32>
    %get3A_12 = arith.constant 0 : index
    %get3A_13 = arith.constant 0 : index
    %get3A_14 = vector.load %arg8[%get3A_12, %get3A_13] : memref<2x128xf32, #tpu.memory_space<vmem>>, vector<1x128xf32>
    %add3A = arith.constant 9.99999974E-6 : f32
    %add3A_15 = vector.broadcast %add3A : f32 to vector<1x128xf32>
    %add3A_16 = arith.addf %sub3A, %add3A_15 : vector<1x128xf32>
    %rsqrt3A = math.rsqrt %add3A_16 : vector<1x128xf32>
    %mul3A_17 = arith.mulf %get3A_14, %rsqrt3A : vector<1x128xf32>
    %get3A_18 = arith.constant 1 : index
    %get3A_19 = arith.constant 0 : index
    %get3A_20 = vector.load %arg8[%get3A_18, %get3A_19] : memref<2x128xf32, #tpu.memory_space<vmem>>, vector<1x128xf32>
    %mul3A_21 = arith.mulf %div3A_5, %mul3A_17 : vector<1x128xf32>
    %sub3A_22 = arith.subf %get3A_20, %mul3A_21 : vector<1x128xf32>
    %get3A_23 = arith.constant 0 : index
    %get3A_24 = arith.constant 0 : index
    %get3A_25 = vector.load %arg2[%get3A_23, %get3A_24] : memref<2000x64xf32, #tpu.memory_space<vmem>>, vector<2000x64xf32>
    %get3A_26 = arith.constant 0 : index
    %get3A_27 = arith.constant 0 : index
    %get3A_28 = vector.load %arg3[%get3A_26, %get3A_27] : memref<2000x64xf32, #tpu.memory_space<vmem>>, vector<2000x64xf32>
    %concatenate3A = tpu.concatenate %get3A_25, %get3A_28 in 1 : vector<2000x64xf32>, vector<2000x64xf32> -> vector<2000x128xf32>
    %get3A_29 = arith.constant 0 : index
    %get3A_30 = arith.constant 0 : index
    %get3A_31 = vector.load %arg4[%get3A_29, %get3A_30] : memref<2000x16xf32, #tpu.memory_space<vmem>>, vector<2000x1xf32>
    %mul3A_32 = vector.broadcast %mul3A_17 : vector<1x128xf32> to vector<2000x128xf32>
    %mul3A_33 = arith.mulf %concatenate3A, %mul3A_32 : vector<2000x128xf32>
    %mul3A_34 = vector.broadcast %get3A_31 : vector<2000x1xf32> to vector<2000x128xf32>
    %mul3A_35 = vector.broadcast %sub3A_22 : vector<1x128xf32> to vector<2000x128xf32>
    %mul3A_36 = arith.mulf %mul3A_34, %mul3A_35 : vector<2000x128xf32>
    %add3A_37 = arith.addf %mul3A_33, %mul3A_36 : vector<2000x128xf32>
    %max3A = arith.constant 1.000000e+00 : f32
    %max3A_38 = vector.broadcast %max3A : f32 to vector<2000x1xf32>
    %max3A_39 = arith.maximumf %get3A_31, %max3A_38 : vector<2000x1xf32>
    %div3A_40 = vector.broadcast %max3A_39 : vector<2000x1xf32> to vector<2000x128xf32>
    %div3A_41 = arith.divf %add3A_37, %div3A_40 : vector<2000x128xf32>
    %iota3A = tpu.iota {dimensions = array<i32: 1>} : vector<2000x256xi32>
    %get3A_42 = arith.constant 0 : index
    %get3A_43 = arith.constant 0 : index
    %get3A_44 = vector.load %arg6[%get3A_42, %get3A_43] : memref<2000x1xi32, #tpu.memory_space<vmem>>, vector<2000x1xi32>
    %eq3A_45 = vector.broadcast %get3A_44 : vector<2000x1xi32> to vector<2000x256xi32>
    %eq3A_46 = arith.cmpi eq, %iota3A, %eq3A_45 : vector<2000x256xi32>
    %convert_element_type3A_47 = arith.extui %eq3A_46 : vector<2000x256xi1> to vector<2000x256xi32>
    %convert_element_type3A_48 = arith.sitofp %convert_element_type3A_47 : vector<2000x256xi32> to vector<2000x256xf32>
    %get3A_49 = arith.constant 0 : index
    %get3A_50 = arith.constant 0 : index
    %get3A_51 = vector.load %arg5[%get3A_49, %get3A_50] : memref<256x128xf32, #tpu.memory_space<vmem>>, vector<256x128xf32>
    %dot_general3A = arith.constant dense<0.000000e+00> : vector<2000x128xf32>
    %dot_general3A_52 = tpu.matmul %convert_element_type3A_48, %get3A_51, %dot_general3A {dimension_numbers = #tpu.dot_dimension_numbers<[1], [0], [0], [1], [0, 0, 1, 1], [], []>, transpose_lhs_hint = false} : vector<2000x256xf32>, vector<256x128xf32>, vector<2000x128xf32> -> vector<2000x128xf32>
    %get3A_53 = arith.constant 0 : index
    %get3A_54 = arith.constant 0 : index
    %get3A_55 = vector.load %arg1[%get3A_53, %get3A_54] : memref<2000x128xf32, #tpu.memory_space<vmem>>, vector<2000x128xf32>
    %get3A_56 = arith.constant 0 : index
    %get3A_57 = arith.constant 0 : index
    %get3A_58 = vector.load %arg9[%get3A_56, %get3A_57] : memref<384x128xf32, #tpu.memory_space<vmem>>, vector<128x128xf32>
    %dot_general3A_59 = arith.constant dense<0.000000e+00> : vector<2000x128xf32>
    %dot_general3A_60 = tpu.matmul %get3A_55, %get3A_58, %dot_general3A_59 {dimension_numbers = #tpu.dot_dimension_numbers<[1], [0], [0], [1], [0, 0, 1, 1], [], []>, transpose_lhs_hint = false} : vector<2000x128xf32>, vector<128x128xf32>, vector<2000x128xf32> -> vector<2000x128xf32>
    %get3A_61 = arith.constant 128 : index
    %get3A_62 = arith.constant 0 : index
    %get3A_63 = vector.load %arg9[%get3A_61, %get3A_62] : memref<384x128xf32, #tpu.memory_space<vmem>>, vector<128x128xf32>
    %dot_general3A_64 = arith.constant dense<0.000000e+00> : vector<2000x128xf32>
    %dot_general3A_65 = tpu.matmul %div3A_41, %get3A_63, %dot_general3A_64 {dimension_numbers = #tpu.dot_dimension_numbers<[1], [0], [0], [1], [0, 0, 1, 1], [], []>, transpose_lhs_hint = false} : vector<2000x128xf32>, vector<128x128xf32>, vector<2000x128xf32> -> vector<2000x128xf32>
    %add3A_66 = arith.addf %dot_general3A_60, %dot_general3A_65 : vector<2000x128xf32>
    %get3A_67 = arith.constant 256 : index
    %get3A_68 = arith.constant 0 : index
    %get3A_69 = vector.load %arg9[%get3A_67, %get3A_68] : memref<384x128xf32, #tpu.memory_space<vmem>>, vector<128x128xf32>
    %dot_general3A_70 = arith.constant dense<0.000000e+00> : vector<2000x128xf32>
    %dot_general3A_71 = tpu.matmul %dot_general3A_52, %get3A_69, %dot_general3A_70 {dimension_numbers = #tpu.dot_dimension_numbers<[1], [0], [0], [1], [0, 0, 1, 1], [], []>, transpose_lhs_hint = false} : vector<2000x128xf32>, vector<128x128xf32>, vector<2000x128xf32> -> vector<2000x128xf32>
    %add3A_72 = arith.addf %add3A_66, %dot_general3A_71 : vector<2000x128xf32>
    %swap3A = arith.constant 0 : index
    %swap3A_73 = arith.constant 0 : index
    %swap3A_74 = vector.load %arg10[%swap3A, %swap3A_73] : memref<2000x128xf32, #tpu.memory_space<vmem>>, vector<2000x128xf32>
    tpu.vector_store %arg10[%swap3A, %swap3A_73], %add3A_72 {strides = array<i32>} : memref<2000x128xf32, #tpu.memory_space<vmem>>, vector<2000x128xf32>,
    %get3A_75 = arith.constant 0 : index
    %get3A_76 = arith.constant 0 : index
    %get3A_77 = vector.load %arg12[%get3A_75, %get3A_76] : memref<1x128xf32, #tpu.memory_space<vmem>>, vector<1x128xf32>
    %reduce_sum3A = arith.constant dense<0.000000e+00> : vector<128xf32>
    %reduce_sum3A_78 = vector.multi_reduction <add>, %add3A_72, %reduce_sum3A [0] : vector<2000x128xf32> to vector<128xf32>
    %broadcast_in_dim3A = vector.shape_cast %reduce_sum3A_78 : vector<128xf32> to vector<1x128xf32>
    %add3A_79 = arith.addf %get3A_77, %broadcast_in_dim3A : vector<1x128xf32>
    %swap3A_80 = arith.constant 0 : index
    %swap3A_81 = arith.constant 0 : index
    %swap3A_82 = vector.load %arg12[%swap3A_80, %swap3A_81] : memref<1x128xf32, #tpu.memory_space<vmem>>, vector<1x128xf32>
    tpu.vector_store %arg12[%swap3A_80, %swap3A_81], %add3A_79 {strides = array<i32>} : memref<1x128xf32, #tpu.memory_space<vmem>>, vector<1x128xf32>,
    %get3A_83 = arith.constant 0 : index
    %get3A_84 = arith.constant 0 : index
    %get3A_85 = vector.load %arg13[%get3A_83, %get3A_84] : memref<1x128xf32, #tpu.memory_space<vmem>>, vector<1x128xf32>
    %mul3A_86 = arith.mulf %add3A_72, %add3A_72 : vector<2000x128xf32>
    %reduce_sum3A_87 = arith.constant dense<0.000000e+00> : vector<128xf32>
    %reduce_sum3A_88 = vector.multi_reduction <add>, %mul3A_86, %reduce_sum3A_87 [0] : vector<2000x128xf32> to vector<128xf32>
    %broadcast_in_dim3A_89 = vector.shape_cast %reduce_sum3A_88 : vector<128xf32> to vector<1x128xf32>
    %add3A_90 = arith.addf %get3A_85, %broadcast_in_dim3A_89 : vector<1x128xf32>
    %swap3A_91 = arith.constant 0 : index
    %swap3A_92 = arith.constant 0 : index
    %swap3A_93 = vector.load %arg13[%swap3A_91, %swap3A_92] : memref<1x128xf32, #tpu.memory_space<vmem>>, vector<1x128xf32>
    tpu.vector_store %arg13[%swap3A_91, %swap3A_92], %add3A_90 {strides = array<i32>} : memref<1x128xf32, #tpu.memory_space<vmem>>, vector<1x128xf32>,
    %eq3A_94 = arith.constant 4 : i32
    %eq3A_95 = arith.cmpi eq, %arg0, %eq3A_94 : i32
    %convert_element_type3A_96 = arith.extui %eq3A_95 : i1 to i32
    %cond3A_97 = arith.constant 0 : i32
    %cond3A_98 = arith.cmpi ne, %convert_element_type3A_96, %cond3A_97 : i32
    scf.if %cond3A_98 {
      %get3A_99 = arith.constant 0 : index
      %get3A_100 = arith.constant 0 : index
      %get3A_101 = vector.load %arg12[%get3A_99, %get3A_100] : memref<1x128xf32, #tpu.memory_space<vmem>>, vector<1x128xf32>
      %swap3A_102 = arith.constant 0 : index
      %swap3A_103 = arith.constant 0 : index
      %swap3A_104 = vector.load %arg11[%swap3A_102, %swap3A_103] : memref<2x128xf32, #tpu.memory_space<vmem>>, vector<1x128xf32>
      tpu.vector_store %arg11[%swap3A_102, %swap3A_103], %get3A_101 {strides = array<i32>} : memref<2x128xf32, #tpu.memory_space<vmem>>, vector<1x128xf32>,
      %get3A_105 = arith.constant 0 : index
      %get3A_106 = arith.constant 0 : index
      %get3A_107 = vector.load %arg13[%get3A_105, %get3A_106] : memref<1x128xf32, #tpu.memory_space<vmem>>, vector<1x128xf32>
      %swap3A_108 = arith.constant 1 : index
      %swap3A_109 = arith.constant 0 : index
      %swap3A_110 = vector.load %arg11[%swap3A_108, %swap3A_109] : memref<2x128xf32, #tpu.memory_space<vmem>>, vector<1x128xf32>
      tpu.vector_store %arg11[%swap3A_108, %swap3A_109], %get3A_107 {strides = array<i32>} : memref<2x128xf32, #tpu.memory_space<vmem>>, vector<1x128xf32>,
    } else {
    }
    return
  }
  func.func @transform_0(%arg0: i32) -> (i32, i32) {
    %c0_i32 = arith.constant 0 : i32
    %c0_i32_0 = arith.constant 0 : i32
    return %arg0, %c0_i32 : i32, i32
  }
  func.func @transform_1(%arg0: i32) -> (i32, i32) {
    %c0_i32 = arith.constant 0 : i32
    %c0_i32_0 = arith.constant 0 : i32
    return %arg0, %c0_i32 : i32, i32
  }
  func.func @transform_2(%arg0: i32) -> (i32, i32) {
    %c0_i32 = arith.constant 0 : i32
    %c0_i32_0 = arith.constant 0 : i32
    return %arg0, %c0_i32 : i32, i32
  }
  func.func @transform_3(%arg0: i32) -> (i32, i32) {
    %c0_i32 = arith.constant 0 : i32
    %c0_i32_0 = arith.constant 0 : i32
    return %arg0, %c0_i32 : i32, i32
  }
  func.func @transform_4(%arg0: i32) -> (i32, i32) {
    %c0_i32 = arith.constant 0 : i32
    %c0_i32_0 = arith.constant 0 : i32
    %c0_i32_1 = arith.constant 0 : i32
    return %c0_i32, %c0_i32_0 : i32, i32
  }
  func.func @transform_5(%arg0: i32) -> (i32, i32) {
    %c0_i32 = arith.constant 0 : i32
    %c0_i32_0 = arith.constant 0 : i32
    return %arg0, %c0_i32 : i32, i32
  }
  func.func @transform_6(%arg0: i32) -> (i32, i32) {
    %c0_i32 = arith.constant 0 : i32
    %c0_i32_0 = arith.constant 0 : i32
    %c0_i32_1 = arith.constant 0 : i32
    return %c0_i32, %c0_i32_0 : i32, i32
  }
  func.func @transform_7(%arg0: i32) -> (i32, i32) {
    %c0_i32 = arith.constant 0 : i32
    %c0_i32_0 = arith.constant 0 : i32
    %c0_i32_1 = arith.constant 0 : i32
    return %c0_i32, %c0_i32_0 : i32, i32
  }
  func.func @transform_8(%arg0: i32) -> (i32, i32) {
    %c0_i32 = arith.constant 0 : i32
    %c0_i32_0 = arith.constant 0 : i32
    %c0_i32_1 = arith.constant 0 : i32
    return %c0_i32, %c0_i32_0 : i32, i32
  }
  func.func @transform_9(%arg0: i32) -> (i32, i32) {
    %c0_i32 = arith.constant 0 : i32
    %c0_i32_0 = arith.constant 0 : i32
    return %arg0, %c0_i32 : i32, i32
  }
  func.func @transform_10(%arg0: i32) -> (i32, i32) {
    %c0_i32 = arith.constant 0 : i32
    %c0_i32_0 = arith.constant 0 : i32
    %c0_i32_1 = arith.constant 0 : i32
    return %c0_i32, %c0_i32_0 : i32, i32
  }
}

module attributes {stable_mosaic.version = 14 : i64} {
  func.func @_nodeB_body(%arg0: i32, %arg1: memref<2000x128xf32, #tpu.memory_space<vmem>>, %arg2: memref<2x128xf32, #tpu.memory_space<vmem>>, %arg3: memref<2x128xf32, #tpu.memory_space<vmem>>, %arg4: memref<128x128xf32, #tpu.memory_space<vmem>>, %arg5: memref<2000x128xf32, #tpu.memory_space<vmem>>, %arg6: memref<2x128xf32, #tpu.memory_space<vmem>>, %arg7: memref<1x128xf32, #tpu.memory_space<vmem>>, %arg8: memref<1x128xf32, #tpu.memory_space<vmem>>) attributes {dimension_semantics = [#tpu.dimension_semantics<arbitrary>], iteration_bounds = array<i64: 5>, scalar_prefetch = 0 : i64, scratch_operands = 2 : i64, tpu.core_type = #tpu.core_type<tc>, window_params = [{transform_indices = @transform_0, window_bounds = array<i64: 2000, 128>}, {pipeline_mode = #tpu.pipeline_mode<synchronous>, transform_indices = @transform_1, window_bounds = array<i64: 2, 128>}, {pipeline_mode = #tpu.pipeline_mode<synchronous>, transform_indices = @transform_2, window_bounds = array<i64: 2, 128>}, {pipeline_mode = #tpu.pipeline_mode<synchronous>, transform_indices = @transform_3, window_bounds = array<i64: 128, 128>}, {transform_indices = @transform_4, window_bounds = array<i64: 2000, 128>}, {pipeline_mode = #tpu.pipeline_mode<synchronous>, transform_indices = @transform_5, window_bounds = array<i64: 2, 128>}]} {
    %eq3A = arith.constant 0 : i32
    %eq3A_0 = arith.cmpi eq, %arg0, %eq3A : i32
    %convert_element_type3A = arith.extui %eq3A_0 : i1 to i32
    %cond3A = arith.constant 0 : i32
    %cond3A_1 = arith.cmpi ne, %convert_element_type3A, %cond3A : i32
    scf.if %cond3A_1 {
      %broadcast_in_dim3A_62 = arith.constant 0.000000e+00 : f32
      %broadcast_in_dim3A_63 = vector.broadcast %broadcast_in_dim3A_62 : f32 to vector<1x128xf32>
      %swap3A_64 = arith.constant 0 : index
      %swap3A_65 = arith.constant 0 : index
      %swap3A_66 = vector.load %arg7[%swap3A_64, %swap3A_65] : memref<1x128xf32, #tpu.memory_space<vmem>>, vector<1x128xf32>
      tpu.vector_store %arg7[%swap3A_64, %swap3A_65], %broadcast_in_dim3A_63 {strides = array<i32>} : memref<1x128xf32, #tpu.memory_space<vmem>>, vector<1x128xf32>,
      %broadcast_in_dim3A_67 = arith.constant 0.000000e+00 : f32
      %broadcast_in_dim3A_68 = vector.broadcast %broadcast_in_dim3A_67 : f32 to vector<1x128xf32>
      %swap3A_69 = arith.constant 0 : index
      %swap3A_70 = arith.constant 0 : index
      %swap3A_71 = vector.load %arg8[%swap3A_69, %swap3A_70] : memref<1x128xf32, #tpu.memory_space<vmem>>, vector<1x128xf32>
      tpu.vector_store %arg8[%swap3A_69, %swap3A_70], %broadcast_in_dim3A_68 {strides = array<i32>} : memref<1x128xf32, #tpu.memory_space<vmem>>, vector<1x128xf32>,
    } else {
    }
    %get3A = arith.constant 0 : index
    %get3A_2 = arith.constant 0 : index
    %get3A_3 = vector.load %arg2[%get3A, %get3A_2] : memref<2x128xf32, #tpu.memory_space<vmem>>, vector<1x128xf32>
    %div3A = arith.constant 1.000000e+04 : f32
    %div3A_4 = vector.broadcast %div3A : f32 to vector<1x128xf32>
    %div3A_5 = arith.divf %get3A_3, %div3A_4 : vector<1x128xf32>
    %get3A_6 = arith.constant 1 : index
    %get3A_7 = arith.constant 0 : index
    %get3A_8 = vector.load %arg2[%get3A_6, %get3A_7] : memref<2x128xf32, #tpu.memory_space<vmem>>, vector<1x128xf32>
    %div3A_9 = arith.constant 1.000000e+04 : f32
    %div3A_10 = vector.broadcast %div3A_9 : f32 to vector<1x128xf32>
    %div3A_11 = arith.divf %get3A_8, %div3A_10 : vector<1x128xf32>
    %mul3A = arith.mulf %div3A_5, %div3A_5 : vector<1x128xf32>
    %sub3A = arith.subf %div3A_11, %mul3A : vector<1x128xf32>
    %get3A_12 = arith.constant 0 : index
    %get3A_13 = arith.constant 0 : index
    %get3A_14 = vector.load %arg3[%get3A_12, %get3A_13] : memref<2x128xf32, #tpu.memory_space<vmem>>, vector<1x128xf32>
    %add3A = arith.constant 9.99999974E-6 : f32
    %add3A_15 = vector.broadcast %add3A : f32 to vector<1x128xf32>
    %add3A_16 = arith.addf %sub3A, %add3A_15 : vector<1x128xf32>
    %rsqrt3A = math.rsqrt %add3A_16 : vector<1x128xf32>
    %mul3A_17 = arith.mulf %get3A_14, %rsqrt3A : vector<1x128xf32>
    %get3A_18 = arith.constant 1 : index
    %get3A_19 = arith.constant 0 : index
    %get3A_20 = vector.load %arg3[%get3A_18, %get3A_19] : memref<2x128xf32, #tpu.memory_space<vmem>>, vector<1x128xf32>
    %mul3A_21 = arith.mulf %div3A_5, %mul3A_17 : vector<1x128xf32>
    %sub3A_22 = arith.subf %get3A_20, %mul3A_21 : vector<1x128xf32>
    %get3A_23 = arith.constant 0 : index
    %get3A_24 = arith.constant 0 : index
    %get3A_25 = vector.load %arg1[%get3A_23, %get3A_24] : memref<2000x128xf32, #tpu.memory_space<vmem>>, vector<2000x128xf32>
    %mul3A_26 = vector.broadcast %mul3A_17 : vector<1x128xf32> to vector<2000x128xf32>
    %mul3A_27 = arith.mulf %get3A_25, %mul3A_26 : vector<2000x128xf32>
    %add3A_28 = vector.broadcast %sub3A_22 : vector<1x128xf32> to vector<2000x128xf32>
    %add3A_29 = arith.addf %mul3A_27, %add3A_28 : vector<2000x128xf32>
    %max3A = arith.constant 0.000000e+00 : f32
    %max3A_30 = vector.broadcast %max3A : f32 to vector<2000x128xf32>
    %max3A_31 = arith.maximumf %add3A_29, %max3A_30 : vector<2000x128xf32>
    %get3A_32 = arith.constant 0 : index
    %get3A_33 = arith.constant 0 : index
    %get3A_34 = vector.load %arg4[%get3A_32, %get3A_33] : memref<128x128xf32, #tpu.memory_space<vmem>>, vector<128x128xf32>
    %dot_general3A = arith.constant dense<0.000000e+00> : vector<2000x128xf32>
    %dot_general3A_35 = tpu.matmul %max3A_31, %get3A_34, %dot_general3A {dimension_numbers = #tpu.dot_dimension_numbers<[1], [0], [0], [1], [0, 0, 1, 1], [], []>, transpose_lhs_hint = false} : vector<2000x128xf32>, vector<128x128xf32>, vector<2000x128xf32> -> vector<2000x128xf32>
    %swap3A = arith.constant 0 : index
    %swap3A_36 = arith.constant 0 : index
    %swap3A_37 = vector.load %arg5[%swap3A, %swap3A_36] : memref<2000x128xf32, #tpu.memory_space<vmem>>, vector<2000x128xf32>
    tpu.vector_store %arg5[%swap3A, %swap3A_36], %dot_general3A_35 {strides = array<i32>} : memref<2000x128xf32, #tpu.memory_space<vmem>>, vector<2000x128xf32>,
    %get3A_38 = arith.constant 0 : index
    %get3A_39 = arith.constant 0 : index
    %get3A_40 = vector.load %arg7[%get3A_38, %get3A_39] : memref<1x128xf32, #tpu.memory_space<vmem>>, vector<1x128xf32>
    %reduce_sum3A = arith.constant dense<0.000000e+00> : vector<128xf32>
    %reduce_sum3A_41 = vector.multi_reduction <add>, %dot_general3A_35, %reduce_sum3A [0] : vector<2000x128xf32> to vector<128xf32>
    %broadcast_in_dim3A = vector.shape_cast %reduce_sum3A_41 : vector<128xf32> to vector<1x128xf32>
    %add3A_42 = arith.addf %get3A_40, %broadcast_in_dim3A : vector<1x128xf32>
    %swap3A_43 = arith.constant 0 : index
    %swap3A_44 = arith.constant 0 : index
    %swap3A_45 = vector.load %arg7[%swap3A_43, %swap3A_44] : memref<1x128xf32, #tpu.memory_space<vmem>>, vector<1x128xf32>
    tpu.vector_store %arg7[%swap3A_43, %swap3A_44], %add3A_42 {strides = array<i32>} : memref<1x128xf32, #tpu.memory_space<vmem>>, vector<1x128xf32>,
    %get3A_46 = arith.constant 0 : index
    %get3A_47 = arith.constant 0 : index
    %get3A_48 = vector.load %arg8[%get3A_46, %get3A_47] : memref<1x128xf32, #tpu.memory_space<vmem>>, vector<1x128xf32>
    %mul3A_49 = arith.mulf %dot_general3A_35, %dot_general3A_35 : vector<2000x128xf32>
    %reduce_sum3A_50 = arith.constant dense<0.000000e+00> : vector<128xf32>
    %reduce_sum3A_51 = vector.multi_reduction <add>, %mul3A_49, %reduce_sum3A_50 [0] : vector<2000x128xf32> to vector<128xf32>
    %broadcast_in_dim3A_52 = vector.shape_cast %reduce_sum3A_51 : vector<128xf32> to vector<1x128xf32>
    %add3A_53 = arith.addf %get3A_48, %broadcast_in_dim3A_52 : vector<1x128xf32>
    %swap3A_54 = arith.constant 0 : index
    %swap3A_55 = arith.constant 0 : index
    %swap3A_56 = vector.load %arg8[%swap3A_54, %swap3A_55] : memref<1x128xf32, #tpu.memory_space<vmem>>, vector<1x128xf32>
    tpu.vector_store %arg8[%swap3A_54, %swap3A_55], %add3A_53 {strides = array<i32>} : memref<1x128xf32, #tpu.memory_space<vmem>>, vector<1x128xf32>,
    %eq3A_57 = arith.constant 4 : i32
    %eq3A_58 = arith.cmpi eq, %arg0, %eq3A_57 : i32
    %convert_element_type3A_59 = arith.extui %eq3A_58 : i1 to i32
    %cond3A_60 = arith.constant 0 : i32
    %cond3A_61 = arith.cmpi ne, %convert_element_type3A_59, %cond3A_60 : i32
    scf.if %cond3A_61 {
      %get3A_62 = arith.constant 0 : index
      %get3A_63 = arith.constant 0 : index
      %get3A_64 = vector.load %arg7[%get3A_62, %get3A_63] : memref<1x128xf32, #tpu.memory_space<vmem>>, vector<1x128xf32>
      %swap3A_65 = arith.constant 0 : index
      %swap3A_66 = arith.constant 0 : index
      %swap3A_67 = vector.load %arg6[%swap3A_65, %swap3A_66] : memref<2x128xf32, #tpu.memory_space<vmem>>, vector<1x128xf32>
      tpu.vector_store %arg6[%swap3A_65, %swap3A_66], %get3A_64 {strides = array<i32>} : memref<2x128xf32, #tpu.memory_space<vmem>>, vector<1x128xf32>,
      %get3A_68 = arith.constant 0 : index
      %get3A_69 = arith.constant 0 : index
      %get3A_70 = vector.load %arg8[%get3A_68, %get3A_69] : memref<1x128xf32, #tpu.memory_space<vmem>>, vector<1x128xf32>
      %swap3A_71 = arith.constant 1 : index
      %swap3A_72 = arith.constant 0 : index
      %swap3A_73 = vector.load %arg6[%swap3A_71, %swap3A_72] : memref<2x128xf32, #tpu.memory_space<vmem>>, vector<1x128xf32>
      tpu.vector_store %arg6[%swap3A_71, %swap3A_72], %get3A_70 {strides = array<i32>} : memref<2x128xf32, #tpu.memory_space<vmem>>, vector<1x128xf32>,
    } else {
    }
    return
  }
  func.func @transform_0(%arg0: i32) -> (i32, i32) {
    %c0_i32 = arith.constant 0 : i32
    %c0_i32_0 = arith.constant 0 : i32
    return %arg0, %c0_i32 : i32, i32
  }
  func.func @transform_1(%arg0: i32) -> (i32, i32) {
    %c0_i32 = arith.constant 0 : i32
    %c0_i32_0 = arith.constant 0 : i32
    %c0_i32_1 = arith.constant 0 : i32
    return %c0_i32, %c0_i32_0 : i32, i32
  }
  func.func @transform_2(%arg0: i32) -> (i32, i32) {
    %c0_i32 = arith.constant 0 : i32
    %c0_i32_0 = arith.constant 0 : i32
    %c0_i32_1 = arith.constant 0 : i32
    return %c0_i32, %c0_i32_0 : i32, i32
  }
  func.func @transform_3(%arg0: i32) -> (i32, i32) {
    %c0_i32 = arith.constant 0 : i32
    %c0_i32_0 = arith.constant 0 : i32
    %c0_i32_1 = arith.constant 0 : i32
    return %c0_i32, %c0_i32_0 : i32, i32
  }
  func.func @transform_4(%arg0: i32) -> (i32, i32) {
    %c0_i32 = arith.constant 0 : i32
    %c0_i32_0 = arith.constant 0 : i32
    return %arg0, %c0_i32 : i32, i32
  }
  func.func @transform_5(%arg0: i32) -> (i32, i32) {
    %c0_i32 = arith.constant 0 : i32
    %c0_i32_0 = arith.constant 0 : i32
    %c0_i32_1 = arith.constant 0 : i32
    return %c0_i32, %c0_i32_0 : i32, i32
  }
}

module attributes {stable_mosaic.version = 14 : i64} {
  func.func @_nodeC_body(%arg0: i32, %arg1: memref<2000x128xf32, #tpu.memory_space<vmem>>, %arg2: memref<2x128xf32, #tpu.memory_space<vmem>>, %arg3: memref<2x128xf32, #tpu.memory_space<vmem>>, %arg4: memref<2000x128xf32, #tpu.memory_space<vmem>>) attributes {dimension_semantics = [#tpu.dimension_semantics<arbitrary>], iteration_bounds = array<i64: 5>, scalar_prefetch = 0 : i64, scratch_operands = 0 : i64, tpu.core_type = #tpu.core_type<tc>, window_params = [{transform_indices = @transform_0, window_bounds = array<i64: 2000, 128>}, {pipeline_mode = #tpu.pipeline_mode<synchronous>, transform_indices = @transform_1, window_bounds = array<i64: 2, 128>}, {pipeline_mode = #tpu.pipeline_mode<synchronous>, transform_indices = @transform_2, window_bounds = array<i64: 2, 128>}, {transform_indices = @transform_3, window_bounds = array<i64: 2000, 128>}]} {
    %get3A = arith.constant 0 : index
    %get3A_0 = arith.constant 0 : index
    %get3A_1 = vector.load %arg2[%get3A, %get3A_0] : memref<2x128xf32, #tpu.memory_space<vmem>>, vector<1x128xf32>
    %div3A = arith.constant 1.000000e+04 : f32
    %div3A_2 = vector.broadcast %div3A : f32 to vector<1x128xf32>
    %div3A_3 = arith.divf %get3A_1, %div3A_2 : vector<1x128xf32>
    %get3A_4 = arith.constant 1 : index
    %get3A_5 = arith.constant 0 : index
    %get3A_6 = vector.load %arg2[%get3A_4, %get3A_5] : memref<2x128xf32, #tpu.memory_space<vmem>>, vector<1x128xf32>
    %div3A_7 = arith.constant 1.000000e+04 : f32
    %div3A_8 = vector.broadcast %div3A_7 : f32 to vector<1x128xf32>
    %div3A_9 = arith.divf %get3A_6, %div3A_8 : vector<1x128xf32>
    %mul3A = arith.mulf %div3A_3, %div3A_3 : vector<1x128xf32>
    %sub3A = arith.subf %div3A_9, %mul3A : vector<1x128xf32>
    %get3A_10 = arith.constant 0 : index
    %get3A_11 = arith.constant 0 : index
    %get3A_12 = vector.load %arg3[%get3A_10, %get3A_11] : memref<2x128xf32, #tpu.memory_space<vmem>>, vector<1x128xf32>
    %add3A = arith.constant 9.99999974E-6 : f32
    %add3A_13 = vector.broadcast %add3A : f32 to vector<1x128xf32>
    %add3A_14 = arith.addf %sub3A, %add3A_13 : vector<1x128xf32>
    %rsqrt3A = math.rsqrt %add3A_14 : vector<1x128xf32>
    %mul3A_15 = arith.mulf %get3A_12, %rsqrt3A : vector<1x128xf32>
    %get3A_16 = arith.constant 1 : index
    %get3A_17 = arith.constant 0 : index
    %get3A_18 = vector.load %arg3[%get3A_16, %get3A_17] : memref<2x128xf32, #tpu.memory_space<vmem>>, vector<1x128xf32>
    %mul3A_19 = arith.mulf %div3A_3, %mul3A_15 : vector<1x128xf32>
    %sub3A_20 = arith.subf %get3A_18, %mul3A_19 : vector<1x128xf32>
    %get3A_21 = arith.constant 0 : index
    %get3A_22 = arith.constant 0 : index
    %get3A_23 = vector.load %arg1[%get3A_21, %get3A_22] : memref<2000x128xf32, #tpu.memory_space<vmem>>, vector<2000x128xf32>
    %mul3A_24 = vector.broadcast %mul3A_15 : vector<1x128xf32> to vector<2000x128xf32>
    %mul3A_25 = arith.mulf %get3A_23, %mul3A_24 : vector<2000x128xf32>
    %add3A_26 = vector.broadcast %sub3A_20 : vector<1x128xf32> to vector<2000x128xf32>
    %add3A_27 = arith.addf %mul3A_25, %add3A_26 : vector<2000x128xf32>
    %swap3A = arith.constant 0 : index
    %swap3A_28 = arith.constant 0 : index
    %swap3A_29 = vector.load %arg4[%swap3A, %swap3A_28] : memref<2000x128xf32, #tpu.memory_space<vmem>>, vector<2000x128xf32>
    tpu.vector_store %arg4[%swap3A, %swap3A_28], %add3A_27 {strides = array<i32>} : memref<2000x128xf32, #tpu.memory_space<vmem>>, vector<2000x128xf32>,
    return
  }
  func.func @transform_0(%arg0: i32) -> (i32, i32) {
    %c0_i32 = arith.constant 0 : i32
    %c0_i32_0 = arith.constant 0 : i32
    return %arg0, %c0_i32 : i32, i32
  }
  func.func @transform_1(%arg0: i32) -> (i32, i32) {
    %c0_i32 = arith.constant 0 : i32
    %c0_i32_0 = arith.constant 0 : i32
    %c0_i32_1 = arith.constant 0 : i32
    return %c0_i32, %c0_i32_0 : i32, i32
  }
  func.func @transform_2(%arg0: i32) -> (i32, i32) {
    %c0_i32 = arith.constant 0 : i32
    %c0_i32_0 = arith.constant 0 : i32
    %c0_i32_1 = arith.constant 0 : i32
    return %c0_i32, %c0_i32_0 : i32, i32
  }
  func.func @transform_3(%arg0: i32) -> (i32, i32) {
    %c0_i32 = arith.constant 0 : i32
    %c0_i32_0 = arith.constant 0 : i32
    return %arg0, %c0_i32 : i32, i32
  }
}

</mosaic_0001>

<sc_bundles>
// kernel: kernel.11.cloned.1.call-start
scs
__scs_entry_jumppad:
0x0: {  	(pc) =	sbr.rel $0x88, $3  }
0x1: {  	(tag) =	ssettag $0x0;
	lr =	simm.s32 $0x1  }
0x2: {  	[smem:$0x3F90] =	sst lr;
	_ =	strace $0xD0000000  }
0x3: {  	_ = 	snop  }
0x4: {  	_ = 	snop  }
0x5: {  	_ = 	snop  }
0x6: {  	_ = 	snop  }
0x7: {  	_ = 	snop  }
__scs_overlays_trampoline_lowered:
0x8: {  	[smem:$0x3F9F] =	sst s0  }
0x9: {  	[smem:$0x3FA0] =	sst s1  }
0xa: {  	[smem:$0x3FA1] =	sst s2  }
0xb: {  	[smem:$0x3FA2] =	sst s3  }
0xc: {  	[smem:$0x3FA3] =	sst s4  }
0xd: {  	[smem:$0x3FA4] =	sst s5  }
0xe: {  	[smem:$0x3FA5] =	sst s6  }
0xf: {  	[smem:$0x3FA6] =	sst s7  }
0x10: {  	[smem:$0x3FA7] =	sst s8  }
0x11: {  	[smem:$0x3FA8] =	sst s9;
	s0 =	simm.s32 @!p0 $0x0  }
0x12: {  	s1 =	sld [smem:$0x3F8E];
	s0 =	simm.s32 @p0 $0x1  }
0x13: {  	[smem:$0x3FA9] =	sst s0;
	s0 =	simm.s32 @!p1 $0x0  }
0x14: {  	s2 =	sld [smem:$0x3F8D];
	s0 =	simm.s32 @p1 $0x1  }
0x15: {  	[smem:$0x3FAA] =	sst s0;
	s0 =	simm.s32 @!p2 $0x0  }
0x16: {  	s3 =	sld [smem:$0x3FDB];
	s0 =	simm.s32 @p2 $0x1  }
0x17: {  	s4 =	simm.s32 $0x1BF5;
	[smem:$0x3FAC] =	sst s0  }
0x18: {  	s0 =	sld [smem:$0x3F8F];
	_ =	swait.ge [sflag:s4], $0x0  }
0x19: {  	s7 =	sld [smem:$0x3F90]  }
0x1a: {  	s8 =	sadd.s32 $0xFFFFE003, lr  }
0x1b: {  	s9 =	sadd.s32 $0xFFFFFEF7, lr;
	s5 =	simm.s32 $0xFFFFFFFF;
	p2 =	slt.u32 s8, $0xFFFFF086  }
0x1c: {  	p1 =	slt.u32 s9, $0xF7A;
	s5 =	simm.s32 @!p2 $0x0  }
0x1d: {  	s5 =	simm.s32 @p1 $0x1;
	p0 =	seq.s32 s7, s2  }
0x1e: {  	s7 =	smul.u32 @!p0 $0xF7A, s2;
	p2 =	seq.s32 @!p0 s5, $0x0  }
0x1f: {  	s9 =	smul.u32 $0xF7A, s1;
	s8 =	simm.s32 @!p0 $0x1BF5;
	p2 =	por !p2, p0  }
0x20: {  	[sflag:s8] =	ssyncset.s32 @!p0 $0xFFFFF086;
	s6 =	sadd.s32 @!p0 s3, s7;
	s7 =	simm.s32 @!p0 $0x108  }
0x21: {  	s3 =	sadd.s32 s3, s9;
	s6 =	sadd.s32 @!p0 $0x88, s6;
	s7 =	simm.s32 @p2 $0x1082  }
0x22: {  	[simem:s7], [sflag:s8] =	dma.local @!p0 [hbm:s6], $0xF7A  }
0x23: {  	s9 =	sor.u32 $0xD0000000, s2;
	s6 =	simm.s32 $0x108;
	_ =	swait.ge @!p0 [sflag:s8], $0x0  }
0x24: {  	s3 =	sadd.s32 $0x88, s3;
	s6 =	simm.s32 @!p1 $0x1082;
	[sflag:s4] =	ssyncset.s32 $0xFFFFF086  }
0x25: {  	[simem:s6], [sflag:s4] =	dma.local [hbm:s3], $0xF7A  }
0x26: {  	[smem:$0x3F90] =	sst s1;
	(tag) =	ssettag s2;
	_ =	strace s9  }
0x27: {  	s1 =	sld [smem:$0x3FA0]  }
0x28: {  	s2 =	sld [smem:$0x3FA1]  }
0x29: {  	s4 =	sld [smem:$0x3FA3]  }
0x2a: {  	p0 =	seq.s32 s5, $0x0;
	s5 =	sld [smem:$0x3FA4]  }
0x2b: {  	s6 =	sld [smem:$0x3FA5]  }
0x2c: {  	s7 =	sld [smem:$0x3FA6]  }
0x2d: {  	s3 =	simm.s32 $0x108;
	s8 =	sld [smem:$0x3FA7]  }
0x2e: {  	s3 =	simm.s32 @!p0 $0x1082;
	s9 =	sld [smem:$0x3FA8]  }
0x2f: {  	lr =	sadd.s32 s0, s3;
	s0 =	sld [smem:$0x3F9F]  }
0x30: {  	s3 =	sld [smem:$0x3FA2]  }
0x31: {  	[smem:$0x3FAB] =	sst s10  }
0x32: {  	s10 =	sld [smem:$0x3FA9];
	_ =	sdelay $0x3  }
0x33: {  	p0 =	seq.s32 s10, $0x1;
	s10 =	sld [smem:$0x3FAB];
	_ =	sdelay $0x3  }
0x34: {  	[smem:$0x3FAB] =	sst s10  }
0x35: {  	s10 =	sld [smem:$0x3FAA];
	_ =	sdelay $0x3  }
0x36: {  	p1 =	seq.s32 s10, $0x1;
	s10 =	sld [smem:$0x3FAB];
	_ =	sdelay $0x3  }
0x37: {  	[smem:$0x3FAB] =	sst s10  }
0x38: {  	s10 =	sld [smem:$0x3FAC]  }
0x39: {  	_ = 	snop;
	(pc) =	sbr.ind lr, $3  }
0x3a: {  	_ = 	snop  }
0x3b: {  	_ = 	snop  }
0x3c: {  	p2 =	seq.s32 s10, $0x1;
	s10 =	sld [smem:$0x3FAB]  }
0x3d: {  	_ =	shalt  }
0x3e: {  	_ =	shalt  }
0x3f: {  	_ =	shalt  }
0x40: {  	_ =	shalt  }
0x41: {  	_ =	shalt  }
0x42: {  	_ =	shalt  }
0x43: {  	_ =	shalt  }
0x44: {  	_ =	shalt  }
0x45: {  	_ =	shalt  }
0x46: {  	_ =	shalt  }
0x47: {  	_ =	shalt  }
0x48: {  	_ =	shalt  }
0x49: {  	_ =	shalt  }
0x4a: {  	_ =	shalt  }
0x4b: {  	_ =	shalt  }
0x4c: {  	_ =	shalt  }
0x4d: {  	_ =	shalt  }
0x4e: {  	_ =	shalt  }
0x4f: {  	_ =	shalt  }
0x50: {  	_ =	shalt  }
0x51: {  	_ =	shalt  }
0x52: {  	_ =	shalt  }
0x53: {  	_ =	shalt  }
0x54: {  	_ =	shalt  }
0x55: {  	_ =	shalt  }
0x56: {  	_ =	shalt  }
0x57: {  	_ =	shalt  }
0x58: {  	_ =	shalt  }
0x59: {  	_ =	shalt  }
0x5a: {  	_ =	shalt  }
0x5b: {  	_ =	shalt  }
0x5c: {  	_ =	shalt  }
0x5d: {  	_ =	shalt  }
0x5e: {  	_ =	shalt  }
0x5f: {  	_ =	shalt  }
0x60: {  	_ =	shalt  }
0x61: {  	_ =	shalt  }
0x62: {  	_ =	shalt  }
0x63: {  	_ =	shalt  }
0x64: {  	_ =	shalt  }
0x65: {  	_ =	shalt  }
0x66: {  	_ =	shalt  }
0x67: {  	_ =	shalt  }
0x68: {  	_ =	shalt  }
0x69: {  	_ =	shalt  }
0x6a: {  	_ =	shalt  }
0x6b: {  	_ =	shalt  }
0x6c: {  	_ =	shalt  }
0x6d: {  	_ =	shalt  }
0x6e: {  	_ =	shalt  }
0x6f: {  	_ =	shalt  }
0x70: {  	_ =	shalt  }
0x71: {  	_ =	shalt  }
0x72: {  	_ =	shalt  }
0x73: {  	_ =	shalt  }
0x74: {  	_ =	shalt  }
0x75: {  	_ =	shalt  }
0x76: {  	_ =	shalt  }
0x77: {  	_ =	shalt  }
0x78: {  	_ =	shalt  }
0x79: {  	_ =	shalt  }
0x7a: {  	_ =	shalt  }
0x7b: {  	_ =	shalt  }
0x7c: {  	_ =	shalt  }
0x7d: {  	_ =	shalt  }
0x7e: {  	_ =	shalt  }
0x7f: {  	_ =	shalt  }
0x80: {  	_ =	shalt  }
0x81: {  	_ =	shalt  }
0x82: {  	_ =	shalt  }
0x83: {  	_ =	shalt  }
0x84: {  	_ =	shalt  }
0x85: {  	_ =	shalt  }
0x86: {  	_ =	shalt  }
0x87: {  	_ =	shalt  }
.Lfunc_end0:
.L_simem_size_0:
called_computation_lowered:
.L_overlay_start_0:
0x88: {  	s2 =	sld [smem:$0x3FD9]  }
0x89: {  	s3 =	sld [smem:$0x3FFE];
	_ =	sdelay $0x1  }
0x8a: {  	s1 =	srdreg.scid  }
0x8b: {  	s0 =	sand.u32 $0x1, s1  }
0x8c: {  	s16 =	sshll.u32 s0, $0xA;
	s2 =	sadd.s32 s3, s2  }
0x8d: {  	s2 =	sadd.s32 s2, s16  }
0x8e: {  	[smem:$0x3FB7] =	sst s2  }
0x8f: {  	_ = 	snop  }
0x90: {  	(tm) =	ssettm $0x1  }
0x91: {  	s17 =	sld [smem:$0x3FFB];
	_ =	sdelay $0x3  }
0x92: {  	_ =	strace s17  }
0x93: {  	s2 =	sld [smem:$0x3FFC];
	_ =	sdelay $0x3  }
0x94: {  	_ =	strace s2  }
0x95: {  	s2 =	sld [smem:$0x3FFD];
	_ =	sdelay $0x3  }
0x96: {  	_ =	strace s2  }
0x97: {  	_ =	strace $0x8FFFFFFF  }
0x98: {  	s18 =	sld [smem:$0x3FDB];
	_ =	sdelay $0x1  }
0x99: {  	s19 =	simm.s32 $_scs_section_size  }
0x9a: {  	s4 =	simm.s32 $_size__tile_overlayer_lowered;
	s5 =	simm.s32 $_tile_overlayer_lowered  }
0x9b: {  	s22 =	simm.s32 $0x1BFF;
	s21 =	sshll.u32 s5, $0x1;
	s2 =	sadd.s32 s19, s18  }
0x9c: {  	s6 =	simm.s32 $0x0;
	s20 =	sshll.u32 s4, $0x1;
	s4 =	sadd.s32 s21, s2  }
0x9d: {  	[timem:s6], [sflag:s22] =	dma.local [hbm:s4], s20  }
0x9e: {  	_ =	swait.ge [sflag:s22], s20  }
0x9f: {  	s3 =	ssub.s32 $0x0, s20;
	[sflag:s22] =	ssyncset.done $0x0  }
0xa0: {  	[sflag:s22] =	ssyncadd.s32 s3;
	_ =	sdelay $0x1  }
0xa1: {  	s23 =	simm.s32 $0x1B8B  }
0xa2: {  	_ =	swait.ge [sflag:s23], $0x1  }
0xa3: {  	[sflag:s23] =	ssyncset.done $0x0  }
0xa4: {  	s25 =	simm.s32 $0x1B8E;
	s24 =	sld [smem:$0x3FFE];
	[sflag:s23] =	ssyncadd.s32 $0xFFFFFFFF  }
0xa5: {  	s26 =	simm.s32 $execute0_lowered;
	[smem:$0x3FD2] =	sst s25  }
0xa6: {  	s4 =	sshll.u32 s26, $0x1;
	_ =	strace $0x80000046;
	[dreg:$0x1] =	wrdreg $0xFFFFFFFF  }
0xa7: {  	s28 =	simm.s32 $_size_execute0_lowered;
	s2 =	sadd.s32 s2, s4;
	[dreg:$0x0] =	wrdreg $0x0  }
0xa8: {  	s4 =	sshll.u32 s28, $0x1;
	[dreg:$0x2] =	wrdreg s2  }
0xa9: {  	[dreg:$0x3] =	wrdreg s4  }
0xaa: {  	[dreg:$0x4] =	wrdreg $0xC0  }
0xab: {  	_ =	task [dreg:s6], $0x5FFFF  }
0xac: {  	[dreg:$0x1] =	wrdreg $0xFFFFFFFF  }
0xad: {  	[dreg:$0x0] =	wrdreg $0x60  }
0xae: {  	[dreg:$0x2] =	wrdreg s24  }
0xaf: {  	[dreg:$0x3] =	wrdreg $0x61800  }
0xb0: {  	[dreg:$0x4] =	wrdreg $0x89800  }
0xb1: {  	[dreg:$0x5] =	wrdreg $0x9  }
0xb2: {  	_ =	task.clear_ibuf [dreg:s6], $0x6FFFF;
	_ =	strace $0x90000046  }
0xb3: {  	s29 =	simm.s32 $0x9;
	_ =	strace $0x80000048  }
0xb4: {  	_ =	swait.ge [sflag:s29], $0x1  }
0xb5: {  	[sflag:s29] =	ssyncadd.s32 $0xFFFFFFFF  }
0xb6: {  	_ =	strace $0x90000048  }
0xb7: {  	_ =	sfence  }
0xb8: {  	s30 =	sld [smem:$0x0];
	_ =	sdelay $0x2  }
0xb9: {  	s31 =	sshll.u32 s1, $0xD;
	s1 =	sshrl.u32 s1, $0x2  }
0xba: {  	s3 =	sand.u32 $0x4000, s31;
	s1 =	sadd.s32 s1, s30  }
0xbb: {  	s0 =	sor.u32 s3, s0;
	s1 =	sshll.u32 s1, $0x11  }
0xbc: {  	s0 =	sor.u32 s1, s0  }
0xbd: {  	s0 =	sadd.s32 $0x8F2B, s0  }
0xbe: {  	[sflag:s0] =	ssyncadd.remote.s32 $0x1  }
0xbf: {  	_ =	sfence.sel $0xFFFF  }
0xc0: {  	[dreg:$0x0] =	wrdreg $0xFFFFFFFF;
	(pc) =	sbr.abs _section_cstart, $3  }
0xc1: {  	[dreg:$0x1] =	wrdreg $0xFFFFFFFF  }
0xc2: {  	_ =	task.clear_ibuf [dreg:s6], $0x2FFFF;
	_ =	strace $0x9FFFFFFF  }
0xc3: {  	(tm) =	ssettm $0x7FFFFFFF  }
tec
execute0_lowered:
.L_overlay_start_1:
0x0: {  	(tag) =	ssettag $0x1  }
0x1: {  	s0 =	rddreg [dreg:$0x0]  }
0x2: {  	s1 =	rddreg [dreg:$0x1]  }
0x3: {  	s2 =	rddreg [dreg:$0x2];
	s3 =	simm.s32 $0x0;
	s4 =	srdreg.scid  }
0x4: {  	s16 =	stileid.u32;
	s17 =	simm.s32 $0x100;
	s18 =	simm.s32 $0x5980  }
0x5: {  	s19 =	simm.s32 $0x5;
	[smem:$0x7FF] =	sst s3;
	s5 =	sadd.s32 $0x583A00, s0  }
0x6: {  	s10 =	sadd.s32 $0x597400, s0;
	s4 =	sand.u32 $0x1, s4;
	s11 =	sadd.s32 $0x4E7600, s0  }
0x7: {  	s6 =	sshll.u32 s16, $0xB;
	s21 =	sshll.u32 s16, $0x1;
	s14 =	sshll.u32 s16, $0x5  }
0x8: {  	s28 =	sshll.u32 s16, $0x9;
	_ =	strace $0x80000047;
	s7 =	smul.u32 $0x5000, s4  }
0x9: {  	s13 =	sadd.s32 s6, s0;
	s8 =	ssub.s32 $0x2, s4;
	s6 =	sor.u32 s4, s21  }
0xa: {  	s14 =	sadd.s32 s14, s10;
	s15 =	sshll.u32 s4, $0x4;
	s29 =	sshll.u32 s4, $0x8  }
0xb: {  	s4 =	sshll.u32 s4, $0xA;
	s21 =	simm.s32 $0x0;
	s22 =	sshrl.u32 s8, $0x1  }
0xc: {  	s23 =	sshll.u32 s6, $0x4;
	s9 =	sshll.u32 s6, $0x8;
	s26 =	sadd.s32 s15, s14  }
0xd: {  	s14 =	sadd.s32 s28, s11;
	s4 =	sadd.s32 s4, s13;
	s0 =	sadd.s32 s7, s0  }
0xe: {  	s12 =	ssub.s32 s8, s22;
	s7 =	smul.u32 $0x280, s16;
	s8 =	sadd.s32 s10, s23  }
0xf: {  	s24 =	sadd.s32 s11, s9;
	s16 =	smul.u32 $0x500, s16;
	s11 =	sadd.s32 $0x400, s26  }
0x10: {  	s30 =	sadd.s32 s29, s14;
	s13 =	sadd.s32 $0x5B7000, s4;
	[dreg:$0x4] =	wrdreg s8  }
0x11: {  	[dreg:$0x5] =	wrdreg s24;
	s25 =	smax.u32 s12, $0x1;
	s0 =	sadd.s32 s16, s0  }
0x12: {  	s12 =	sadd.s32 $0x4000, s30;
	[dreg:$0x6] =	wrdreg s25;
	s31 =	sadd.s32 $0x5AB000, s0  }
0x13: {  	v0 =	vimm.f32 $0.0e+00;
	v1 =	vimm.f32 $1.000000000e+00;
	v2 =	vlaneseq.u32;
	s16 =	simm.s32 $0x80;
	s15 =	sadd.s32 $0x5B5000, s0;
	[dreg:$0x7] =	wrdreg s31  }
.LBB2_1:
0x14: {  	s0 =	simm.s32 $0x40;
	s4 =	simm.s32 $0x0  }
.LBB2_2:
0x15: {  	p0 =	sne.s32 s0, $0x1FC0;
	[tilespmem:s4+$0x5980] =	vst v0;
	s4 =	smov.u32 s0;
	s0 =	sadd.s32 $0x40, s0  }
.Ltmp0:
0x16: {  	(pc) =	sbr.rel @p0 .LBB2_2-.Ltmp0, $2  }
0x17: {  	_ =	sdelay $0x2  }
0x18: {  	s4 =	sshra.s32 s4, $0x2  }
0x19: {  	[tilespmem:s4+$0x5980] =	vst v0;
	s0 =	simm.s32 $0x40;
	s4 =	simm.s32 $0x0  }
.LBB2_4:
0x1a: {  	p0 =	sne.s32 s0, $0x1FC0;
	[tilespmem:s4+$0x5180] =	vst v1;
	s4 =	smov.u32 s0;
	s0 =	sadd.s32 $0x40, s0  }
.Ltmp1:
0x1b: {  	(pc) =	sbr.rel @p0 .LBB2_4-.Ltmp1, $2  }
0x1c: {  	_ =	sdelay $0x2  }
0x1d: {  	s4 =	sshra.s32 s4, $0x2  }
0x1e: {  	s0 =	sadd.s32 $0x0, s7  }
0x1f: {  	[tilespmem:s4+$0x5180] =	vst v1;
	v3 =	vor.u32 s0, v2;
	s26 =	sadd.s32 $0x10, s0  }
0x20: {  	s20 =	sadd.s32 $0x20, s0;
	[tilespmem:$0x100] =	vst v3;
	v3 =	vor.u32 s26, v2  }
0x21: {  	s28 =	sadd.s32 $0x70, s0;
	s30 =	sadd.s32 $0x40, s0;
	v4 =	vor.u32 s20, v2;
	[tilespmem:$0x110] =	vst v3  }
0x22: {  	s29 =	sadd.s32 $0x50, s0;
	s31 =	sadd.s32 $0x30, s0;
	s0 =	sadd.s32 $0x60, s0;
	v62 =	vor.u32 s30, v2;
	[tilespmem:$0x120] =	vst v4  }
0x23: {  	v63 =	vor.u32 s0, v2;
	[tilespmem:$0x140] =	vst v62  }
0x24: {  	v3 =	vor.u32 s28, v2;
	[tilespmem:$0x160] =	vst v63  }
0x25: {  	[tilespmem:$0x170] =	vst v3;
	v3 =	vor.u32 s29, v2  }
0x26: {  	[tilespmem:$0x150] =	vst v3;
	v3 =	vor.u32 s31, v2  }
0x27: {  	s0 =	simm.s32 $0x80;
	[tilespmem:$0x130] =	vst v3  }
0x28: {  	[spmem:s1] =	stream.indirect.scatter [tilespmem:s18], [sflag:$0x5], $0x10, s17, s16, $0xb8;
	[tilespmem:$0xB180] =	vst v63  }
.LBB2_6:
0x29: {  	p0 =	sne.s32 s0, $0x200  }
0x2a: {  	_ =	swait.ge [sflag:s19], $0x800;
	s4 =	smov.u32 s0;
	s0 =	sadd.s32 $0x80, s0  }
0x2b: {  	[sflag:s19] =	ssyncset.done $0x0  }
0x2c: {  	[sflag:s19] =	ssyncadd.s32 $0xFFFFF800  }
0x2d: {  	[spmem:s2] =	stream.indirect.scatter [tilespmem:s18], [sflag:$0x5], $0x10, s17, s16, $0xb8;
	[tilespmem:$0xB180] =	vst v63  }
0x2e: {  	_ =	swait.ge [sflag:s19], $0x800  }
0x2f: {  	s4 =	sadd.s32 s4, s7;
	[sflag:s19] =	ssyncset.done $0x0  }
0x30: {  	v3 =	vor.u32 s4, v2;
	s20 =	sadd.s32 $0x10, s4;
	s22 =	sadd.s32 $0x20, s4;
	[sflag:s19] =	ssyncadd.s32 $0xFFFFF800  }
0x31: {  	s23 =	sadd.s32 $0x70, s4;
	v4 =	vor.u32 s22, v2;
	s22 =	sadd.s32 $0x50, s4;
	[tilespmem:$0x100] =	vst v3;
	v3 =	vor.u32 s20, v2;
	s20 =	sadd.s32 $0x40, s4  }
0x32: {  	s24 =	sadd.s32 $0x30, s4;
	v6 =	vor.u32 s23, v2;
	v5 =	vor.u32 s22, v2;
	s4 =	sadd.s32 $0x60, s4;
	[tilespmem:$0x110] =	vst v3;
	v3 =	vor.u32 s20, v2  }
0x33: {  	v7 =	vor.u32 s24, v2;
	v8 =	vor.u32 s4, v2;
	[tilespmem:$0x170] =	vst v6  }
0x34: {  	[tilespmem:$0x120] =	vst v4  }
.Ltmp2:
0x35: {  	[tilespmem:$0x150] =	vst v5;
	(pc) =	sbr.rel @p0 .LBB2_6-.Ltmp2, $4  }
0x36: {  	[tilespmem:$0x140] =	vst v3  }
0x37: {  	[tilespmem:$0x130] =	vst v7  }
0x38: {  	[tilespmem:$0x160] =	vst v8  }
0x39: {  	[spmem:s1] =	stream.indirect.scatter [tilespmem:s18], [sflag:$0x5], $0x10, s17, s16, $0xb8;
	[tilespmem:$0xB180] =	vst v63  }
0x3a: {  	_ =	swait.ge [sflag:s19], $0x800  }
0x3b: {  	[sflag:s19] =	ssyncset.done $0x0  }
0x3c: {  	[sflag:s19] =	ssyncadd.s32 $0xFFFFF800  }
0x3d: {  	[spmem:s2] =	stream.indirect.scatter [tilespmem:s18], [sflag:$0x5], $0x10, s17, s16, $0xb8;
	[tilespmem:$0xB180] =	vst v63  }
0x3e: {  	_ =	swait.ge [sflag:s19], $0x800  }
0x3f: {  	[sflag:s19] =	ssyncset.done $0x0  }
0x40: {  	[sflag:s19] =	ssyncadd.s32 $0xFFFFF800  }
0x41: {  	s14 =	sadd.s32 $0x0, s6;
	[bflag:$0x0] =	sbarrier.arrive $0xFFFF  }
0x42: {  	s0 =	simm.s32 $0x0;
	p1 =	sgt.u32 s14, $0x9C3;
	s4 =	rddreg [dreg:$0x4]  }
0x43: {  	[tilespmem:s0], [sflag:$0x1] =	stream.linear.gather [hbm4b:s4+s0], $0x80, $0x38;
	[tilespmem:$0xB180] =	vst v63  }
0x44: {  	s8 =	simm.s32 $0x4180;
	s20 =	simm.s32 @!p1 $0x1;
	s10 =	rddreg [dreg:$0x5]  }
0x45: {  	[tilespmem:s8], [sflag:$0x1] =	stream.linear.gather [hbm4b:s10+s0], $0x800, $0x38;
	[tilespmem:$0xB180] =	vst v63  }
0x46: {  	_ =	swait.ge @!p1 [sflag:s20], $0x80  }
0x47: {  	[sflag:s20] =	ssyncset.done @!p1 $0x0  }
0x48: {  	[sflag:s20] =	ssyncadd.s32 @!p1 $0xFFFFFF80  }
0x49: {  	s22 =	sadd.s32 $0xFFFFFFE0, s14;
	s23 =	simm.s32 @!p1 $0x180;
	_ =	swait.ge @!p1 [sflag:s20], $0x800  }
0x4a: {  	p0 =	sgt.u32 s22, $0x9C3;
	s22 =	simm.s32 @!p1 $0x80;
	[sflag:s20] =	ssyncset.done @!p1 $0x0  }
0x4b: {  	s24 =	simm.s32 @!p0 $0x4;
	s4 =	simm.s32 @!p1 $0x0;
	[sflag:s20] =	ssyncadd.s32 @!p1 $0xFFFFF800  }
0x4c: {  	[tilespmem:s23], [sflag:$0x3] =	stream.indirect.gather @!p1 [hbm4b:s5+s22], $0x40, s4, s22, $0xb8;
	[tilespmem:$0xB180] =	vst v63  }
0x4d: {  	_ =	swait.ge @!p0 [sflag:s24], $0x2000  }
0x4e: {  	s25 =	simm.s32 @!p0 $0x0;
	[sflag:s24] =	ssyncset.done @!p0 $0x0  }
0x4f: {  	s26 =	simm.s32 @!p0 $0x2180;
	s20 =	simm.s32 @!p0 $0x5;
	[sflag:s24] =	ssyncadd.s32 @!p0 $0xFFFFE000  }
0x50: {  	[hbm4b:s13+s25] =	stream.linear.scatter @!p0 [tilespmem:s26], [sflag:$0x5], $0x2000, $0x38;
	[tilespmem:$0xB180] =	vst v63  }
0x51: {  	_ =	swait.ge @!p0 [sflag:s20], $0x2000  }
0x52: {  	[sflag:s20] =	ssyncset.done @!p0 $0x0  }
0x53: {  	s24 =	simm.s32 @!p0 $0x80;
	s25 =	simm.s32 @!p0 $0x4980;
	[sflag:s20] =	ssyncadd.s32 @!p0 $0xFFFFE000  }
0x54: {  	[spmem:s2] =	stream.indirect.scatter.add.f32 @!p0 [tilespmem:s25], [sflag:$0x5], $0x10, s24, s24, $0xb8;
	[tilespmem:$0xB180] =	vst v63  }
0x55: {  	_ =	swait.ge @!p0 [sflag:s20], $0x800  }
0x56: {  	[sflag:s20] =	ssyncset.done @!p0 $0x0  }
0x57: {  	s30 =	sadd.s32 $0x20, s14;
	s25 =	simm.s32 @!p0 $0x5180;
	[sflag:s20] =	ssyncadd.s32 @!p0 $0xFFFFF800  }
0x58: {  	[spmem:s1] =	stream.indirect.scatter.add.f32 @!p0 [tilespmem:s25], [sflag:$0x5], $0x10, s24, s24, $0xb8;
	[tilespmem:$0xB180] =	vst v63  }
0x59: {  	p2 =	sgt.u32 s30, $0x9C3;
	_ =	swait.ge @!p0 [sflag:s20], $0x800  }
0x5a: {  	s24 =	sadd.s32 @!p2 $0xFFFFFE00, s11;
	[sflag:s20] =	ssyncset.done @!p0 $0x0  }
0x5b: {  	s25 =	simm.s32 @!p2 $0x0;
	[sflag:s20] =	ssyncadd.s32 @!p0 $0xFFFFF800;
	s20 =	simm.s32 @!p2 $0x80  }
0x5c: {  	[tilespmem:s20], [sflag:$0x2] =	stream.linear.gather @!p2 [hbm4b:s24+s25], $0x80, $0x38;
	[tilespmem:$0xB180] =	vst v63  }
0x5d: {  	s28 =	simm.s32 @!p2 $0x2;
	s26 =	simm.s32 @!p2 $0x4980;
	s24 =	sadd.s32 @!p2 $0xFFFFE000, s12  }
0x5e: {  	[tilespmem:s26], [sflag:$0x2] =	stream.linear.gather @!p2 [hbm4b:s24+s25], $0x800, $0x38;
	[tilespmem:$0xB180] =	vst v63  }
0x5f: {  	_ =	swait.ge @!p2 [sflag:s28], $0x80  }
0x60: {  	[sflag:s28] =	ssyncset.done @!p2 $0x0  }
0x61: {  	[sflag:s28] =	ssyncadd.s32 @!p2 $0xFFFFFF80  }
0x62: {  	_ =	swait.ge @!p2 [sflag:s28], $0x800  }
0x63: {  	[sflag:s28] =	ssyncset.done @!p2 $0x0  }
0x64: {  	s24 =	simm.s32 @!p1 $0x3;
	s25 =	simm.s32 @!p2 $0x2180;
	[sflag:s28] =	ssyncadd.s32 @!p2 $0xFFFFF800  }
0x65: {  	[tilespmem:s25], [sflag:$0x4] =	stream.indirect.gather @!p2 [hbm4b:s5+s20], $0x40, s20, s20, $0xb8;
	[tilespmem:$0xB180] =	vst v63  }
0x66: {  	_ =	swait.ge @!p1 [sflag:s24], $0x2000  }
0x67: {  	[sflag:s24] =	ssyncset.done @!p1 $0x0  }
0x68: {  	s28 =	simm.s32 @!p1 $0x5;
	s20 =	sadd.s32 @!p1 $0x8000, s13;
	[sflag:s24] =	ssyncadd.s32 @!p1 $0xFFFFE000  }
0x69: {  	[hbm4b:s20+s4] =	stream.linear.scatter @!p1 [tilespmem:s23], [sflag:$0x5], $0x2000, $0x38;
	[tilespmem:$0xB180] =	vst v63  }
0x6a: {  	_ =	swait.ge @!p1 [sflag:s28], $0x2000  }
0x6b: {  	[sflag:s28] =	ssyncset.done @!p1 $0x0  }
0x6c: {  	s20 =	simm.s32 @!p1 $0x4180;
	[sflag:s28] =	ssyncadd.s32 @!p1 $0xFFFFE000  }
0x6d: {  	[spmem:s2] =	stream.indirect.scatter.add.f32 @!p1 [tilespmem:s20], [sflag:$0x5], $0x10, s4, s22, $0xb8;
	[tilespmem:$0xB180] =	vst v63  }
0x6e: {  	s31 =	sadd.s32 $0x40, s6;
	s29 =	smov.u32 s11;
	_ =	swait.ge @!p1 [sflag:s28], $0x800  }
0x6f: {  	s0 =	sadd.s32 $0x40, s14;
	p0 =	sgt.u32 s31, $0x9C3;
	[sflag:s28] =	ssyncset.done @!p1 $0x0  }
0x70: {  	s26 =	simm.s32 $0x80;
	s20 =	simm.s32 @!p1 $0x5180;
	[sflag:s28] =	ssyncadd.s32 @!p1 $0xFFFFF800  }
0x71: {  	[spmem:s1] =	stream.indirect.scatter.add.f32 @!p1 [tilespmem:s20], [sflag:$0x5], $0x10, s4, s22, $0xb8;
	[tilespmem:$0xB180] =	vst v63  }
0x72: {  	s25 =	sadd.s32 $0x10000, s13;
	p2 =	sgt.u32 s0, $0x9C3;
	_ =	swait.ge @!p1 [sflag:s28], $0x800  }
0x73: {  	s24 =	sadd.s32 $0x40, s31;
	s23 =	sadd.s32 $0x400, s11;
	[sflag:s28] =	ssyncset.done @!p1 $0x0  }
0x74: {  	s22 =	sadd.s32 $0x4000, s12;
	[sflag:s28] =	ssyncadd.s32 @!p1 $0xFFFFF800;
	s28 =	smov.u32 s12  }
.LBB2_8:
0x75: {  	s0 =	simm.s32 @!p2 $0x0  }
0x76: {  	s4 =	simm.s32 @!p2 $0x4180;
	s30 =	smov.u32 s26;
	s26 =	sadd.s32 $0x40, s26  }
0x77: {  	[tilespmem:s0], [sflag:$0x1] =	stream.linear.gather @!p2 [hbm4b:s29+s0], $0x80, $0x38;
	[tilespmem:$0xB180] =	vst v63  }
0x78: {  	s8 =	simm.s32 @!p0 $0x1;
	p1 =	sne.s32 s26, $0xA00;
	s29 =	smov.u32 s23  }
0x79: {  	[tilespmem:s4], [sflag:$0x1] =	stream.linear.gather @!p2 [hbm4b:s28+s0], $0x800, $0x38;
	[tilespmem:$0xB180] =	vst v63  }
0x7a: {  	s28 =	smov.u32 s22;
	_ =	swait.ge @!p0 [sflag:s8], $0x80  }
0x7b: {  	[sflag:s8] =	ssyncset.done @!p0 $0x0  }
0x7c: {  	s0 =	simm.s32 @!p0 $0x0;
	s4 =	sadd.s32 $0xFFFFFFE0, s31;
	[sflag:s8] =	ssyncadd.s32 @!p0 $0xFFFFFF80  }
0x7d: {  	s20 =	simm.s32 @!p0 $0x180;
	p2 =	sgt.u32 s4, $0x9C3;
	_ =	swait.ge @!p0 [sflag:s8], $0x800  }
0x7e: {  	s4 =	simm.s32 @!p0 $0x80;
	s9 =	simm.s32 @!p2 $0x4;
	[sflag:s8] =	ssyncset.done @!p0 $0x0  }
0x7f: {  	[sflag:s8] =	ssyncadd.s32 @!p0 $0xFFFFF800  }
0x80: {  	[tilespmem:s20], [sflag:$0x3] =	stream.indirect.gather @!p0 [hbm4b:s5+s4], $0x40, s0, s4, $0xb8;
	[tilespmem:$0xB180] =	vst v63  }
0x81: {  	s8 =	simm.s32 @!p2 $0x5;
	_ =	swait.ge @!p2 [sflag:s9], $0x2000  }
0x82: {  	s10 =	simm.s32 @!p2 $0x0;
	s14 =	simm.s32 @!p2 $0x2180;
	[sflag:s9] =	ssyncset.done @!p2 $0x0  }
0x83: {  	[sflag:s9] =	ssyncadd.s32 @!p2 $0xFFFFE000  }
0x84: {  	[hbm4b:s25+s10] =	stream.linear.scatter @!p2 [tilespmem:s14], [sflag:$0x5], $0x2000, $0x38;
	[tilespmem:$0xB180] =	vst v63  }
0x85: {  	_ =	swait.ge @!p2 [sflag:s8], $0x2000  }
0x86: {  	s9 =	simm.s32 @!p2 $0x80;
	s10 =	simm.s32 @!p2 $0x4980;
	[sflag:s8] =	ssyncset.done @!p2 $0x0  }
0x87: {  	[sflag:s8] =	ssyncadd.s32 @!p2 $0xFFFFE000  }
0x88: {  	[spmem:s2] =	stream.indirect.scatter.add.f32 @!p2 [tilespmem:s10], [sflag:$0x5], $0x10, s9, s9, $0xb8;
	[tilespmem:$0xB180] =	vst v63  }
0x89: {  	_ =	swait.ge @!p2 [sflag:s8], $0x800  }
0x8a: {  	s10 =	simm.s32 @!p2 $0x5180;
	[sflag:s8] =	ssyncset.done @!p2 $0x0  }
0x8b: {  	s14 =	sadd.s32 $0x20, s31;
	[sflag:s8] =	ssyncadd.s32 @!p2 $0xFFFFF800  }
0x8c: {  	[spmem:s1] =	stream.indirect.scatter.add.f32 @!p2 [tilespmem:s10], [sflag:$0x5], $0x10, s9, s9, $0xb8;
	[tilespmem:$0xB180] =	vst v63  }
0x8d: {  	p3 =	sgt.u32 s14, $0x9C3;
	_ =	swait.ge @!p2 [sflag:s8], $0x800  }
0x8e: {  	s9 =	sadd.s32 @!p3 $0xFFFFFE00, s23;
	s10 =	simm.s32 @!p3 $0x0;
	[sflag:s8] =	ssyncset.done @!p2 $0x0  }
0x8f: {  	[sflag:s8] =	ssyncadd.s32 @!p2 $0xFFFFF800;
	s8 =	simm.s32 @!p3 $0x80  }
0x90: {  	[tilespmem:s8], [sflag:$0x2] =	stream.linear.gather @!p3 [hbm4b:s9+s10], $0x80, $0x38;
	[tilespmem:$0xB180] =	vst v63  }
0x91: {  	s14 =	simm.s32 @!p3 $0x4980;
	s31 =	simm.s32 @!p3 $0x2;
	s9 =	sadd.s32 @!p3 $0xFFFFE000, s22  }
0x92: {  	[tilespmem:s14], [sflag:$0x2] =	stream.linear.gather @!p3 [hbm4b:s9+s10], $0x800, $0x38;
	[tilespmem:$0xB180] =	vst v63  }
0x93: {  	_ =	swait.ge @!p3 [sflag:s31], $0x80  }
0x94: {  	[sflag:s31] =	ssyncset.done @!p3 $0x0  }
0x95: {  	[sflag:s31] =	ssyncadd.s32 @!p3 $0xFFFFFF80  }
0x96: {  	_ =	swait.ge @!p3 [sflag:s31], $0x800  }
0x97: {  	s9 =	simm.s32 @!p0 $0x3;
	[sflag:s31] =	ssyncset.done @!p3 $0x0  }
0x98: {  	s10 =	simm.s32 @!p3 $0x2180;
	[sflag:s31] =	ssyncadd.s32 @!p3 $0xFFFFF800  }
0x99: {  	[tilespmem:s10], [sflag:$0x4] =	stream.indirect.gather @!p3 [hbm4b:s5+s8], $0x40, s8, s8, $0xb8;
	[tilespmem:$0xB180] =	vst v63  }
0x9a: {  	_ =	swait.ge @!p0 [sflag:s9], $0x2000  }
0x9b: {  	s8 =	sadd.s32 @!p0 $0x8000, s25;
	s10 =	simm.s32 @!p0 $0x5;
	[sflag:s9] =	ssyncset.done @!p0 $0x0  }
0x9c: {  	[sflag:s9] =	ssyncadd.s32 @!p0 $0xFFFFE000  }
0x9d: {  	[hbm4b:s8+s0] =	stream.linear.scatter @!p0 [tilespmem:s20], [sflag:$0x5], $0x2000, $0x38;
	[tilespmem:$0xB180] =	vst v63  }
0x9e: {  	_ =	swait.ge @!p0 [sflag:s10], $0x2000  }
0x9f: {  	s8 =	simm.s32 @!p0 $0x4180;
	[sflag:s10] =	ssyncset.done @!p0 $0x0  }
0xa0: {  	[sflag:s10] =	ssyncadd.s32 @!p0 $0xFFFFE000  }
0xa1: {  	[spmem:s2] =	stream.indirect.scatter.add.f32 @!p0 [tilespmem:s8], [sflag:$0x5], $0x10, s0, s4, $0xb8;
	[tilespmem:$0xB180] =	vst v63  }
0xa2: {  	_ =	swait.ge @!p0 [sflag:s10], $0x800  }
0xa3: {  	s8 =	simm.s32 @!p0 $0x5180;
	[sflag:s10] =	ssyncset.done @!p0 $0x0  }
.Ltmp3:
0xa4: {  	s25 =	sadd.s32 $0x10000, s25;
	[sflag:s10] =	ssyncadd.s32 @!p0 $0xFFFFF800;
	(pc) =	sbr.rel @p1 .LBB2_8-.Ltmp3, $4  }
0xa5: {  	[spmem:s1] =	stream.indirect.scatter.add.f32 @!p0 [tilespmem:s8], [sflag:$0x5], $0x10, s0, s4, $0xb8;
	[tilespmem:$0xB180] =	vst v63  }
0xa6: {  	s23 =	sadd.s32 $0x400, s23;
	s22 =	sadd.s32 $0x4000, s22;
	_ =	swait.ge @!p0 [sflag:s10], $0x800  }
0xa7: {  	p2 =	sgt.u32 s24, $0x9C3;
	s31 =	sadd.s32 s30, s6;
	[sflag:s10] =	ssyncset.done @!p0 $0x0  }
0xa8: {  	s24 =	sadd.s32 $0x40, s31;
	[sflag:s10] =	ssyncadd.s32 @!p0 $0xFFFFF800;
	p0 =	sgt.u32 s31, $0x9C3  }
0xa9: {  	s0 =	simm.s32 @!p2 $0x0  }
0xaa: {  	[tilespmem:s0], [sflag:$0x1] =	stream.linear.gather @!p2 [hbm4b:s29+s0], $0x80, $0x38;
	[tilespmem:$0xB180] =	vst v63  }
0xab: {  	s4 =	simm.s32 @!p2 $0x4180;
	s8 =	simm.s32 @!p0 $0x1  }
0xac: {  	[tilespmem:s4], [sflag:$0x1] =	stream.linear.gather @!p2 [hbm4b:s28+s0], $0x800, $0x38;
	[tilespmem:$0xB180] =	vst v63  }
0xad: {  	_ =	swait.ge @!p0 [sflag:s8], $0x80  }
0xae: {  	[sflag:s8] =	ssyncset.done @!p0 $0x0  }
0xaf: {  	s30 =	sadd.s32 $0xFFFFFFE0, s31;
	[sflag:s8] =	ssyncadd.s32 @!p0 $0xFFFFFF80  }
0xb0: {  	p1 =	sgt.u32 s30, $0x9C3;
	_ =	swait.ge @!p0 [sflag:s8], $0x800  }
0xb1: {  	s9 =	simm.s32 @!p0 $0x180;
	s10 =	simm.s32 @!p1 $0x4;
	[sflag:s8] =	ssyncset.done @!p0 $0x0  }
0xb2: {  	s0 =	simm.s32 @!p0 $0x0;
	s4 =	simm.s32 @!p0 $0x80;
	[sflag:s8] =	ssyncadd.s32 @!p0 $0xFFFFF800  }
0xb3: {  	[tilespmem:s9], [sflag:$0x3] =	stream.indirect.gather @!p0 [hbm4b:s5+s4], $0x40, s0, s4, $0xb8;
	[tilespmem:$0xB180] =	vst v63  }
0xb4: {  	_ =	swait.ge @!p1 [sflag:s10], $0x2000  }
0xb5: {  	s14 =	simm.s32 @!p1 $0x0;
	[sflag:s10] =	ssyncset.done @!p1 $0x0  }
0xb6: {  	s20 =	simm.s32 @!p1 $0x2180;
	s8 =	simm.s32 @!p1 $0x5;
	[sflag:s10] =	ssyncadd.s32 @!p1 $0xFFFFE000  }
0xb7: {  	[hbm4b:s25+s14] =	stream.linear.scatter @!p1 [tilespmem:s20], [sflag:$0x5], $0x2000, $0x38;
	[tilespmem:$0xB180] =	vst v63  }
0xb8: {  	_ =	swait.ge @!p1 [sflag:s8], $0x2000  }
0xb9: {  	[sflag:s8] =	ssyncset.done @!p1 $0x0  }
0xba: {  	s10 =	simm.s32 @!p1 $0x80;
	s14 =	simm.s32 @!p1 $0x4980;
	[sflag:s8] =	ssyncadd.s32 @!p1 $0xFFFFE000  }
0xbb: {  	[spmem:s2] =	stream.indirect.scatter.add.f32 @!p1 [tilespmem:s14], [sflag:$0x5], $0x10, s10, s10, $0xb8;
	[tilespmem:$0xB180] =	vst v63  }
0xbc: {  	_ =	swait.ge @!p1 [sflag:s8], $0x800  }
0xbd: {  	[sflag:s8] =	ssyncset.done @!p1 $0x0  }
0xbe: {  	s31 =	sadd.s32 $0x20, s31;
	s14 =	simm.s32 @!p1 $0x5180;
	[sflag:s8] =	ssyncadd.s32 @!p1 $0xFFFFF800  }
0xbf: {  	[spmem:s1] =	stream.indirect.scatter.add.f32 @!p1 [tilespmem:s14], [sflag:$0x5], $0x10, s10, s10, $0xb8;
	[tilespmem:$0xB180] =	vst v63  }
0xc0: {  	p2 =	sgt.u32 s31, $0x9C3;
	_ =	swait.ge @!p1 [sflag:s8], $0x800  }
0xc1: {  	s10 =	sadd.s32 @!p2 $0xFFFFFE00, s23;
	[sflag:s8] =	ssyncset.done @!p1 $0x0  }
0xc2: {  	s14 =	simm.s32 @!p2 $0x0;
	[sflag:s8] =	ssyncadd.s32 @!p1 $0xFFFFF800;
	s8 =	simm.s32 @!p2 $0x80  }
0xc3: {  	[tilespmem:s8], [sflag:$0x2] =	stream.linear.gather @!p2 [hbm4b:s10+s14], $0x80, $0x38;
	[tilespmem:$0xB180] =	vst v63  }
0xc4: {  	s26 =	simm.s32 @!p2 $0x2;
	s20 =	simm.s32 @!p2 $0x4980;
	s10 =	sadd.s32 @!p2 $0xFFFFE000, s22  }
0xc5: {  	[tilespmem:s20], [sflag:$0x2] =	stream.linear.gather @!p2 [hbm4b:s10+s14], $0x800, $0x38;
	[tilespmem:$0xB180] =	vst v63  }
0xc6: {  	_ =	swait.ge @!p2 [sflag:s26], $0x80  }
0xc7: {  	[sflag:s26] =	ssyncset.done @!p2 $0x0  }
0xc8: {  	[sflag:s26] =	ssyncadd.s32 @!p2 $0xFFFFFF80  }
0xc9: {  	_ =	swait.ge @!p2 [sflag:s26], $0x800  }
0xca: {  	[sflag:s26] =	ssyncset.done @!p2 $0x0  }
0xcb: {  	s10 =	simm.s32 @!p0 $0x3;
	s14 =	simm.s32 @!p2 $0x2180;
	[sflag:s26] =	ssyncadd.s32 @!p2 $0xFFFFF800  }
0xcc: {  	[tilespmem:s14], [sflag:$0x4] =	stream.indirect.gather @!p2 [hbm4b:s5+s8], $0x40, s8, s8, $0xb8;
	[tilespmem:$0xB180] =	vst v63  }
0xcd: {  	_ =	swait.ge @!p0 [sflag:s10], $0x2000  }
0xce: {  	[sflag:s10] =	ssyncset.done @!p0 $0x0  }
0xcf: {  	s8 =	sadd.s32 @!p0 $0x8000, s25;
	s14 =	simm.s32 @!p0 $0x5;
	[sflag:s10] =	ssyncadd.s32 @!p0 $0xFFFFE000  }
0xd0: {  	[hbm4b:s8+s0] =	stream.linear.scatter @!p0 [tilespmem:s9], [sflag:$0x5], $0x2000, $0x38;
	[tilespmem:$0xB180] =	vst v63  }
0xd1: {  	_ =	swait.ge @!p0 [sflag:s14], $0x2000  }
0xd2: {  	[sflag:s14] =	ssyncset.done @!p0 $0x0  }
0xd3: {  	s8 =	simm.s32 @!p0 $0x4180;
	[sflag:s14] =	ssyncadd.s32 @!p0 $0xFFFFE000  }
0xd4: {  	[spmem:s2] =	stream.indirect.scatter.add.f32 @!p0 [tilespmem:s8], [sflag:$0x5], $0x10, s0, s4, $0xb8;
	[tilespmem:$0xB180] =	vst v63  }
0xd5: {  	_ =	swait.ge @!p0 [sflag:s14], $0x800  }
0xd6: {  	[sflag:s14] =	ssyncset.done @!p0 $0x0  }
0xd7: {  	s8 =	simm.s32 @!p0 $0x5180;
	[sflag:s14] =	ssyncadd.s32 @!p0 $0xFFFFF800  }
0xd8: {  	[spmem:s1] =	stream.indirect.scatter.add.f32 @!p0 [tilespmem:s8], [sflag:$0x5], $0x10, s0, s4, $0xb8;
	[tilespmem:$0xB180] =	vst v63  }
0xd9: {  	_ =	swait.ge @!p0 [sflag:s14], $0x800  }
0xda: {  	p1 =	sgt.u32 s24, $0x9C3;
	[sflag:s14] =	ssyncset.done @!p0 $0x0  }
0xdb: {  	s0 =	simm.s32 @!p1 $0x0;
	[sflag:s14] =	ssyncadd.s32 @!p0 $0xFFFFF800  }
0xdc: {  	[tilespmem:s0], [sflag:$0x1] =	stream.linear.gather @!p1 [hbm4b:s23+s0], $0x80, $0x38;
	[tilespmem:$0xB180] =	vst v63  }
0xdd: {  	s24 =	sadd.s32 $0x0, s7;
	s4 =	simm.s32 @!p1 $0x4180  }
0xde: {  	[tilespmem:s4], [sflag:$0x1] =	stream.linear.gather @!p1 [hbm4b:s22+s0], $0x800, $0x38;
	[tilespmem:$0xB180] =	vst v63  }
0xdf: {  	v3 =	vor.u32 s24, v2;
	s28 =	sadd.s32 $0x20, s24;
	[bflag:$0x0] =	sbarrier.arrive $0xFFFF  }
0xe0: {  	s30 =	sadd.s32 $0x40, s24;
	v4 =	vor.u32 s28, v2;
	[tilespmem:$0x100] =	vst v3  }
0xe1: {  	v62 =	vor.u32 s30, v2;
	s0 =	sadd.s32 $0x60, s24;
	[tilespmem:$0x120] =	vst v4  }
0xe2: {  	s25 =	sadd.s32 $0x10, s24;
	v63 =	vor.u32 s0, v2;
	[tilespmem:$0x140] =	vst v62  }
0xe3: {  	s26 =	sadd.s32 $0x70, s24;
	v3 =	vor.u32 s25, v2;
	[tilespmem:$0x160] =	vst v63  }
0xe4: {  	s29 =	sadd.s32 $0x50, s24;
	[tilespmem:$0x110] =	vst v3;
	v3 =	vor.u32 s26, v2  }
0xe5: {  	s31 =	sadd.s32 $0x30, s24;
	[tilespmem:$0x170] =	vst v3;
	v3 =	vor.u32 s29, v2  }
0xe6: {  	[tilespmem:$0x150] =	vst v3;
	v3 =	vor.u32 s31, v2  }
0xe7: {  	[tilespmem:$0x130] =	vst v3  }
0xe8: {  	[tilespmem:s18], [sflag:$0x5] =	stream.indirect.gather [spmem:s1], $0x10, s17, s16, $0xb8;
	[tilespmem:$0xB180] =	vst v63  }
0xe9: {  	_ =	swait.ge [sflag:s19], $0x800  }
0xea: {  	[sflag:s19] =	ssyncset.done $0x0  }
0xeb: {  	[sflag:s19] =	ssyncadd.s32 $0xFFFFF800  }
0xec: {  	[hbm4b:s15+s3] =	stream.linear.scatter [tilespmem:s18], [sflag:$0x5], $0x800, $0x38;
	[tilespmem:$0xB180] =	vst v63  }
0xed: {  	_ =	swait.ge [sflag:s19], $0x800  }
0xee: {  	s22 =	smov.u32 s15;
	[sflag:s19] =	ssyncset.done $0x0;
	s20 =	rddreg [dreg:$0x7]  }
0xef: {  	s0 =	simm.s32 $0x80;
	[sflag:s19] =	ssyncadd.s32 $0xFFFFF800;
	s4 =	smov.u32 s20  }
0xf0: {  	[tilespmem:s18], [sflag:$0x5] =	stream.indirect.gather [spmem:s2], $0x10, s17, s16, $0xb8;
	[tilespmem:$0xB180] =	vst v63  }
.LBB2_10:
0xf1: {  	_ =	swait.ge [sflag:s19], $0x800  }
0xf2: {  	s4 =	sadd.s32 $0x100, s4;
	s22 =	sadd.s32 $0x100, s22;
	s8 =	smov.u32 s0  }
0xf3: {  	p0 =	sne.s32 s0, $0x200;
	s0 =	sadd.s32 $0x80, s0;
	[sflag:s19] =	ssyncset.done $0x0  }
0xf4: {  	[sflag:s19] =	ssyncadd.s32 $0xFFFFF800  }
0xf5: {  	[hbm4b:s20+s3] =	stream.linear.scatter [tilespmem:s18], [sflag:$0x5], $0x800, $0x38;
	[tilespmem:$0xB180] =	vst v63  }
0xf6: {  	s20 =	smov.u32 s4;
	_ =	swait.ge [sflag:s19], $0x800  }
0xf7: {  	s8 =	sadd.s32 s8, s7;
	[sflag:s19] =	ssyncset.done $0x0  }
0xf8: {  	v3 =	vor.u32 s8, v2;
	s9 =	sadd.s32 $0x10, s8;
	s10 =	sadd.s32 $0x20, s8;
	[sflag:s19] =	ssyncadd.s32 $0xFFFFF800  }
0xf9: {  	s14 =	sadd.s32 $0x70, s8;
	v4 =	vor.u32 s10, v2;
	s10 =	sadd.s32 $0x50, s8;
	[tilespmem:$0x100] =	vst v3;
	v3 =	vor.u32 s9, v2;
	s9 =	sadd.s32 $0x40, s8  }
0xfa: {  	s23 =	sadd.s32 $0x30, s8;
	v6 =	vor.u32 s14, v2;
	v5 =	vor.u32 s10, v2;
	s8 =	sadd.s32 $0x60, s8;
	[tilespmem:$0x110] =	vst v3;
	v3 =	vor.u32 s9, v2  }
0xfb: {  	v7 =	vor.u32 s23, v2;
	v8 =	vor.u32 s8, v2;
	[tilespmem:$0x170] =	vst v6  }
0xfc: {  	[tilespmem:$0x120] =	vst v4  }
0xfd: {  	[tilespmem:$0x150] =	vst v5  }
0xfe: {  	[tilespmem:$0x140] =	vst v3  }
0xff: {  	[tilespmem:$0x130] =	vst v7  }
0x100: {  	[tilespmem:$0x160] =	vst v8  }
0x101: {  	[tilespmem:s18], [sflag:$0x5] =	stream.indirect.gather [spmem:s1], $0x10, s17, s16, $0xb8;
	[tilespmem:$0xB180] =	vst v63  }
0x102: {  	_ =	swait.ge [sflag:s19], $0x800  }
0x103: {  	[sflag:s19] =	ssyncset.done $0x0  }
0x104: {  	[sflag:s19] =	ssyncadd.s32 $0xFFFFF800  }
0x105: {  	[hbm4b:s22+s3] =	stream.linear.scatter [tilespmem:s18], [sflag:$0x5], $0x800, $0x38;
	[tilespmem:$0xB180] =	vst v63  }
.Ltmp4:
0x106: {  	_ = 	snop;
	(pc) =	sbr.rel @p0 .LBB2_10-.Ltmp4, $4  }
0x107: {  	_ =	swait.ge [sflag:s19], $0x800  }
0x108: {  	[sflag:s19] =	ssyncset.done $0x0  }
0x109: {  	[sflag:s19] =	ssyncadd.s32 $0xFFFFF800  }
0x10a: {  	[tilespmem:s18], [sflag:$0x5] =	stream.indirect.gather [spmem:s2], $0x10, s17, s16, $0xb8;
	[tilespmem:$0xB180] =	vst v63  }
0x10b: {  	_ =	swait.ge [sflag:s19], $0x800  }
0x10c: {  	[sflag:s19] =	ssyncset.done $0x0  }
0x10d: {  	[sflag:s19] =	ssyncadd.s32 $0xFFFFF800  }
0x10e: {  	[hbm4b:s20+s3] =	stream.linear.scatter [tilespmem:s18], [sflag:$0x5], $0x800, $0x38;
	[tilespmem:$0xB180] =	vst v63  }
0x10f: {  	_ =	swait.ge [sflag:s19], $0x800  }
0x110: {  	s21 =	sadd.s32 $0x1, s21;
	s0 =	rddreg [dreg:$0x6]  }
0x111: {  	p0 =	sne.s32 s21, s0  }
.Ltmp5:
0x112: {  	_ = 	snop;
	(pc) =	sbr.rel @p0 .LBB2_1-.Ltmp5, $3  }
0x113: {  	_ =	sdelay $0x1  }
0x114: {  	[sflag:s19] =	ssyncset.done $0x0  }
0x115: {  	[sflag:s19] =	ssyncadd.s32 $0xFFFFF800  }
0x116: {  	_ =	sfence.sel $0x180000  }
0x117: {  	[bflag:$0x0] =	sbarrier.arrive $0xFFFF  }
0x118: {  	_ =	strace $0x90000047  }
0x119: {  	s0 =	stileid.u32;
	[bflag:$0x2] =	sbarrier.arrive $0xFFFF  }
0x11a: {  	p0 =	sne.s32 s0, $0x0;
	s0 =	rddreg [dreg:$0x3]  }
0x11b: {  	s0 =	sadd.s32 @!p0 $0x100000, s0  }
0x11c: {  	[sflag:s0] =	ssyncadd.tile.s32 @!p0 $0x1;
	_ =	shalt  }
.Lfunc_end2:
_tile_overlayer_lowered:
.L_overlay_start_2:
0x11d: {  	(tag) =	ssettag $0x2  }
0x11e: {  	s0 =	rddreg [dreg:$0x0];
	s2 =	stileid.u32  }
0x11f: {  	s1 =	rddreg [dreg:$0x1];
	p0 =	sne.s32 s2, $0x0  }
0x120: {  	s3 =	rddreg [dreg:$0x2];
	[bflag:$0x3] =	sbarrier.arrive $0xFFFF;
	s2 =	simm.s32 @!p0 $0x1C05  }
0x121: {  	[timem:s3], [sflag:s2] =	dma.local @!p0 [hbm:s0], s1  }
0x122: {  	s0 =	simm.s32 @!p0 $0x5  }
0x123: {  	_ =	swait.ge @!p0 [sflag:s0], s1  }
0x124: {  	s1 =	ssub.s32 @!p0 $0x0, s1;
	[sflag:s0] =	ssyncset.done @!p0 $0x0  }
0x125: {  	[sflag:s0] =	ssyncadd.s32 @!p0 s1  }
0x126: {  	[bflag:$0x3] =	sbarrier.arrive $0xFFFF  }
0x127: {  	_ =	shalt  }

// kernel: kernel.14.cloned.1.call-start
scs
__scs_entry_jumppad:
0x0: {  	(pc) =	sbr.rel $0x88, $3  }
0x1: {  	(tag) =	ssettag $0x0;
	lr =	simm.s32 $0x1  }
0x2: {  	[smem:$0x3F90] =	sst lr;
	_ =	strace $0xD0000000  }
0x3: {  	_ = 	snop  }
0x4: {  	_ = 	snop  }
0x5: {  	_ = 	snop  }
0x6: {  	_ = 	snop  }
0x7: {  	_ = 	snop  }
__scs_overlays_trampoline_lowered:
0x8: {  	[smem:$0x3F9F] =	sst s0  }
0x9: {  	[smem:$0x3FA0] =	sst s1  }
0xa: {  	[smem:$0x3FA1] =	sst s2  }
0xb: {  	[smem:$0x3FA2] =	sst s3  }
0xc: {  	[smem:$0x3FA3] =	sst s4  }
0xd: {  	[smem:$0x3FA4] =	sst s5  }
0xe: {  	[smem:$0x3FA5] =	sst s6  }
0xf: {  	[smem:$0x3FA6] =	sst s7  }
0x10: {  	[smem:$0x3FA7] =	sst s8  }
0x11: {  	[smem:$0x3FA8] =	sst s9;
	s0 =	simm.s32 @!p0 $0x0  }
0x12: {  	s1 =	sld [smem:$0x3F8E];
	s0 =	simm.s32 @p0 $0x1  }
0x13: {  	[smem:$0x3FA9] =	sst s0;
	s0 =	simm.s32 @!p1 $0x0  }
0x14: {  	s2 =	sld [smem:$0x3F8D];
	s0 =	simm.s32 @p1 $0x1  }
0x15: {  	[smem:$0x3FAA] =	sst s0;
	s0 =	simm.s32 @!p2 $0x0  }
0x16: {  	s3 =	sld [smem:$0x3FDB];
	s0 =	simm.s32 @p2 $0x1  }
0x17: {  	s4 =	simm.s32 $0x1BF5;
	[smem:$0x3FAC] =	sst s0  }
0x18: {  	s0 =	sld [smem:$0x3F8F];
	_ =	swait.ge [sflag:s4], $0x0  }
0x19: {  	s7 =	sld [smem:$0x3F90]  }
0x1a: {  	s8 =	sadd.s32 $0xFFFFE003, lr  }
0x1b: {  	s9 =	sadd.s32 $0xFFFFFEF7, lr;
	s5 =	simm.s32 $0xFFFFFFFF;
	p2 =	slt.u32 s8, $0xFFFFF086  }
0x1c: {  	p1 =	slt.u32 s9, $0xF7A;
	s5 =	simm.s32 @!p2 $0x0  }
0x1d: {  	s5 =	simm.s32 @p1 $0x1;
	p0 =	seq.s32 s7, s2  }
0x1e: {  	s7 =	smul.u32 @!p0 $0xF7A, s2;
	p2 =	seq.s32 @!p0 s5, $0x0  }
0x1f: {  	s9 =	smul.u32 $0xF7A, s1;
	s8 =	simm.s32 @!p0 $0x1BF5;
	p2 =	por !p2, p0  }
0x20: {  	[sflag:s8] =	ssyncset.s32 @!p0 $0xFFFFF086;
	s6 =	sadd.s32 @!p0 s3, s7;
	s7 =	simm.s32 @!p0 $0x108  }
0x21: {  	s3 =	sadd.s32 s3, s9;
	s6 =	sadd.s32 @!p0 $0x88, s6;
	s7 =	simm.s32 @p2 $0x1082  }
0x22: {  	[simem:s7], [sflag:s8] =	dma.local @!p0 [hbm:s6], $0xF7A  }
0x23: {  	s9 =	sor.u32 $0xD0000000, s2;
	s6 =	simm.s32 $0x108;
	_ =	swait.ge @!p0 [sflag:s8], $0x0  }
0x24: {  	s3 =	sadd.s32 $0x88, s3;
	s6 =	simm.s32 @!p1 $0x1082;
	[sflag:s4] =	ssyncset.s32 $0xFFFFF086  }
0x25: {  	[simem:s6], [sflag:s4] =	dma.local [hbm:s3], $0xF7A  }
0x26: {  	[smem:$0x3F90] =	sst s1;
	(tag) =	ssettag s2;
	_ =	strace s9  }
0x27: {  	s1 =	sld [smem:$0x3FA0]  }
0x28: {  	s2 =	sld [smem:$0x3FA1]  }
0x29: {  	s4 =	sld [smem:$0x3FA3]  }
0x2a: {  	p0 =	seq.s32 s5, $0x0;
	s5 =	sld [smem:$0x3FA4]  }
0x2b: {  	s6 =	sld [smem:$0x3FA5]  }
0x2c: {  	s7 =	sld [smem:$0x3FA6]  }
0x2d: {  	s3 =	simm.s32 $0x108;
	s8 =	sld [smem:$0x3FA7]  }
0x2e: {  	s3 =	simm.s32 @!p0 $0x1082;
	s9 =	sld [smem:$0x3FA8]  }
0x2f: {  	lr =	sadd.s32 s0, s3;
	s0 =	sld [smem:$0x3F9F]  }
0x30: {  	s3 =	sld [smem:$0x3FA2]  }
0x31: {  	[smem:$0x3FAB] =	sst s10  }
0x32: {  	s10 =	sld [smem:$0x3FA9];
	_ =	sdelay $0x3  }
0x33: {  	p0 =	seq.s32 s10, $0x1;
	s10 =	sld [smem:$0x3FAB];
	_ =	sdelay $0x3  }
0x34: {  	[smem:$0x3FAB] =	sst s10  }
0x35: {  	s10 =	sld [smem:$0x3FAA];
	_ =	sdelay $0x3  }
0x36: {  	p1 =	seq.s32 s10, $0x1;
	s10 =	sld [smem:$0x3FAB];
	_ =	sdelay $0x3  }
0x37: {  	[smem:$0x3FAB] =	sst s10  }
0x38: {  	s10 =	sld [smem:$0x3FAC]  }
0x39: {  	_ = 	snop;
	(pc) =	sbr.ind lr, $3  }
0x3a: {  	_ = 	snop  }
0x3b: {  	_ = 	snop  }
0x3c: {  	p2 =	seq.s32 s10, $0x1;
	s10 =	sld [smem:$0x3FAB]  }
0x3d: {  	_ =	shalt  }
0x3e: {  	_ =	shalt  }
0x3f: {  	_ =	shalt  }
0x40: {  	_ =	shalt  }
0x41: {  	_ =	shalt  }
0x42: {  	_ =	shalt  }
0x43: {  	_ =	shalt  }
0x44: {  	_ =	shalt  }
0x45: {  	_ =	shalt  }
0x46: {  	_ =	shalt  }
0x47: {  	_ =	shalt  }
0x48: {  	_ =	shalt  }
0x49: {  	_ =	shalt  }
0x4a: {  	_ =	shalt  }
0x4b: {  	_ =	shalt  }
0x4c: {  	_ =	shalt  }
0x4d: {  	_ =	shalt  }
0x4e: {  	_ =	shalt  }
0x4f: {  	_ =	shalt  }
0x50: {  	_ =	shalt  }
0x51: {  	_ =	shalt  }
0x52: {  	_ =	shalt  }
0x53: {  	_ =	shalt  }
0x54: {  	_ =	shalt  }
0x55: {  	_ =	shalt  }
0x56: {  	_ =	shalt  }
0x57: {  	_ =	shalt  }
0x58: {  	_ =	shalt  }
0x59: {  	_ =	shalt  }
0x5a: {  	_ =	shalt  }
0x5b: {  	_ =	shalt  }
0x5c: {  	_ =	shalt  }
0x5d: {  	_ =	shalt  }
0x5e: {  	_ =	shalt  }
0x5f: {  	_ =	shalt  }
0x60: {  	_ =	shalt  }
0x61: {  	_ =	shalt  }
0x62: {  	_ =	shalt  }
0x63: {  	_ =	shalt  }
0x64: {  	_ =	shalt  }
0x65: {  	_ =	shalt  }
0x66: {  	_ =	shalt  }
0x67: {  	_ =	shalt  }
0x68: {  	_ =	shalt  }
0x69: {  	_ =	shalt  }
0x6a: {  	_ =	shalt  }
0x6b: {  	_ =	shalt  }
0x6c: {  	_ =	shalt  }
0x6d: {  	_ =	shalt  }
0x6e: {  	_ =	shalt  }
0x6f: {  	_ =	shalt  }
0x70: {  	_ =	shalt  }
0x71: {  	_ =	shalt  }
0x72: {  	_ =	shalt  }
0x73: {  	_ =	shalt  }
0x74: {  	_ =	shalt  }
0x75: {  	_ =	shalt  }
0x76: {  	_ =	shalt  }
0x77: {  	_ =	shalt  }
0x78: {  	_ =	shalt  }
0x79: {  	_ =	shalt  }
0x7a: {  	_ =	shalt  }
0x7b: {  	_ =	shalt  }
0x7c: {  	_ =	shalt  }
0x7d: {  	_ =	shalt  }
0x7e: {  	_ =	shalt  }
0x7f: {  	_ =	shalt  }
0x80: {  	_ =	shalt  }
0x81: {  	_ =	shalt  }
0x82: {  	_ =	shalt  }
0x83: {  	_ =	shalt  }
0x84: {  	_ =	shalt  }
0x85: {  	_ =	shalt  }
0x86: {  	_ =	shalt  }
0x87: {  	_ =	shalt  }
.Lfunc_end0:
.L_simem_size_0:
called_computation.1_lowered:
.L_overlay_start_0:
0x88: {  	s2 =	sld [smem:$0x3FD9]  }
0x89: {  	s3 =	sld [smem:$0x3FFE];
	_ =	sdelay $0x1  }
0x8a: {  	s1 =	srdreg.scid  }
0x8b: {  	s0 =	sand.u32 $0x1, s1  }
0x8c: {  	s17 =	sshll.u32 s0, $0xA;
	s2 =	sadd.s32 s3, s2  }
0x8d: {  	s2 =	sadd.s32 s2, s17  }
0x8e: {  	[smem:$0x3FB7] =	sst s2  }
0x8f: {  	_ = 	snop  }
0x90: {  	s2 =	sld [smem:$0x3FD0];
	(tm) =	ssettm $0x1  }
0x91: {  	s18 =	sld [smem:$0x3FFB];
	_ =	sdelay $0x3  }
0x92: {  	_ =	strace s18  }
0x93: {  	s3 =	sld [smem:$0x3FFC];
	_ =	sdelay $0x3  }
0x94: {  	_ =	strace s3  }
0x95: {  	s3 =	sld [smem:$0x3FFD];
	_ =	sdelay $0x3  }
0x96: {  	_ =	strace s3  }
0x97: {  	_ =	strace $0x8FFFFFFF  }
0x98: {  	s19 =	sld [smem:$0x3FDB];
	_ =	sdelay $0x1  }
0x99: {  	s4 =	simm.s32 $_scs_section_size  }
0x9a: {  	s5 =	simm.s32 $_size__tile_overlayer_lowered;
	s6 =	simm.s32 $_tile_overlayer_lowered  }
0x9b: {  	s22 =	simm.s32 $0x1BFF;
	s21 =	sshll.u32 s6, $0x1;
	s3 =	sadd.s32 s4, s19  }
0x9c: {  	s7 =	simm.s32 $0x0;
	s20 =	sshll.u32 s5, $0x1;
	s5 =	sadd.s32 s21, s3  }
0x9d: {  	[timem:s7], [sflag:s22] =	dma.local [hbm:s5], s20  }
0x9e: {  	_ =	swait.ge [sflag:s22], s20  }
0x9f: {  	s4 =	ssub.s32 $0x0, s20;
	[sflag:s22] =	ssyncset.done $0x0  }
0xa0: {  	[sflag:s22] =	ssyncadd.s32 s4;
	_ =	sdelay $0x1  }
0xa1: {  	s23 =	simm.s32 $0x1B8B  }
0xa2: {  	_ =	swait.ge [sflag:s23], $0x1  }
0xa3: {  	[sflag:s23] =	ssyncset.done $0x0  }
0xa4: {  	s25 =	simm.s32 $0x1B8E;
	s24 =	sld [smem:$0x3FFE];
	[sflag:s23] =	ssyncadd.s32 $0xFFFFFFFF  }
0xa5: {  	s26 =	simm.s32 $execute0_lowered;
	[smem:$0x3FD2] =	sst s25  }
0xa6: {  	s5 =	sshll.u32 s26, $0x1;
	_ =	strace $0x80000049;
	[dreg:$0x1] =	wrdreg $0xFFFFFFFF  }
0xa7: {  	s28 =	simm.s32 $_size_execute0_lowered;
	s3 =	sadd.s32 s3, s5;
	[dreg:$0x0] =	wrdreg $0x0  }
0xa8: {  	s5 =	sshll.u32 s28, $0x1;
	[dreg:$0x2] =	wrdreg s3  }
0xa9: {  	[dreg:$0x3] =	wrdreg s5  }
0xaa: {  	[dreg:$0x4] =	wrdreg $0xC0  }
0xab: {  	_ =	task [dreg:s7], $0x5FFFF  }
0xac: {  	[dreg:$0x1] =	wrdreg $0xFFFFFFFF  }
0xad: {  	[dreg:$0x0] =	wrdreg $0x60  }
0xae: {  	[dreg:$0x2] =	wrdreg s24  }
0xaf: {  	[dreg:$0x3] =	wrdreg s2  }
0xb0: {  	[dreg:$0x4] =	wrdreg $0x71800  }
0xb1: {  	[dreg:$0x5] =	wrdreg $0x111800  }
0xb2: {  	[dreg:$0x6] =	wrdreg $0x9  }
0xb3: {  	_ =	task.clear_ibuf [dreg:s7], $0x7FFFF;
	_ =	strace $0x90000049  }
0xb4: {  	s29 =	simm.s32 $0x9;
	_ =	strace $0x8000004B  }
0xb5: {  	_ =	swait.ge [sflag:s29], $0x1  }
0xb6: {  	[sflag:s29] =	ssyncadd.s32 $0xFFFFFFFF  }
0xb7: {  	_ =	strace $0x9000004B  }
0xb8: {  	_ =	sfence  }
0xb9: {  	s30 =	sld [smem:$0x0];
	_ =	sdelay $0x2  }
0xba: {  	s31 =	sshll.u32 s1, $0xD;
	s1 =	sshrl.u32 s1, $0x2  }
0xbb: {  	s3 =	sand.u32 $0x4000, s31;
	s1 =	sadd.s32 s1, s30  }
0xbc: {  	s0 =	sor.u32 s3, s0;
	s1 =	sshll.u32 s1, $0x11  }
0xbd: {  	s0 =	sor.u32 s1, s0  }
0xbe: {  	s0 =	sadd.s32 $0x8F2B, s0  }
0xbf: {  	[sflag:s0] =	ssyncadd.remote.s32 $0x1  }
0xc0: {  	_ =	sfence.sel $0xFFFF  }
0xc1: {  	[dreg:$0x0] =	wrdreg $0xFFFFFFFF;
	(pc) =	sbr.abs _section_cstart, $3  }
0xc2: {  	[dreg:$0x1] =	wrdreg $0xFFFFFFFF  }
0xc3: {  	_ =	task.clear_ibuf [dreg:s7], $0x2FFFF;
	_ =	strace $0x9FFFFFFF  }
0xc4: {  	(tm) =	ssettm $0x7FFFFFFF  }
0xc5: {  	_ =	shalt  }
tec
execute0_lowered:
.L_overlay_start_1:
0x0: {  	(tag) =	ssettag $0x1  }
0x1: {  	s0 =	rddreg [dreg:$0x0]  }
0x2: {  	s3 =	rddreg [dreg:$0x1]  }
0x3: {  	s1 =	rddreg [dreg:$0x2]  }
0x4: {  	s2 =	rddreg [dreg:$0x3];
	s4 =	simm.s32 $0x0;
	s5 =	srdreg.scid  }
0x5: {  	s11 =	stileid.u32;
	s15 =	simm.s32 $0x80;
	s16 =	simm.s32 $0x100  }
0x6: {  	s17 =	simm.s32 $0x4980;
	s18 =	simm.s32 $0x3;
	s19 =	simm.s32 $0x6980  }
0x7: {  	s20 =	simm.s32 $0x180;
	s21 =	simm.s32 $0x2180;
	s22 =	simm.s32 $0x1  }
0x8: {  	s23 =	simm.s32 $0x4;
	s7 =	sand.u32 $0x1, s5;
	s5 =	smul.u32 $0x280, s11  }
0x9: {  	[smem:$0x7FF] =	sst s4;
	s24 =	sshll.u32 s11, $0xA;
	s26 =	smul.u32 $0x500, s11  }
0xa: {  	s6 =	sshll.u32 s11, $0x4;
	s13 =	smul.u32 $0x1400, s11;
	s30 =	sor.u32 $0x20, s11  }
0xb: {  	p1 =	sgt.u32 s11, $0x3;
	_ =	strace $0x8000004A;
	s8 =	smul.u32 $0x14000, s7  }
0xc: {  	s9 =	sadd.s32 s24, s0;
	s6 =	sadd.s32 s6, s0;
	s10 =	ssub.s32 $0x2, s7  }
0xd: {  	[dreg:$0x9] =	wrdreg s30;
	p0 =	sne.s32 s7, $0x0;
	s12 =	sadd.s32 $0x5AB200, s9  }
0xe: {  	s24 =	simm.s32 $0x4180;
	s28 =	sadd.s32 $0x5600, s9;
	[dreg:$0x5] =	wrdreg s12  }
0xf: {  	s25 =	sshrl.u32 s10, $0x1;
	s29 =	sadd.s32 $0x5AF200, s9;
	[dreg:$0x6] =	wrdreg s28  }
0x10: {  	s31 =	sadd.s32 $0x9600, s9;
	s3 =	sadd.s32 s26, s3;
	[dreg:$0x8] =	wrdreg s29  }
0x11: {  	s0 =	sadd.s32 s8, s0;
	s8 =	ssub.s32 s10, s25;
	[dreg:$0xa] =	wrdreg s31  }
0x12: {  	[dreg:$0xb] =	wrdreg s3;
	s8 =	smax.u32 s8, $0x1;
	s0 =	sadd.s32 s13, s0  }
0x13: {  	s6 =	sadd.s32 $0x5A1200, s6;
	[dreg:$0x7] =	wrdreg s8;
	s0 =	sadd.s32 $0x276600, s0  }
0x14: {  	v0 =	vimm.f32 $0.0e+00;
	v1 =	vimm.f32 $1.000000000e+00;
	v2 =	vlaneseq.u32;
	s25 =	simm.s32 $0x2;
	s3 =	simm.s32 $0x0;
	[dreg:$0xc] =	wrdreg s0  }
.LBB2_1:
0x15: {  	s0 =	simm.s32 $0x49A0  }
0x16: {  	[tilespmem:s0+$0x0] =	vst v0  }
0x17: {  	[tilespmem:s0+$0xFFFFFFE0] =	vst v0  }
0x18: {  	[tilespmem:s0+$0x10] =	vst v0  }
0x19: {  	[dreg:$0xd] =	wrdreg s3;
	s3 =	simm.s32 $0x40;
	s7 =	simm.s32 $0x0;
	[tilespmem:s0+$0xFFFFFFF0] =	vst v0  }
.LBB2_2:
0x1a: {  	p2 =	sne.s32 s3, $0x1FC0  }
0x1b: {  	[tilespmem:s7+$0x6980] =	vst v0;
	s0 =	sadd.s32 $0x40, s0;
	s7 =	smov.u32 s3;
	s3 =	sadd.s32 $0x40, s3  }
.Ltmp0:
0x1c: {  	[tilespmem:s0+$0x0] =	vst v0;
	(pc) =	sbr.rel @p2 .LBB2_2-.Ltmp0, $4  }
0x1d: {  	_ = 	snop  }
0x1e: {  	[tilespmem:s0+$0xFFFFFFE0] =	vst v0  }
0x1f: {  	[tilespmem:s0+$0x10] =	vst v0  }
0x20: {  	s7 =	sshra.s32 s7, $0x2;
	[tilespmem:s0+$0xFFFFFFF0] =	vst v0  }
0x21: {  	[tilespmem:s7+$0x6980] =	vst v0;
	s0 =	simm.s32 $0x40;
	s3 =	simm.s32 $0x0  }
.LBB2_4:
0x22: {  	p2 =	sne.s32 s0, $0x1FC0;
	[tilespmem:s3+$0x4180] =	vst v1;
	s3 =	smov.u32 s0;
	s0 =	sadd.s32 $0x40, s0  }
.Ltmp1:
0x23: {  	(pc) =	sbr.rel @p2 .LBB2_4-.Ltmp1, $2  }
0x24: {  	_ =	sdelay $0x2  }
0x25: {  	s3 =	sshra.s32 s3, $0x2  }
0x26: {  	s0 =	sadd.s32 $0x0, s5  }
0x27: {  	[tilespmem:s3+$0x4180] =	vst v1;
	v3 =	vor.u32 s0, v2;
	s26 =	sadd.s32 $0x10, s0  }
0x28: {  	s7 =	sadd.s32 $0x20, s0;
	[tilespmem:$0x100] =	vst v3;
	v3 =	vor.u32 s26, v2  }
0x29: {  	s28 =	sadd.s32 $0x70, s0;
	s30 =	sadd.s32 $0x40, s0;
	v4 =	vor.u32 s7, v2;
	[tilespmem:$0x110] =	vst v3  }
0x2a: {  	s29 =	sadd.s32 $0x50, s0;
	s31 =	sadd.s32 $0x30, s0;
	s0 =	sadd.s32 $0x60, s0;
	v62 =	vor.u32 s30, v2;
	[tilespmem:$0x120] =	vst v4  }
0x2b: {  	v63 =	vor.u32 s0, v2;
	[tilespmem:$0x140] =	vst v62  }
0x2c: {  	v3 =	vor.u32 s28, v2;
	[tilespmem:$0x160] =	vst v63  }
0x2d: {  	[tilespmem:$0x170] =	vst v3;
	v3 =	vor.u32 s29, v2  }
0x2e: {  	[tilespmem:$0x150] =	vst v3;
	v3 =	vor.u32 s31, v2  }
0x2f: {  	s0 =	simm.s32 $0x80;
	[tilespmem:$0x130] =	vst v3  }
0x30: {  	[spmem:s1] =	stream.indirect.scatter [tilespmem:s17], [sflag:$0x3], $0x40, s16, s15, $0xb8;
	[tilespmem:$0x13980] =	vst v63  }
.LBB2_6:
0x31: {  	p2 =	sne.s32 s0, $0x200  }
0x32: {  	_ =	swait.ge [sflag:s18], $0x2000;
	s3 =	smov.u32 s0;
	s0 =	sadd.s32 $0x80, s0  }
0x33: {  	[sflag:s18] =	ssyncset.done $0x0  }
0x34: {  	[sflag:s18] =	ssyncadd.s32 $0xFFFFE000  }
0x35: {  	[spmem:s2] =	stream.indirect.scatter [tilespmem:s19], [sflag:$0x3], $0x10, s16, s15, $0xb8;
	[tilespmem:$0x13980] =	vst v63  }
0x36: {  	_ =	swait.ge [sflag:s18], $0x800  }
0x37: {  	s3 =	sadd.s32 s3, s5;
	[sflag:s18] =	ssyncset.done $0x0  }
0x38: {  	v3 =	vor.u32 s3, v2;
	s7 =	sadd.s32 $0x10, s3;
	s9 =	sadd.s32 $0x20, s3;
	[sflag:s18] =	ssyncadd.s32 $0xFFFFF800  }
0x39: {  	s10 =	sadd.s32 $0x70, s3;
	v4 =	vor.u32 s9, v2;
	s9 =	sadd.s32 $0x50, s3;
	[tilespmem:$0x100] =	vst v3;
	v3 =	vor.u32 s7, v2;
	s7 =	sadd.s32 $0x40, s3  }
0x3a: {  	s13 =	sadd.s32 $0x30, s3;
	v6 =	vor.u32 s10, v2;
	v5 =	vor.u32 s9, v2;
	s3 =	sadd.s32 $0x60, s3;
	[tilespmem:$0x110] =	vst v3;
	v3 =	vor.u32 s7, v2  }
0x3b: {  	v7 =	vor.u32 s13, v2;
	v8 =	vor.u32 s3, v2;
	[tilespmem:$0x170] =	vst v6  }
0x3c: {  	[tilespmem:$0x120] =	vst v4  }
.Ltmp2:
0x3d: {  	[tilespmem:$0x150] =	vst v5;
	(pc) =	sbr.rel @p2 .LBB2_6-.Ltmp2, $4  }
0x3e: {  	[tilespmem:$0x140] =	vst v3  }
0x3f: {  	[tilespmem:$0x130] =	vst v7  }
0x40: {  	[tilespmem:$0x160] =	vst v8  }
0x41: {  	[spmem:s1] =	stream.indirect.scatter [tilespmem:s17], [sflag:$0x3], $0x40, s16, s15, $0xb8;
	[tilespmem:$0x13980] =	vst v63  }
0x42: {  	_ =	swait.ge [sflag:s18], $0x2000  }
0x43: {  	[sflag:s18] =	ssyncset.done $0x0  }
0x44: {  	[sflag:s18] =	ssyncadd.s32 $0xFFFFE000  }
0x45: {  	[spmem:s2] =	stream.indirect.scatter [tilespmem:s19], [sflag:$0x3], $0x10, s16, s15, $0xb8;
	[tilespmem:$0x13980] =	vst v63  }
.Ltmp3:
0x46: {  	_ =	swait.ge [sflag:s18], $0x800;
	(pc) =	sbr.rel @p0 .LBB2_11-.Ltmp3, $4  }
0x47: {  	[sflag:s18] =	ssyncset.done $0x0  }
0x48: {  	[sflag:s18] =	ssyncadd.s32 $0xFFFFF800  }
0x49: {  	s0 =	simm.s32 $0x0;
	[bflag:$0x0] =	sbarrier.arrive $0xFFFF  }
0x4a: {  	[tilespmem:s4], [sflag:$0x1] =	stream.linear.gather [hbm4b:s6+s4], $0x80, $0x38;
	[tilespmem:$0x13980] =	vst v63  }
0x4b: {  	s3 =	rddreg [dreg:$0x6];
	s26 =	sadd.s32 $0x0, s6  }
0x4c: {  	[tilespmem:s20], [sflag:$0x1] =	stream.linear.gather [hbm4b:s3+s0], $0x2000, $0x38;
	[tilespmem:$0x13980] =	vst v63  }
0x4d: {  	s0 =	sadd.s32 $0x100, s26  }
0x4e: {  	[tilespmem:s15], [sflag:$0x2] =	stream.linear.gather [hbm4b:s0+s4], $0x80, $0x38;
	[tilespmem:$0x13980] =	vst v63  }
0x4f: {  	s9 =	rddreg [dreg:$0xa]  }
0x50: {  	[tilespmem:s21], [sflag:$0x2] =	stream.linear.gather [hbm4b:s9+s4], $0x2000, $0x38;
	[tilespmem:$0x13980] =	vst v63  }
0x51: {  	_ =	swait.ge [sflag:s22], $0x80  }
0x52: {  	[sflag:s22] =	ssyncset.done $0x0  }
0x53: {  	[sflag:s22] =	ssyncadd.s32 $0xFFFFFF80  }
0x54: {  	_ =	swait.ge [sflag:s22], $0x2000  }
0x55: {  	[sflag:s22] =	ssyncset.done $0x0  }
0x56: {  	[sflag:s22] =	ssyncadd.s32 $0xFFFFE000  }
0x57: {  	[spmem:s1] =	stream.indirect.scatter.add.f32 [tilespmem:s20], [sflag:$0x4], $0x40, s4, s15, $0xb8;
	[tilespmem:$0x13980] =	vst v63  }
0x58: {  	_ =	swait.ge [sflag:s23], $0x2000  }
0x59: {  	[sflag:s23] =	ssyncset.done $0x0  }
0x5a: {  	[sflag:s23] =	ssyncadd.s32 $0xFFFFE000  }
0x5b: {  	[spmem:s2] =	stream.indirect.scatter.add.f32 [tilespmem:s24], [sflag:$0x4], $0x10, s4, s15, $0xb8;
	[tilespmem:$0x13980] =	vst v63  }
0x5c: {  	_ =	swait.ge [sflag:s23], $0x800  }
0x5d: {  	s8 =	rddreg [dreg:$0x9]  }
0x5e: {  	p2 =	sgt.u32 s8, $0x9C3  }
0x5f: {  	[sflag:s23] =	ssyncset.done $0x0;
	s0 =	sadd.s32 @!p2 $0x0, s6  }
0x60: {  	[sflag:s23] =	ssyncadd.s32 $0xFFFFF800;
	s3 =	simm.s32 @!p2 $0x0;
	s0 =	sadd.s32 @!p2 $0x200, s0  }
0x61: {  	[tilespmem:s3], [sflag:$0x1] =	stream.linear.gather @!p2 [hbm4b:s0+s3], $0x80, $0x38;
	[tilespmem:$0x13980] =	vst v63  }
0x62: {  	s7 =	simm.s32 @!p2 $0x180;
	s0 =	sadd.s32 @!p2 $0x4000, s9  }
0x63: {  	[tilespmem:s7], [sflag:$0x1] =	stream.linear.gather @!p2 [hbm4b:s0+s3], $0x2000, $0x38;
	[tilespmem:$0x13980] =	vst v63  }
0x64: {  	_ =	swait.ge [sflag:s25], $0x80  }
0x65: {  	[sflag:s25] =	ssyncset.done $0x0  }
0x66: {  	[sflag:s25] =	ssyncadd.s32 $0xFFFFFF80  }
0x67: {  	_ =	swait.ge [sflag:s25], $0x2000  }
0x68: {  	[sflag:s25] =	ssyncset.done $0x0  }
0x69: {  	[sflag:s25] =	ssyncadd.s32 $0xFFFFE000  }
0x6a: {  	[spmem:s1] =	stream.indirect.scatter.add.f32 [tilespmem:s21], [sflag:$0x4], $0x40, s15, s15, $0xb8;
	[tilespmem:$0x13980] =	vst v63  }
0x6b: {  	_ =	swait.ge [sflag:s23], $0x2000  }
0x6c: {  	[sflag:s23] =	ssyncset.done $0x0  }
0x6d: {  	s28 =	simm.s32 $0x200;
	[sflag:s23] =	ssyncadd.s32 $0xFFFFE000  }
0x6e: {  	[spmem:s2] =	stream.indirect.scatter.add.f32 [tilespmem:s24], [sflag:$0x3], $0x10, s15, s15, $0xb8;
	[tilespmem:$0x13980] =	vst v63  }
0x6f: {  	s31 =	simm.s32 $0x400;
	s29 =	sadd.s32 $0x8000, s9;
	_ =	swait.ge [sflag:s18], $0x800  }
0x70: {  	s30 =	sadd.s32 $0x20, s8;
	s0 =	sadd.s32 $0x200, s6;
	[sflag:s18] =	ssyncset.done $0x0  }
.LBB2_9:
0x71: {  	s0 =	sadd.s32 $0x100, s0  }
0x72: {  	[sflag:s18] =	ssyncadd.s32 $0xFFFFF800;
	s3 =	smov.u32 s31;
	s31 =	sadd.s32 $0x200, s31  }
0x73: {  	[tilespmem:s15], [sflag:$0x2] =	stream.linear.gather [hbm4b:s0+s4], $0x80, $0x38;
	[tilespmem:$0x13980] =	vst v63  }
0x74: {  	p2 =	seq.s32 s31, $0x9C00  }
0x75: {  	[tilespmem:s21], [sflag:$0x2] =	stream.linear.gather [hbm4b:s29+s4], $0x2000, $0x38;
	[tilespmem:$0x13980] =	vst v63  }
0x76: {  	_ =	swait.ge [sflag:s22], $0x80  }
0x77: {  	[sflag:s22] =	ssyncset.done $0x0  }
0x78: {  	[sflag:s22] =	ssyncadd.s32 $0xFFFFFF80  }
0x79: {  	_ =	swait.ge [sflag:s22], $0x2000  }
0x7a: {  	[sflag:s22] =	ssyncset.done $0x0  }
0x7b: {  	[sflag:s22] =	ssyncadd.s32 $0xFFFFE000  }
0x7c: {  	[spmem:s1] =	stream.indirect.scatter.add.f32 [tilespmem:s20], [sflag:$0x4], $0x40, s4, s15, $0xb8;
	[tilespmem:$0x13980] =	vst v63  }
0x7d: {  	_ =	swait.ge [sflag:s23], $0x2000  }
0x7e: {  	[sflag:s23] =	ssyncset.done $0x0  }
0x7f: {  	[sflag:s23] =	ssyncadd.s32 $0xFFFFE000  }
0x80: {  	[spmem:s2] =	stream.indirect.scatter.add.f32 [tilespmem:s24], [sflag:$0x4], $0x10, s4, s15, $0xb8;
	[tilespmem:$0x13980] =	vst v63  }
0x81: {  	p3 =	sgt.u32 s30, $0x9C3;
	_ =	swait.ge [sflag:s23], $0x800  }
0x82: {  	s0 =	sadd.s32 @!p3 s28, s6;
	s28 =	smov.u32 s3;
	[sflag:s23] =	ssyncset.done $0x0  }
0x83: {  	s3 =	simm.s32 @!p3 $0x0;
	s0 =	sadd.s32 @!p3 $0x200, s0;
	[sflag:s23] =	ssyncadd.s32 $0xFFFFF800  }
0x84: {  	[tilespmem:s3], [sflag:$0x1] =	stream.linear.gather @!p3 [hbm4b:s0+s3], $0x80, $0x38;
	[tilespmem:$0x13980] =	vst v63  }
0x85: {  	s7 =	simm.s32 @!p3 $0x180;
	s0 =	sadd.s32 @!p3 $0x4000, s29  }
0x86: {  	[tilespmem:s7], [sflag:$0x1] =	stream.linear.gather @!p3 [hbm4b:s0+s3], $0x2000, $0x38;
	[tilespmem:$0x13980] =	vst v63  }
0x87: {  	_ =	swait.ge [sflag:s25], $0x80  }
0x88: {  	[sflag:s25] =	ssyncset.done $0x0  }
0x89: {  	[sflag:s25] =	ssyncadd.s32 $0xFFFFFF80  }
0x8a: {  	_ =	swait.ge [sflag:s25], $0x2000  }
0x8b: {  	[sflag:s25] =	ssyncset.done $0x0  }
0x8c: {  	[sflag:s25] =	ssyncadd.s32 $0xFFFFE000  }
0x8d: {  	[spmem:s1] =	stream.indirect.scatter.add.f32 [tilespmem:s21], [sflag:$0x4], $0x40, s15, s15, $0xb8;
	[tilespmem:$0x13980] =	vst v63  }
0x8e: {  	_ =	swait.ge [sflag:s23], $0x2000  }
.Ltmp4:
0x8f: {  	[sflag:s23] =	ssyncset.done $0x0;
	(pc) =	sbr.rel @!p2 .LBB2_9-.Ltmp4, $4  }
0x90: {  	[sflag:s23] =	ssyncadd.s32 $0xFFFFE000  }
0x91: {  	[spmem:s2] =	stream.indirect.scatter.add.f32 [tilespmem:s24], [sflag:$0x3], $0x10, s15, s15, $0xb8;
	[tilespmem:$0x13980] =	vst v63  }
0x92: {  	s30 =	sadd.s32 $0x20, s30;
	_ =	swait.ge [sflag:s18], $0x800  }
0x93: {  	s29 =	sadd.s32 $0x8000, s29;
	s0 =	sadd.s32 s28, s6;
	[sflag:s18] =	ssyncset.done $0x0  }
0x94: {  	s0 =	sadd.s32 $0x100, s0;
	[sflag:s18] =	ssyncadd.s32 $0xFFFFF800  }
0x95: {  	[tilespmem:s15], [sflag:$0x2] =	stream.linear.gather [hbm4b:s0+s4], $0x80, $0x38;
	[tilespmem:$0x13980] =	vst v63  }
0x96: {  	_ = 	snop  }
0x97: {  	[tilespmem:s21], [sflag:$0x2] =	stream.linear.gather [hbm4b:s29+s4], $0x2000, $0x38;
	[tilespmem:$0x13980] =	vst v63  }
0x98: {  	_ =	swait.ge [sflag:s22], $0x80  }
0x99: {  	[sflag:s22] =	ssyncset.done $0x0  }
0x9a: {  	[sflag:s22] =	ssyncadd.s32 $0xFFFFFF80  }
0x9b: {  	_ =	swait.ge [sflag:s22], $0x2000  }
0x9c: {  	[sflag:s22] =	ssyncset.done $0x0  }
0x9d: {  	[sflag:s22] =	ssyncadd.s32 $0xFFFFE000  }
0x9e: {  	[spmem:s1] =	stream.indirect.scatter.add.f32 [tilespmem:s20], [sflag:$0x4], $0x40, s4, s15, $0xb8;
	[tilespmem:$0x13980] =	vst v63  }
0x9f: {  	_ =	swait.ge [sflag:s23], $0x2000  }
0xa0: {  	[sflag:s23] =	ssyncset.done $0x0  }
0xa1: {  	[sflag:s23] =	ssyncadd.s32 $0xFFFFE000  }
0xa2: {  	[spmem:s2] =	stream.indirect.scatter.add.f32 [tilespmem:s24], [sflag:$0x4], $0x10, s4, s15, $0xb8;
	[tilespmem:$0x13980] =	vst v63  }
0xa3: {  	p2 =	sgt.u32 s30, $0x9C3;
	_ =	swait.ge [sflag:s23], $0x800  }
0xa4: {  	s0 =	sadd.s32 @!p2 s28, s6;
	[sflag:s23] =	ssyncset.done $0x0  }
0xa5: {  	s3 =	simm.s32 @!p2 $0x0;
	s0 =	sadd.s32 @!p2 $0x200, s0;
	[sflag:s23] =	ssyncadd.s32 $0xFFFFF800  }
0xa6: {  	[tilespmem:s3], [sflag:$0x1] =	stream.linear.gather @!p2 [hbm4b:s0+s3], $0x80, $0x38;
	[tilespmem:$0x13980] =	vst v63  }
0xa7: {  	s7 =	simm.s32 @!p2 $0x180;
	s0 =	sadd.s32 @!p2 $0x4000, s29  }
0xa8: {  	[tilespmem:s7], [sflag:$0x1] =	stream.linear.gather @!p2 [hbm4b:s0+s3], $0x2000, $0x38;
	[tilespmem:$0x13980] =	vst v63  }
0xa9: {  	_ =	swait.ge [sflag:s25], $0x80  }
0xaa: {  	[sflag:s25] =	ssyncset.done $0x0  }
0xab: {  	[sflag:s25] =	ssyncadd.s32 $0xFFFFFF80  }
0xac: {  	_ =	swait.ge [sflag:s25], $0x2000  }
0xad: {  	[sflag:s25] =	ssyncset.done $0x0  }
0xae: {  	[sflag:s25] =	ssyncadd.s32 $0xFFFFE000  }
0xaf: {  	[spmem:s1] =	stream.indirect.scatter.add.f32 [tilespmem:s21], [sflag:$0x4], $0x40, s15, s15, $0xb8;
	[tilespmem:$0x13980] =	vst v63  }
0xb0: {  	_ =	swait.ge [sflag:s23], $0x2000  }
0xb1: {  	[sflag:s23] =	ssyncset.done $0x0  }
0xb2: {  	[sflag:s23] =	ssyncadd.s32 $0xFFFFE000  }
0xb3: {  	[spmem:s2] =	stream.indirect.scatter.add.f32 [tilespmem:s24], [sflag:$0x3], $0x10, s15, s15, $0xb8;
	[tilespmem:$0x13980] =	vst v63  }
0xb4: {  	_ =	swait.ge [sflag:s18], $0x800  }
0xb5: {  	[sflag:s18] =	ssyncset.done $0x0  }
0xb6: {  	s0 =	simm.s32 @!p1 $0x1;
	[sflag:s18] =	ssyncadd.s32 $0xFFFFF800  }
0xb7: {  	_ =	swait.ge @!p1 [sflag:s0], $0x80  }
0xb8: {  	[sflag:s0] =	ssyncset.done @!p1 $0x0  }
0xb9: {  	[sflag:s0] =	ssyncadd.s32 @!p1 $0xFFFFFF80  }
0xba: {  	_ =	swait.ge @!p1 [sflag:s0], $0x2000  }
0xbb: {  	s3 =	simm.s32 @!p1 $0x0;
	[sflag:s0] =	ssyncset.done @!p1 $0x0  }
0xbc: {  	s7 =	simm.s32 @!p1 $0x180;
	[sflag:s0] =	ssyncadd.s32 @!p1 $0xFFFFE000;
	s0 =	simm.s32 @!p1 $0x80  }
0xbd: {  	[spmem:s1] =	stream.indirect.scatter.add.f32 @!p1 [tilespmem:s7], [sflag:$0x4], $0x40, s3, s0, $0xb8;
	[tilespmem:$0x13980] =	vst v63  }
0xbe: {  	s7 =	simm.s32 @!p1 $0x4  }
0xbf: {  	_ =	swait.ge @!p1 [sflag:s7], $0x2000  }
0xc0: {  	[sflag:s7] =	ssyncset.done @!p1 $0x0  }
.Ltmp5:
0xc1: {  	s9 =	simm.s32 @!p1 $0x4180;
	[sflag:s7] =	ssyncadd.s32 @!p1 $0xFFFFE000;
	(pc) =	sbr.rel .LBB2_14-.Ltmp5, $4  }
0xc2: {  	[spmem:s2] =	stream.indirect.scatter.add.f32 @!p1 [tilespmem:s9], [sflag:$0x4], $0x10, s3, s0, $0xb8;
	[tilespmem:$0x13980] =	vst v63  }
0xc3: {  	_ =	swait.ge @!p1 [sflag:s7], $0x800  }
0xc4: {  	[sflag:s7] =	ssyncset.done @!p1 $0x0  }
0xc5: {  	[sflag:s7] =	ssyncadd.s32 @!p1 $0xFFFFF800  }
.LBB2_11:
0xc6: {  	s3 =	rddreg [dreg:$0x5];
	s31 =	sadd.s32 $0x0, s6  }
0xc7: {  	[tilespmem:s20], [sflag:$0x1] =	stream.linear.gather [hbm4b:s3+s0], $0x2000, $0x38;
	[tilespmem:$0x13980] =	vst v63  }
0xc8: {  	s0 =	sadd.s32 $0x100, s31  }
0xc9: {  	[tilespmem:s15], [sflag:$0x2] =	stream.linear.gather [hbm4b:s0+s4], $0x80, $0x38;
	[tilespmem:$0x13980] =	vst v63  }
0xca: {  	s8 =	rddreg [dreg:$0x8]  }
0xcb: {  	[tilespmem:s21], [sflag:$0x2] =	stream.linear.gather [hbm4b:s8+s4], $0x2000, $0x38;
	[tilespmem:$0x13980] =	vst v63  }
0xcc: {  	_ =	swait.ge [sflag:s22], $0x80  }
0xcd: {  	[sflag:s22] =	ssyncset.done $0x0  }
0xce: {  	[sflag:s22] =	ssyncadd.s32 $0xFFFFFF80  }
0xcf: {  	_ =	swait.ge [sflag:s22], $0x2000  }
0xd0: {  	[sflag:s22] =	ssyncset.done $0x0  }
0xd1: {  	[sflag:s22] =	ssyncadd.s32 $0xFFFFE000  }
0xd2: {  	[spmem:s1] =	stream.indirect.scatter.add.f32 [tilespmem:s20], [sflag:$0x4], $0x40, s4, s15, $0xb8;
	[tilespmem:$0x13980] =	vst v63  }
0xd3: {  	_ =	swait.ge [sflag:s23], $0x2000  }
0xd4: {  	s9 =	rddreg [dreg:$0x9]  }
0xd5: {  	p2 =	sgt.u32 s9, $0x9C3  }
0xd6: {  	[sflag:s23] =	ssyncset.done $0x0;
	s0 =	sadd.s32 @!p2 $0x0, s6  }
0xd7: {  	[sflag:s23] =	ssyncadd.s32 $0xFFFFE000;
	s3 =	simm.s32 @!p2 $0x0;
	s0 =	sadd.s32 @!p2 $0x200, s0  }
0xd8: {  	[tilespmem:s3], [sflag:$0x1] =	stream.linear.gather @!p2 [hbm4b:s0+s3], $0x80, $0x38;
	[tilespmem:$0x13980] =	vst v63  }
0xd9: {  	s7 =	simm.s32 @!p2 $0x180;
	s0 =	sadd.s32 @!p2 $0x4000, s8  }
0xda: {  	[tilespmem:s7], [sflag:$0x1] =	stream.linear.gather @!p2 [hbm4b:s0+s3], $0x2000, $0x38;
	[tilespmem:$0x13980] =	vst v63  }
0xdb: {  	_ =	swait.ge [sflag:s25], $0x80  }
0xdc: {  	[sflag:s25] =	ssyncset.done $0x0  }
0xdd: {  	[sflag:s25] =	ssyncadd.s32 $0xFFFFFF80  }
0xde: {  	_ =	swait.ge [sflag:s25], $0x2000  }
0xdf: {  	[sflag:s25] =	ssyncset.done $0x0  }
0xe0: {  	s28 =	simm.s32 $0x200;
	[sflag:s25] =	ssyncadd.s32 $0xFFFFE000  }
0xe1: {  	[spmem:s1] =	stream.indirect.scatter.add.f32 [tilespmem:s21], [sflag:$0x3], $0x40, s15, s15, $0xb8;
	[tilespmem:$0x13980] =	vst v63  }
0xe2: {  	s29 =	sadd.s32 $0x8000, s8;
	s30 =	sadd.s32 $0x20, s9;
	_ =	swait.ge [sflag:s18], $0x2000  }
0xe3: {  	s0 =	simm.s32 $0x400;
	s3 =	sadd.s32 $0x200, s6;
	[sflag:s18] =	ssyncset.done $0x0  }
.LBB2_12:
0xe4: {  	s3 =	sadd.s32 $0x100, s3  }
0xe5: {  	[sflag:s18] =	ssyncadd.s32 $0xFFFFE000;
	s7 =	smov.u32 s0;
	s0 =	sadd.s32 $0x200, s0  }
0xe6: {  	[tilespmem:s15], [sflag:$0x2] =	stream.linear.gather [hbm4b:s3+s4], $0x80, $0x38;
	[tilespmem:$0x13980] =	vst v63  }
0xe7: {  	p2 =	seq.s32 s0, $0x9C00  }
0xe8: {  	[tilespmem:s21], [sflag:$0x2] =	stream.linear.gather [hbm4b:s29+s4], $0x2000, $0x38;
	[tilespmem:$0x13980] =	vst v63  }
0xe9: {  	_ =	swait.ge [sflag:s22], $0x80  }
0xea: {  	[sflag:s22] =	ssyncset.done $0x0  }
0xeb: {  	[sflag:s22] =	ssyncadd.s32 $0xFFFFFF80  }
0xec: {  	_ =	swait.ge [sflag:s22], $0x2000  }
0xed: {  	[sflag:s22] =	ssyncset.done $0x0  }
0xee: {  	[sflag:s22] =	ssyncadd.s32 $0xFFFFE000  }
0xef: {  	[spmem:s1] =	stream.indirect.scatter.add.f32 [tilespmem:s20], [sflag:$0x4], $0x40, s4, s15, $0xb8;
	[tilespmem:$0x13980] =	vst v63  }
0xf0: {  	p3 =	sgt.u32 s30, $0x9C3;
	_ =	swait.ge [sflag:s23], $0x2000  }
0xf1: {  	s3 =	sadd.s32 @!p3 s28, s6;
	s28 =	smov.u32 s7;
	[sflag:s23] =	ssyncset.done $0x0  }
0xf2: {  	s7 =	simm.s32 @!p3 $0x0;
	s3 =	sadd.s32 @!p3 $0x200, s3;
	[sflag:s23] =	ssyncadd.s32 $0xFFFFE000  }
0xf3: {  	[tilespmem:s7], [sflag:$0x1] =	stream.linear.gather @!p3 [hbm4b:s3+s7], $0x80, $0x38;
	[tilespmem:$0x13980] =	vst v63  }
0xf4: {  	s9 =	simm.s32 @!p3 $0x180;
	s3 =	sadd.s32 @!p3 $0x4000, s29  }
0xf5: {  	[tilespmem:s9], [sflag:$0x1] =	stream.linear.gather @!p3 [hbm4b:s3+s7], $0x2000, $0x38;
	[tilespmem:$0x13980] =	vst v63  }
0xf6: {  	_ =	swait.ge [sflag:s25], $0x80  }
0xf7: {  	[sflag:s25] =	ssyncset.done $0x0  }
0xf8: {  	[sflag:s25] =	ssyncadd.s32 $0xFFFFFF80  }
0xf9: {  	_ =	swait.ge [sflag:s25], $0x2000  }
.Ltmp6:
0xfa: {  	[sflag:s25] =	ssyncset.done $0x0;
	(pc) =	sbr.rel @!p2 .LBB2_12-.Ltmp6, $4  }
0xfb: {  	[sflag:s25] =	ssyncadd.s32 $0xFFFFE000  }
0xfc: {  	[spmem:s1] =	stream.indirect.scatter.add.f32 [tilespmem:s21], [sflag:$0x3], $0x40, s15, s15, $0xb8;
	[tilespmem:$0x13980] =	vst v63  }
0xfd: {  	s30 =	sadd.s32 $0x20, s30;
	_ =	swait.ge [sflag:s18], $0x2000  }
0xfe: {  	s29 =	sadd.s32 $0x8000, s29;
	s3 =	sadd.s32 s28, s6;
	[sflag:s18] =	ssyncset.done $0x0  }
0xff: {  	s0 =	sadd.s32 $0x100, s3;
	[sflag:s18] =	ssyncadd.s32 $0xFFFFE000  }
0x100: {  	[tilespmem:s15], [sflag:$0x2] =	stream.linear.gather [hbm4b:s0+s4], $0x80, $0x38;
	[tilespmem:$0x13980] =	vst v63  }
0x101: {  	_ = 	snop  }
0x102: {  	[tilespmem:s21], [sflag:$0x2] =	stream.linear.gather [hbm4b:s29+s4], $0x2000, $0x38;
	[tilespmem:$0x13980] =	vst v63  }
0x103: {  	_ =	swait.ge [sflag:s22], $0x80  }
0x104: {  	[sflag:s22] =	ssyncset.done $0x0  }
0x105: {  	[sflag:s22] =	ssyncadd.s32 $0xFFFFFF80  }
0x106: {  	_ =	swait.ge [sflag:s22], $0x2000  }
0x107: {  	[sflag:s22] =	ssyncset.done $0x0  }
0x108: {  	[sflag:s22] =	ssyncadd.s32 $0xFFFFE000  }
0x109: {  	[spmem:s1] =	stream.indirect.scatter.add.f32 [tilespmem:s20], [sflag:$0x4], $0x40, s4, s15, $0xb8;
	[tilespmem:$0x13980] =	vst v63  }
0x10a: {  	p2 =	sgt.u32 s30, $0x9C3;
	_ =	swait.ge [sflag:s23], $0x2000  }
0x10b: {  	s0 =	sadd.s32 @!p2 s28, s6;
	[sflag:s23] =	ssyncset.done $0x0  }
0x10c: {  	s3 =	simm.s32 @!p2 $0x0;
	s0 =	sadd.s32 @!p2 $0x200, s0;
	[sflag:s23] =	ssyncadd.s32 $0xFFFFE000  }
0x10d: {  	[tilespmem:s3], [sflag:$0x1] =	stream.linear.gather @!p2 [hbm4b:s0+s3], $0x80, $0x38;
	[tilespmem:$0x13980] =	vst v63  }
0x10e: {  	s7 =	simm.s32 @!p2 $0x180;
	s0 =	sadd.s32 @!p2 $0x4000, s29  }
0x10f: {  	[tilespmem:s7], [sflag:$0x1] =	stream.linear.gather @!p2 [hbm4b:s0+s3], $0x2000, $0x38;
	[tilespmem:$0x13980] =	vst v63  }
0x110: {  	_ =	swait.ge [sflag:s25], $0x80  }
0x111: {  	[sflag:s25] =	ssyncset.done $0x0  }
0x112: {  	[sflag:s25] =	ssyncadd.s32 $0xFFFFFF80  }
0x113: {  	_ =	swait.ge [sflag:s25], $0x2000  }
0x114: {  	[sflag:s25] =	ssyncset.done $0x0  }
0x115: {  	[sflag:s25] =	ssyncadd.s32 $0xFFFFE000  }
0x116: {  	[spmem:s1] =	stream.indirect.scatter.add.f32 [tilespmem:s21], [sflag:$0x3], $0x40, s15, s15, $0xb8;
	[tilespmem:$0x13980] =	vst v63  }
0x117: {  	_ =	swait.ge [sflag:s18], $0x2000  }
0x118: {  	[sflag:s18] =	ssyncset.done $0x0  }
0x119: {  	s0 =	simm.s32 @!p1 $0x1;
	[sflag:s18] =	ssyncadd.s32 $0xFFFFE000  }
0x11a: {  	_ =	swait.ge @!p1 [sflag:s0], $0x80  }
0x11b: {  	[sflag:s0] =	ssyncset.done @!p1 $0x0  }
0x11c: {  	[sflag:s0] =	ssyncadd.s32 @!p1 $0xFFFFFF80  }
0x11d: {  	_ =	swait.ge @!p1 [sflag:s0], $0x2000  }
0x11e: {  	s3 =	simm.s32 @!p1 $0x0;
	[sflag:s0] =	ssyncset.done @!p1 $0x0  }
0x11f: {  	s7 =	simm.s32 @!p1 $0x180;
	[sflag:s0] =	ssyncadd.s32 @!p1 $0xFFFFE000;
	s0 =	simm.s32 @!p1 $0x80  }
0x120: {  	[spmem:s1] =	stream.indirect.scatter.add.f32 @!p1 [tilespmem:s7], [sflag:$0x4], $0x40, s3, s0, $0xb8;
	[tilespmem:$0x13980] =	vst v63  }
0x121: {  	s0 =	simm.s32 @!p1 $0x4  }
0x122: {  	_ =	swait.ge @!p1 [sflag:s0], $0x2000  }
0x123: {  	[sflag:s0] =	ssyncset.done @!p1 $0x0  }
0x124: {  	[sflag:s0] =	ssyncadd.s32 @!p1 $0xFFFFE000  }
.LBB2_14:
0x125: {  	s0 =	sadd.s32 $0x0, s5  }
0x126: {  	[bflag:$0x0] =	sbarrier.arrive $0xFFFF;
	v3 =	vor.u32 s0, v2;
	s3 =	sadd.s32 $0x10, s0  }
0x127: {  	s7 =	sadd.s32 $0x20, s0;
	[tilespmem:$0x100] =	vst v3;
	v3 =	vor.u32 s3, v2  }
0x128: {  	s11 =	sadd.s32 $0x70, s0;
	s13 =	sadd.s32 $0x40, s0;
	v4 =	vor.u32 s7, v2;
	[tilespmem:$0x110] =	vst v3  }
0x129: {  	s12 =	sadd.s32 $0x50, s0;
	s14 =	sadd.s32 $0x30, s0;
	s0 =	sadd.s32 $0x60, s0;
	v62 =	vor.u32 s13, v2;
	[tilespmem:$0x120] =	vst v4  }
0x12a: {  	v63 =	vor.u32 s0, v2;
	[tilespmem:$0x140] =	vst v62  }
0x12b: {  	v3 =	vor.u32 s11, v2;
	[tilespmem:$0x160] =	vst v63  }
0x12c: {  	[tilespmem:$0x170] =	vst v3;
	v3 =	vor.u32 s12, v2  }
0x12d: {  	[tilespmem:$0x150] =	vst v3;
	v3 =	vor.u32 s14, v2  }
0x12e: {  	[tilespmem:$0x130] =	vst v3  }
0x12f: {  	[tilespmem:s17], [sflag:$0x4] =	stream.indirect.gather [spmem:s1], $0x40, s16, s15, $0xb8;
	[tilespmem:$0x13980] =	vst v63  }
0x130: {  	_ =	swait.ge [sflag:s23], $0x2000  }
0x131: {  	s28 =	simm.s32 @!p0 $0x6980;
	[sflag:s23] =	ssyncset.done $0x0  }
0x132: {  	s29 =	simm.s32 @!p0 $0x80;
	s26 =	rddreg [dreg:$0xc];
	[sflag:s23] =	ssyncadd.s32 $0xFFFFE000  }
0x133: {  	[hbm4b:s26+s4] =	stream.linear.scatter [tilespmem:s17], [sflag:$0x4], $0x2000, $0x38;
	[tilespmem:$0x13980] =	vst v63  }
0x134: {  	s30 =	simm.s32 @!p0 $0x100;
	s31 =	simm.s32 @!p0 $0x4;
	_ =	swait.ge [sflag:s23], $0x2000  }
0x135: {  	s0 =	simm.s32 $0x80;
	[sflag:s23] =	ssyncset.done $0x0;
	s13 =	rddreg [dreg:$0xb]  }
0x136: {  	s3 =	sadd.s32 $0x400, s26;
	[sflag:s23] =	ssyncadd.s32 $0xFFFFE000;
	s7 =	smov.u32 s13  }
0x137: {  	[tilespmem:s28], [sflag:$0x4] =	stream.indirect.gather @!p0 [spmem:s2], $0x10, s30, s29, $0xb8;
	[tilespmem:$0x13980] =	vst v63  }
.LBB2_15:
0x138: {  	_ =	swait.ge @!p0 [sflag:s31], $0x800  }
0x139: {  	s7 =	sadd.s32 $0x100, s7;
	s12 =	smov.u32 s0;
	s0 =	sadd.s32 $0x80, s0  }
0x13a: {  	p2 =	sne.s32 s0, $0x280;
	[sflag:s31] =	ssyncset.done @!p0 $0x0  }
0x13b: {  	s10 =	simm.s32 @!p0 $0x0;
	s9 =	simm.s32 @!p0 $0x3;
	[sflag:s31] =	ssyncadd.s32 @!p0 $0xFFFFF800  }
0x13c: {  	[hbm4b:s13+s10] =	stream.linear.scatter @!p0 [tilespmem:s28], [sflag:$0x3], $0x800, $0x38;
	[tilespmem:$0x13980] =	vst v63  }
0x13d: {  	s13 =	smov.u32 s7;
	_ =	swait.ge @!p0 [sflag:s9], $0x800  }
0x13e: {  	s12 =	sadd.s32 s12, s5;
	[sflag:s9] =	ssyncset.done @!p0 $0x0  }
0x13f: {  	v3 =	vor.u32 s12, v2;
	s11 =	sadd.s32 $0x10, s12;
	s14 =	sadd.s32 $0x20, s12;
	[sflag:s9] =	ssyncadd.s32 @!p0 $0xFFFFF800  }
0x140: {  	s8 =	sadd.s32 $0x70, s12;
	v4 =	vor.u32 s14, v2;
	s14 =	sadd.s32 $0x50, s12;
	[tilespmem:$0x100] =	vst v3;
	v3 =	vor.u32 s11, v2;
	s11 =	sadd.s32 $0x40, s12  }
0x141: {  	s26 =	sadd.s32 $0x30, s12;
	v6 =	vor.u32 s8, v2;
	v5 =	vor.u32 s14, v2;
	[tilespmem:$0x110] =	vst v3;
	v3 =	vor.u32 s11, v2;
	s11 =	sadd.s32 $0x60, s12  }
0x142: {  	v7 =	vor.u32 s26, v2;
	v8 =	vor.u32 s11, v2;
	[tilespmem:$0x170] =	vst v6  }
0x143: {  	[tilespmem:$0x120] =	vst v4  }
0x144: {  	[tilespmem:$0x150] =	vst v5  }
0x145: {  	[tilespmem:$0x140] =	vst v3  }
0x146: {  	[tilespmem:$0x130] =	vst v7  }
0x147: {  	[tilespmem:$0x160] =	vst v8  }
0x148: {  	[tilespmem:s17], [sflag:$0x4] =	stream.indirect.gather [spmem:s1], $0x40, s16, s15, $0xb8;
	[tilespmem:$0x13980] =	vst v63  }
0x149: {  	_ =	swait.ge [sflag:s23], $0x2000  }
0x14a: {  	[sflag:s23] =	ssyncset.done $0x0  }
0x14b: {  	[sflag:s23] =	ssyncadd.s32 $0xFFFFE000  }
0x14c: {  	[hbm4b:s3+s4] =	stream.linear.scatter [tilespmem:s17], [sflag:$0x4], $0x2000, $0x38;
	[tilespmem:$0x13980] =	vst v63  }
.Ltmp7:
0x14d: {  	_ = 	snop;
	(pc) =	sbr.rel @p2 .LBB2_15-.Ltmp7, $4  }
0x14e: {  	s3 =	sadd.s32 $0x400, s3;
	_ =	swait.ge [sflag:s23], $0x2000  }
0x14f: {  	[sflag:s23] =	ssyncset.done $0x0  }
0x150: {  	[sflag:s23] =	ssyncadd.s32 $0xFFFFE000  }
0x151: {  	[tilespmem:s28], [sflag:$0x4] =	stream.indirect.gather @!p0 [spmem:s2], $0x10, s30, s29, $0xb8;
	[tilespmem:$0x13980] =	vst v63  }
0x152: {  	_ =	swait.ge @!p0 [sflag:s31], $0x800  }
0x153: {  	[sflag:s31] =	ssyncset.done @!p0 $0x0  }
0x154: {  	[sflag:s31] =	ssyncadd.s32 @!p0 $0xFFFFF800  }
0x155: {  	[hbm4b:s13+s10] =	stream.linear.scatter @!p0 [tilespmem:s28], [sflag:$0x3], $0x800, $0x38;
	[tilespmem:$0x13980] =	vst v63  }
0x156: {  	_ =	swait.ge @!p0 [sflag:s9], $0x800  }
0x157: {  	s3 =	rddreg [dreg:$0xd]  }
0x158: {  	s0 =	rddreg [dreg:$0x7];
	s3 =	sadd.s32 $0x1, s3  }
0x159: {  	p2 =	sne.s32 s3, s0  }
.Ltmp8:
0x15a: {  	_ = 	snop;
	(pc) =	sbr.rel @p2 .LBB2_1-.Ltmp8, $3  }
0x15b: {  	_ =	sdelay $0x1  }
0x15c: {  	[sflag:s9] =	ssyncset.done @!p0 $0x0  }
0x15d: {  	[sflag:s9] =	ssyncadd.s32 @!p0 $0xFFFFF800  }
0x15e: {  	_ =	sfence.sel $0x180000  }
0x15f: {  	[bflag:$0x0] =	sbarrier.arrive $0xFFFF  }
0x160: {  	_ =	strace $0x9000004A  }
0x161: {  	s0 =	stileid.u32;
	[bflag:$0x2] =	sbarrier.arrive $0xFFFF  }
0x162: {  	p0 =	sne.s32 s0, $0x0;
	s0 =	rddreg [dreg:$0x4]  }
0x163: {  	s0 =	sadd.s32 @!p0 $0x100000, s0  }
0x164: {  	[sflag:s0] =	ssyncadd.tile.s32 @!p0 $0x1;
	_ =	shalt  }
.Lfunc_end2:
_tile_overlayer_lowered:
.L_overlay_start_2:
0x165: {  	(tag) =	ssettag $0x2  }
0x166: {  	s0 =	rddreg [dreg:$0x0];
	s2 =	stileid.u32  }
0x167: {  	s1 =	rddreg [dreg:$0x1];
	p0 =	sne.s32 s2, $0x0  }
0x168: {  	s3 =	rddreg [dreg:$0x2];
	[bflag:$0x3] =	sbarrier.arrive $0xFFFF;
	s2 =	simm.s32 @!p0 $0x1C03  }
0x169: {  	[timem:s3], [sflag:s2] =	dma.local @!p0 [hbm:s0], s1  }
0x16a: {  	s0 =	simm.s32 @!p0 $0x3  }
0x16b: {  	_ =	swait.ge @!p0 [sflag:s0], s1  }
0x16c: {  	s1 =	ssub.s32 @!p0 $0x0, s1;
	[sflag:s0] =	ssyncset.done @!p0 $0x0  }
0x16d: {  	[sflag:s0] =	ssyncadd.s32 @!p0 s1  }
0x16e: {  	[bflag:$0x3] =	sbarrier.arrive $0xFFFF  }
0x16f: {  	_ =	shalt  }

</sc_bundles>
